<compile_context>
chip_gen: v7x
topology: tpu7x:2x2x1
jax: 0.10.2.dev20260603
libtpu: 0.0.44.dev20260713+nightly
codegen_flags: <defaults>
</compile_context>

<pallas_src>
import functools

import jax
import jax.numpy as jnp
from jax import lax
from jax.experimental import pallas as pl
from jax.experimental.pallas import tpu as pltpu
from jax.experimental.pallas import tpu_sc as plsc

N = 10000
NPAD = 10240
E = 160000
EPAD = 163840
EROWS = EPAD // 128
HID = 512
NCHUNK = 4
CW = 128
BLK = 1000
GRID = N // BLK


def _gumbel_mask(concrete, temp, hard_):
    u = jax.random.uniform(jax.random.key(42), concrete.shape,
                           minval=1e-10, maxval=1.0)
    g = -jnp.log(-jnp.log(u))
    tau = jnp.asarray(temp, concrete.dtype)
    y_soft = jax.nn.softmax((concrete + g) / tau, axis=-1)
    idx = jnp.argmax(y_soft, axis=-1)
    y_hard = jax.nn.one_hot(idx, concrete.shape[-1], dtype=y_soft.dtype)
    y_st = y_hard - lax.stop_gradient(y_soft) + y_soft
    y = jnp.where(jnp.asarray(hard_) != 0, y_st, y_soft)
    return jnp.clip(jnp.sum(y, axis=0), 0.0, 1.0)



def _sc_degree_call(packed, ones_c, zeros_c):
    mesh = plsc.VectorSubcoreMesh(core_axis_name="c", subcore_axis_name="s")

    @functools.partial(
        pl.kernel, mesh=mesh,
        out_type=jax.ShapeDtypeStruct((2 * NPAD, CW), jnp.float32),
        scratch_types=[
            pltpu.VMEM((5120,), jnp.int32),
            pltpu.VMEM((40, 128), jnp.int32),
            pltpu.VMEM((128, CW), jnp.float32),
            pltpu.VMEM_SHARED((NPAD, CW), jnp.float32),
            pltpu.SemaphoreType.DMA,
        ])
    def k(pck_hbm, ones_hbm, zeros_hbm, degp_hbm, pckv, dstv, ov, acc, sem):
        c = lax.axis_index("c")
        s = lax.axis_index("s")
        pltpu.sync_copy(ones_hbm, ov)
        pltpu.sync_copy(pck_hbm.at[pl.ds((c * 16 + s) * 5120, 5120)], pckv)

        def ubody(i, carry):
            v = pckv[pl.ds(i * 16, 16)]
            dstv[i // 8, pl.ds((i % 8) * 16, 16)] = (
                lax.shift_right_logical(v, 16))
            return carry
        lax.fori_loop(0, 320, ubody, 0)

        def zbody(j, carry):
            pltpu.sync_copy(zeros_hbm,
                            acc.at[pl.ds(s * 640 + j * 128, 128)])
            return carry
        lax.fori_loop(0, 5, zbody, 0)
        plsc.subcore_barrier()

        def body(b, carry):
            pltpu.sync_copy(ov, acc.at[dstv.at[b]], add=True)
            return carry
        lax.fori_loop(0, 40, body, 0)
        plsc.subcore_barrier()
        pltpu.sync_copy(acc.at[pl.ds(s * 640, 640)],
                        degp_hbm.at[pl.ds(c * NPAD + s * 640, 640)])

    return k(packed, ones_c, zeros_c)


def _sc_scatter_call(p_flat, packed, zeros_c):
    mesh = plsc.VectorSubcoreMesh(core_axis_name="c", subcore_axis_name="s")

    @functools.partial(
        pl.kernel, mesh=mesh,
        out_type=jax.ShapeDtypeStruct((NCHUNK * NPAD, CW), jnp.float32),
        scratch_types=[
            pltpu.VMEM((10240,), jnp.int32),
            pltpu.VMEM((80,), jnp.int32),
            pltpu.VMEM((80,), jnp.int32),
            pltpu.VMEM((80,), jnp.int32),
            pltpu.VMEM((80,), jnp.int32),
            pltpu.VMEM((80, CW), jnp.float32),
            pltpu.VMEM((80, CW), jnp.float32),
            pltpu.VMEM((80, CW), jnp.float32),
            pltpu.SemaphoreType.DMA,
            pltpu.SemaphoreType.DMA,
            pltpu.SemaphoreType.DMA,
            pltpu.VMEM_SHARED((NPAD, CW), jnp.float32),
        ])
    def k(pck_hbm, p_hbm, zeros_hbm, seg_hbm,
          pckv, idx0, idx1, idx2, dstb, rows0, rows1, rows2,
          g0, g1, g2, acc):
        c = lax.axis_index("c")
        s = lax.axis_index("s")
        pltpu.sync_copy(pck_hbm.at[pl.ds(s * 10240, 10240)], pckv)
        idxs = (idx0, idx1, idx2)
        rows = (rows0, rows1, rows2)
        gs = (g0, g1, g2)

        def gidx(dst_ref, b, off):
            for kk in range(5):
                v = pckv[pl.ds(b * 80 + kk * 16, 16)]
                dst_ref[pl.ds(kk * 16, 16)] = (
                    jnp.bitwise_and(v, 0xFFFF) + off)

        def didx(b):
            for kk in range(5):
                v = pckv[pl.ds(b * 80 + kk * 16, 16)]
                dstb[pl.ds(kk * 16, 16)] = lax.shift_right_logical(v, 16)

        def chunk_body(lc, carry):
            chunk = 2 * c + lc
            off = chunk * N

            def zbody(j, cy):
                pltpu.sync_copy(zeros_hbm,
                                acc.at[pl.ds(s * 640 + j * 128, 128)])
                return cy
            lax.fori_loop(0, 5, zbody, 0)
            plsc.subcore_barrier()

            gidx(idx0, 0, off)
            pltpu.async_copy(p_hbm.at[idx0], rows0, g0)
            gidx(idx1, 1, off)
            pltpu.async_copy(p_hbm.at[idx1], rows1, g1)

            def tri(t, cy):
                b0i = 3 * t
                for j in range(3):
                    b = b0i + j
                    nb = b + 2
                    cur = j % 3
                    nxt = (j + 2) % 3

                    @pl.when(nb < 128)
                    def _():
                        gidx(idxs[nxt], nb, off)
                        pltpu.async_copy(p_hbm.at[idxs[nxt]], rows[nxt],
                                         gs[nxt])

                    @pl.when(b < 128)
                    def _():
                        pltpu.make_async_copy(p_hbm.at[idxs[cur]], rows[cur],
                                              gs[cur]).wait()
                        didx(b)
                        pltpu.sync_copy(rows[cur], acc.at[dstb], add=True)
                return cy
            lax.fori_loop(0, 43, tri, 0)
            plsc.subcore_barrier()
            pltpu.sync_copy(acc.at[pl.ds(s * 640, 640)],
                            seg_hbm.at[pl.ds(chunk * NPAD + s * 640, 640)])
            plsc.subcore_barrier()
            return carry
        lax.fori_loop(0, 2, chunk_body, 0)

    return k(packed, p_flat, zeros_c)



def _cat(ref):
    v = ref[...]
    return jnp.concatenate([v[i] for i in range(NCHUNK)], axis=-1)


def _layernorm(t, g, b):
    mu = jnp.mean(t, axis=-1, keepdims=True)
    var = jnp.mean((t - mu) ** 2, axis=-1, keepdims=True)
    return (t - mu) / jnp.sqrt(var + 1e-5) * g + b


def _dot(a, b):
    return jnp.dot(a, b, preferred_element_type=jnp.float32)


def _k1_body(x_ref, mask_ref, degp_ref, xyz_ref, Win_ref, bin_ref, Wg0_ref,
             Wres_ref, bres_ref, Wxyz_ref, bxyz_ref,
             h0_ref, p0_ref, dis_ref, r_ref):
    xm = x_ref[...] * mask_ref[...]
    h0 = _dot(xm, Win_ref[...]) + bin_ref[...]
    dp = degp_ref[...]
    deg = dp[0][:, :1] + dp[1][:, :1] + 1.0
    dis = 1.0 / jnp.sqrt(deg)
    p0 = dis * _dot(h0, Wg0_ref[...])
    r = (_dot(xm, Wres_ref[...]) + bres_ref[...]
         + _dot(xyz_ref[...], Wxyz_ref[...]) + bxyz_ref[...])
    h0_ref[...] = h0
    for ci in range(NCHUNK):
        p0_ref[ci] = p0[:, ci * CW:(ci + 1) * CW]
    dis_ref[...] = jnp.broadcast_to(dis, (BLK, 128))
    r_ref[...] = r


def _k2_body(seg_ref, p_ref, h_ref, dis_ref, bg_ref, Wl_ref, bl_ref,
             lg_ref, lb_ref, Wg1_ref, h1_ref, p1_ref):
    dis = dis_ref[...][:, :1]
    conv = dis * (_cat(seg_ref) + _cat(p_ref)) + bg_ref[...]
    t = conv + _dot(h_ref[...], Wl_ref[...]) + bl_ref[...]
    h1 = jnp.maximum(_layernorm(t, lg_ref[...], lb_ref[...]), 0.0)
    h1_ref[...] = h1
    q = dis * _dot(h1, Wg1_ref[...])
    for ci in range(NCHUNK):
        p1_ref[ci] = q[:, ci * CW:(ci + 1) * CW]


def _k3_body(seg_ref, p_ref, h_ref, dis_ref, bg_ref, Wl_ref, bl_ref,
             lg_ref, lb_ref, Wp_ref, bp_ref, r_ref, out_ref):
    dis = dis_ref[...][:, :1]
    conv = dis * (_cat(seg_ref) + _cat(p_ref)) + bg_ref[...]
    t = conv + _dot(h_ref[...], Wl_ref[...]) + bl_ref[...]
    h2 = jnp.maximum(_layernorm(t, lg_ref[...], lb_ref[...]), 0.0)
    xf = h_ref[...] + h2
    out_ref[...] = _dot(xf, Wp_ref[...]) + bp_ref[...] + r_ref[...]


def _row_spec(cols):
    return pl.BlockSpec((BLK, cols), lambda i: (i, 0))


def _full_spec(shape):
    nd = len(shape)
    return pl.BlockSpec(shape, lambda i, _n=nd: (0,) * _n)


def _cm_spec():
    return pl.BlockSpec((NCHUNK, BLK, CW), lambda i: (0, i, 0))



def kernel(x, edge_index, xyz, temp, hard_, concrete, W_in, b_in, Wg0, bg0,
           Wl0, bl0, ln_g0, ln_b0, Wg1, bg1, Wl1, bl1, ln_g1, ln_b1, Wp, bp,
           Wres, bres, Wxyz, bxyz):
    f32 = jnp.float32
    mask = _gumbel_mask(concrete, temp, hard_)[None, :]

    src = edge_index[0]
    dst = edge_index[1]
    pad = EPAD - E
    srcp = jnp.concatenate([src, jnp.zeros((pad,), jnp.int32)])
    dstp = jnp.concatenate([dst, jnp.full((pad,), N, jnp.int32)])
    packed = jnp.bitwise_or(srcp, dstp << 16)

    zeros_c = jnp.zeros((128, CW), f32)
    ones_c = jnp.ones((128, CW), f32)
    xyzp = jnp.pad(xyz, ((0, 0), (0, 126)))
    Wxyzp = jnp.pad(Wxyz, ((0, 126), (0, 0)))

    b_in2 = b_in[None, :]
    bg0_2, bl0_2, lg0_2, lb0_2 = (v[None, :] for v in (bg0, bl0, ln_g0, ln_b0))
    bg1_2, bl1_2, lg1_2, lb1_2 = (v[None, :] for v in (bg1, bl1, ln_g1, ln_b1))
    bp2, bres2, bxyz2 = bp[None, :], bres[None, :], bxyz[None, :]

    degp = _sc_degree_call(packed, ones_c, zeros_c).reshape(2, NPAD, CW)

    h0, p0, dis, r = pl.pallas_call(
        _k1_body,
        grid=(GRID,),
        in_specs=[
            _row_spec(256), _full_spec((1, 256)),
            pl.BlockSpec((2, BLK, CW), lambda i: (0, i, 0)),
            _row_spec(128),
            _full_spec((256, HID)), _full_spec((1, HID)),
            _full_spec((HID, HID)),
            _full_spec((256, 256)), _full_spec((1, 256)),
            _full_spec((128, 256)), _full_spec((1, 256)),
        ],
        out_specs=[_row_spec(HID), _cm_spec(), _row_spec(128), _row_spec(256)],
        out_shape=[
            jax.ShapeDtypeStruct((N, HID), f32),
            jax.ShapeDtypeStruct((NCHUNK, N, CW), f32),
            jax.ShapeDtypeStruct((N, 128), f32),
            jax.ShapeDtypeStruct((N, 256), f32),
        ],
    )(x, mask, degp, xyzp, W_in, b_in2, Wg0, Wres, bres2, Wxyzp, bxyz2)

    seg0 = _sc_scatter_call(p0.reshape(NCHUNK * N, CW), packed,
                            zeros_c).reshape(NCHUNK, NPAD, CW)

    h1, p1 = pl.pallas_call(
        _k2_body,
        grid=(GRID,),
        in_specs=[
            _cm_spec(),
            _cm_spec(), _row_spec(HID), _row_spec(128),
            _full_spec((1, HID)), _full_spec((HID, HID)), _full_spec((1, HID)),
            _full_spec((1, HID)), _full_spec((1, HID)),
            _full_spec((HID, HID)),
        ],
        out_specs=[_row_spec(HID), _cm_spec()],
        out_shape=[
            jax.ShapeDtypeStruct((N, HID), f32),
            jax.ShapeDtypeStruct((NCHUNK, N, CW), f32),
        ],
    )(seg0, p0, h0, dis, bg0_2, Wl0, bl0_2, lg0_2, lb0_2, Wg1)

    seg1 = _sc_scatter_call(p1.reshape(NCHUNK * N, CW), packed,
                            zeros_c).reshape(NCHUNK, NPAD, CW)

    out = pl.pallas_call(
        _k3_body,
        grid=(GRID,),
        in_specs=[
            _cm_spec(),
            _cm_spec(), _row_spec(HID), _row_spec(128),
            _full_spec((1, HID)), _full_spec((HID, HID)), _full_spec((1, HID)),
            _full_spec((1, HID)), _full_spec((1, HID)),
            _full_spec((HID, 256)), _full_spec((1, 256)),
            _row_spec(256),
        ],
        out_specs=_row_spec(256),
        out_shape=jax.ShapeDtypeStruct((N, 256), f32),
    )(seg1, p1, h1, dis, bg1_2, Wl1, bl1_2, lg1_2, lb1_2, Wp, bp2, r)

    return out

# --- scband reference (transcript-rebuilt; emitter-appended) ---
"""Pipeline reference for scband-mpnn-conc-49143015801264 (READ-ONLY COPY).

The authoritative reference and input builder live on the scoring server;
editing this copy changes nothing except your own understanding.
"""

import jax, jax.numpy as jnp
import numpy as np

N = 10000
E = 160000
IN_C = 256
HID = 512
OUT_C = 256
N_MASK = 32

def _linear(x, W, b):
    return x @ W + b

def _layernorm(x, g, b, eps=1e-05):
    mu = jnp.mean(x, axis=-1, keepdims=True)
    var = jnp.var(x, axis=-1, keepdims=True)
    return (x - mu) / jnp.sqrt(var + eps) * g + b

def _gcn_conv(x, src, dst, W, b, n):
    h = x @ W
    deg = jax.ops.segment_sum(jnp.ones(src.shape[0], h.dtype), dst, num_segments=n)
    dis = jnp.where(deg > 0, 1.0 / jnp.sqrt(deg), 0.0)
    norm = dis[src] * dis[dst]
    out = jax.ops.segment_sum(h[src] * norm[:, None], dst, num_segments=n)
    return out + b

def _gumbel_softmax(key, logits, tau, hard):
    u = jax.random.uniform(key, logits.shape, minval=1e-10, maxval=1.0)
    g = -jnp.log(-jnp.log(u))
    tau = jnp.asarray(tau, logits.dtype)
    y_soft = jax.nn.softmax((logits + g) / tau, axis=-1)
    idx = jnp.argmax(y_soft, axis=-1)
    y_hard = jax.nn.one_hot(idx, logits.shape[-1], dtype=y_soft.dtype)
    y_st = y_hard - jax.lax.stop_gradient(y_soft) + y_soft
    return jnp.where(jnp.asarray(hard) != 0, y_st, y_soft)

def _forward(x, xyz, concrete, W_in, b_in, Wg0, bg0, Wl0, bl0, ln_g0, ln_b0, Wg1, bg1, Wl1, bl1, ln_g1, ln_b1, Wp, bp, Wres, bres, Wxyz, bxyz, edge_index, temp, hard_):
    n = x.shape[0]
    loop = jnp.arange(n, dtype=edge_index.dtype)
    src = jnp.concatenate([edge_index[0], loop])
    dst = jnp.concatenate([edge_index[1], loop])
    mask = _gumbel_softmax(jax.random.key(42), concrete, temp, hard_)
    mask = jnp.clip(jnp.sum(mask, axis=0), 0.0, 1.0)
    xm = mask * x
    x_to_add = _linear(xm, Wres, bres)
    xyz_o = _linear(xyz, Wxyz, bxyz)
    h = _linear(xm, W_in, b_in)
    x_final = jnp.zeros((n, Wg0.shape[1]), x.dtype)
    for Wg, bg, Wl, bl, lg, lb in ((Wg0, bg0, Wl0, bl0, ln_g0, ln_b0), (Wg1, bg1, Wl1, bl1, ln_g1, ln_b1)):
        h = _gcn_conv(h, src, dst, Wg, bg, n) + _linear(h, Wl, bl)
        h = _layernorm(h, lg, lb)
        h = jax.nn.relu(h)
        x_final = x_final + h
    return _linear(x_final, Wp, bp) + x_to_add + xyz_o

def setup_inputs(seed: int = 0):
    key = jax.random.key(seed)
    ks = [jax.random.fold_in(key, i) for i in range(40)]
    s = 0.05
    inp = {}
    inp["x"] = jax.random.normal(ks[0], (N, IN_C), dtype=jnp.float32)
    inp["edge_index"] = jax.random.randint(ks[1], (2, E), 0, N, dtype=jnp.int32)
    inp["xyz"] = jax.random.normal(ks[2], (N, 2), dtype=jnp.float32)
    inp["temp"] = 1
    inp["hard_"] = 1
    inp["concrete"] = jax.random.normal(ks[3], (N_MASK, IN_C), dtype=jnp.float32)
    inp["W_in"] = jax.random.normal(ks[4], (IN_C, HID), dtype=jnp.float32) * s
    inp["b_in"] = jnp.zeros((HID,), jnp.float32)
    inp["Wg0"] = jax.random.normal(ks[5], (HID, HID), dtype=jnp.float32) * s
    inp["bg0"] = jnp.zeros((HID,), jnp.float32)
    inp["Wl0"] = jax.random.normal(ks[6], (HID, HID), dtype=jnp.float32) * s
    inp["bl0"] = jnp.zeros((HID,), jnp.float32)
    inp["ln_g0"] = jnp.ones((HID,), jnp.float32)
    inp["ln_b0"] = jnp.zeros((HID,), jnp.float32)
    inp["Wg1"] = jax.random.normal(ks[7], (HID, HID), dtype=jnp.float32) * s
    inp["bg1"] = jnp.zeros((HID,), jnp.float32)
    inp["Wl1"] = jax.random.normal(ks[8], (HID, HID), dtype=jnp.float32) * s
    inp["bl1"] = jnp.zeros((HID,), jnp.float32)
    inp["ln_g1"] = jnp.ones((HID,), jnp.float32)
    inp["ln_b1"] = jnp.zeros((HID,), jnp.float32)
    inp["Wp"] = jax.random.normal(ks[9], (HID, OUT_C), dtype=jnp.float32) * s
    inp["bp"] = jnp.zeros((OUT_C,), jnp.float32)
    inp["Wres"] = jax.random.normal(ks[10], (IN_C, OUT_C), dtype=jnp.float32) * s
    inp["bres"] = jnp.zeros((OUT_C,), jnp.float32)
    inp["Wxyz"] = jax.random.normal(ks[11], (2, OUT_C), dtype=jnp.float32) * s
    inp["bxyz"] = jnp.zeros((OUT_C,), jnp.float32)
    return inp

def reference(x, edge_index, xyz, temp, hard_, concrete, W_in, b_in, Wg0, bg0, Wl0, bl0, ln_g0, ln_b0, Wg1, bg1, Wl1, bl1, ln_g1, ln_b1, Wp, bp, Wres, bres, Wxyz, bxyz):
    return _forward(x, xyz, concrete, W_in, b_in, Wg0, bg0, Wl0, bl0, ln_g0, ln_b0, Wg1, bg1, Wl1, bl1, ln_g1, ln_b1, Wp, bp, Wres, bres, Wxyz, bxyz, edge_index, temp, hard_)

if __name__ == "__main__":
    import jax
    _d = setup_inputs()
    print(jax.jit(kernel)(*tuple(_d.values())))

</pallas_src>

<mosaic_0001>
#map = affine_map<(d0, d1) -> (0)>
#map1 = affine_map<(d0, d1) -> (0, 0)>
module attributes {stable_mosaic.version = 14 : i64} {
  func.func @k(%arg0: i32, %arg1: i32, %arg2: memref<163840xi32, #tpu.memory_space<hbm>>, %arg3: memref<128x128xf32, #tpu.memory_space<hbm>>, %arg4: memref<128x128xf32, #tpu.memory_space<hbm>>, %arg5: memref<20480x128xf32, #tpu.memory_space<hbm>>, %arg6: memref<5120xi32, #tpu.memory_space<vmem>>, %arg7: memref<40x128xi32, #tpu.memory_space<vmem>>, %arg8: memref<128x128xf32, #tpu.memory_space<vmem>>, %arg9: memref<10240x128xf32, #tpu.memory_space<vmem_shared>>, %arg10: memref<!tpu.dma_semaphore, #tpu.memory_space<semaphore_mem>>) attributes {dimension_semantics = [#tpu.dimension_semantics<core_parallel>, #tpu.dimension_semantics<subcore_parallel>], iteration_bounds = array<i64: 2, 16>, scalar_prefetch = 0 : i64, scratch_operands = 5 : i64, tpu.core_type = #tpu.core_type<sc_vector_subcore>, window_params = [{transform_indices = #map}, {transform_indices = #map1}, {transform_indices = #map1}, {transform_indices = #map1}]} {
    "tpu.region"() ({
      %run_scoped3A = tpu.sem_alloc : memref<!tpu.dma_semaphore, #tpu.memory_space<semaphore_mem>>
      tpu.enqueue_dma source(%arg3 : memref<128x128xf32, #tpu.memory_space<hbm>>) target(%arg8 : memref<128x128xf32, #tpu.memory_space<vmem>>) target_semaphore(%run_scoped3A : memref<!tpu.dma_semaphore, #tpu.memory_space<semaphore_mem>>)
      tpu.wait_dma2 semaphore(%run_scoped3A : memref<!tpu.dma_semaphore, #tpu.memory_space<semaphore_mem>>) src(%arg3 : memref<128x128xf32, #tpu.memory_space<hbm>>) dst(%arg8 : memref<128x128xf32, #tpu.memory_space<vmem>>)
      tpu.yield
    }) : () -> ()
    %mul3A = arith.constant 16 : i32
    %mul3A_0 = arith.muli %arg0, %mul3A : i32
    %add3A = arith.addi %mul3A_0, %arg1 : i32
    %mul3A_1 = arith.constant 5120 : i32
    %mul3A_2 = arith.muli %add3A, %mul3A_1 : i32
    "tpu.region"() ({
      %run_scoped3A = tpu.sem_alloc : memref<!tpu.dma_semaphore, #tpu.memory_space<semaphore_mem>>
      %dma_start3A = tpu.memref_slice %arg2[%mul3A_2] : memref<163840xi32, #tpu.memory_space<hbm>> -> memref<5120xi32, #tpu.memory_space<hbm>>
      %dma_start3A_28 = tpu.memref_slice %arg2[%mul3A_2] : memref<163840xi32, #tpu.memory_space<hbm>> -> memref<5120xi32, #tpu.memory_space<hbm>>
      tpu.enqueue_dma source(%dma_start3A_28 : memref<5120xi32, #tpu.memory_space<hbm>>) target(%arg6 : memref<5120xi32, #tpu.memory_space<vmem>>) target_semaphore(%run_scoped3A : memref<!tpu.dma_semaphore, #tpu.memory_space<semaphore_mem>>)
      %dma_wait3A = tpu.memref_slice %arg2[%mul3A_2] : memref<163840xi32, #tpu.memory_space<hbm>> -> memref<5120xi32, #tpu.memory_space<hbm>>
      %dma_wait3A_29 = tpu.memref_slice %arg2[%mul3A_2] : memref<163840xi32, #tpu.memory_space<hbm>> -> memref<5120xi32, #tpu.memory_space<hbm>>
      tpu.wait_dma2 semaphore(%run_scoped3A : memref<!tpu.dma_semaphore, #tpu.memory_space<semaphore_mem>>) src(%dma_wait3A_29 : memref<5120xi32, #tpu.memory_space<hbm>>) dst(%arg6 : memref<5120xi32, #tpu.memory_space<vmem>>)
      tpu.yield
    }) : () -> ()
    %scan3A = arith.constant 0 : i32
    %scan3A_3 = arith.constant 0 : i32
    %scan3A_4 = arith.constant 320 : i32
    %scan3A_5 = arith.addi %scan3A_3, %scan3A_4 : i32
    %scan3A_6 = arith.constant 1 : i32
    scf.for %scan3A_28 = %scan3A_3 to %scan3A_5 step %scan3A_6  : i32 {
      %mul3A_29 = arith.constant 16 : i32
      %mul3A_30 = arith.muli %scan3A_28, %mul3A_29 : i32
      %get3A = arith.index_cast %mul3A_30 : i32 to index
      %get3A_31 = tpu.vector_load %arg6[%get3A] {strides = array<i32>} : memref<5120xi32, #tpu.memory_space<vmem>>, vector<16xi32>,
      %get3A_32 = vector.shape_cast %get3A_31 : vector<16xi32> to vector<16xi32>
      %shift_right_logical3A = arith.constant 16 : i32
      %shift_right_logical3A_33 = vector.broadcast %shift_right_logical3A : i32 to vector<16xi32>
      %shift_right_logical3A_34 = arith.shrui %get3A_32, %shift_right_logical3A_33 : vector<16xi32>
      %jit3A = arith.constant 8 : i32
      %div3A = arith.divsi %scan3A_28, %jit3A : i32
      %sign3A = arith.constant 0 : i32
      %sign3A_35 = arith.cmpi sgt, %scan3A_28, %sign3A : i32
      %sign3A_36 = arith.extui %sign3A_35 : i1 to i32
      %sign3A_37 = arith.constant 0 : i32
      %sign3A_38 = arith.cmpi slt, %scan3A_28, %sign3A_37 : i32
      %sign3A_39 = arith.extui %sign3A_38 : i1 to i32
      %sign3A_40 = arith.subi %sign3A_36, %sign3A_39 : i32
      %sign3A_41 = arith.constant 0 : i32
      %sign3A_42 = arith.cmpi sgt, %jit3A, %sign3A_41 : i32
      %sign3A_43 = arith.extui %sign3A_42 : i1 to i32
      %sign3A_44 = arith.constant 0 : i32
      %sign3A_45 = arith.cmpi slt, %jit3A, %sign3A_44 : i32
      %sign3A_46 = arith.extui %sign3A_45 : i1 to i32
      %sign3A_47 = arith.subi %sign3A_43, %sign3A_46 : i32
      %ne3A = arith.cmpi ne, %sign3A_40, %sign3A_47 : i32
      %rem3A = arith.remsi %scan3A_28, %jit3A : i32
      %ne3A_48 = arith.constant 0 : i32
      %ne3A_49 = arith.cmpi ne, %rem3A, %ne3A_48 : i32
      %and3A = arith.andi %ne3A, %ne3A_49 : i1
      %sub3A = arith.constant 1 : i32
      %sub3A_50 = arith.subi %div3A, %sub3A : i32
      %select_n3A = arith.select %and3A, %sub3A_50, %div3A : i32
      %jit3A_51 = arith.constant 8 : i32
      %eq3A = arith.constant 0 : i32
      %eq3A_52 = arith.cmpi eq, %jit3A_51, %eq3A : i32
      %jit3A_53 = arith.constant 1 : i32
      %select_n3A_54 = arith.select %eq3A_52, %jit3A_53, %jit3A_51 : i32
      %rem3A_55 = arith.remsi %scan3A_28, %select_n3A_54 : i32
      %ne3A_56 = arith.constant 0 : i32
      %ne3A_57 = arith.cmpi ne, %rem3A_55, %ne3A_56 : i32
      %lt3A = arith.constant 0 : i32
      %lt3A_58 = arith.cmpi slt, %rem3A_55, %lt3A : i32
      %lt3A_59 = arith.constant 0 : i32
      %lt3A_60 = arith.cmpi slt, %select_n3A_54, %lt3A_59 : i32
      %ne3A_61 = arith.xori %lt3A_58, %lt3A_60 : i1
      %and3A_62 = arith.andi %ne3A_61, %ne3A_57 : i1
      %add3A_63 = arith.addi %rem3A_55, %select_n3A_54 : i32
      %select_n3A_64 = arith.select %and3A_62, %add3A_63, %rem3A_55 : i32
      %mul3A_65 = arith.constant 16 : i32
      %mul3A_66 = arith.muli %select_n3A_64, %mul3A_65 : i32
      %swap3A = arith.index_cast %select_n3A : i32 to index
      %swap3A_67 = arith.index_cast %mul3A_66 : i32 to index
      %swap3A_68 = tpu.vector_load %arg7[%swap3A, %swap3A_67] {strides = array<i32>} : memref<40x128xi32, #tpu.memory_space<vmem>>, vector<1x16xi32>,
      %swap3A_69 = vector.shape_cast %swap3A_68 : vector<1x16xi32> to vector<16xi32>
      %swap3A_70 = vector.shape_cast %shift_right_logical3A_34 : vector<16xi32> to vector<1x16xi32>
      tpu.vector_store %arg7[%swap3A, %swap3A_67], %swap3A_70 {strides = array<i32>} : memref<40x128xi32, #tpu.memory_space<vmem>>, vector<1x16xi32>,
    }
    %scan3A_7 = arith.constant 320 : i32
    %scan3A_8 = arith.constant 0 : i32
    %scan3A_9 = arith.constant 0 : i32
    %scan3A_10 = arith.constant 5 : i32
    %scan3A_11 = arith.addi %scan3A_9, %scan3A_10 : i32
    %scan3A_12 = arith.constant 1 : i32
    scf.for %scan3A_28 = %scan3A_9 to %scan3A_11 step %scan3A_12  : i32 {
      %mul3A_29 = arith.constant 640 : i32
      %mul3A_30 = arith.muli %arg1, %mul3A_29 : i32
      %mul3A_31 = arith.constant 128 : i32
      %mul3A_32 = arith.muli %scan3A_28, %mul3A_31 : i32
      %add3A_33 = arith.addi %mul3A_30, %mul3A_32 : i32
      "tpu.region"() ({
        %run_scoped3A = tpu.sem_alloc : memref<!tpu.dma_semaphore, #tpu.memory_space<semaphore_mem>>
        %dma_start3A = arith.constant 0 : i32
        %dma_start3A_34 = tpu.memref_slice %arg9[%add3A_33, %dma_start3A] : memref<10240x128xf32, #tpu.memory_space<vmem_shared>> -> memref<128x128xf32, #tpu.memory_space<vmem_shared>>
        tpu.enqueue_dma source(%arg4 : memref<128x128xf32, #tpu.memory_space<hbm>>) target(%dma_start3A_34 : memref<128x128xf32, #tpu.memory_space<vmem_shared>>) target_semaphore(%run_scoped3A : memref<!tpu.dma_semaphore, #tpu.memory_space<semaphore_mem>>)
        %dma_wait3A = arith.constant 0 : i32
        %dma_wait3A_35 = tpu.memref_slice %arg9[%add3A_33, %dma_wait3A] : memref<10240x128xf32, #tpu.memory_space<vmem_shared>> -> memref<128x128xf32, #tpu.memory_space<vmem_shared>>
        tpu.wait_dma2 semaphore(%run_scoped3A : memref<!tpu.dma_semaphore, #tpu.memory_space<semaphore_mem>>) src(%arg4 : memref<128x128xf32, #tpu.memory_space<hbm>>) dst(%dma_wait3A_35 : memref<128x128xf32, #tpu.memory_space<vmem_shared>>)
        tpu.yield
      }) : () -> ()
    }
    %scan3A_13 = arith.constant 5 : i32
    %barrier3A = arith.constant 0 : index
    tpu.barrier barrier_id(%barrier3A)
    %scan3A_14 = arith.constant 0 : i32
    %scan3A_15 = arith.constant 0 : i32
    %scan3A_16 = arith.constant 40 : i32
    %scan3A_17 = arith.addi %scan3A_15, %scan3A_16 : i32
    %scan3A_18 = arith.constant 1 : i32
    scf.for %scan3A_28 = %scan3A_15 to %scan3A_17 step %scan3A_18  : i32 {
      "tpu.region"() ({
        %run_scoped3A = tpu.sem_alloc : memref<!tpu.dma_semaphore, #tpu.memory_space<semaphore_mem>>
        %dma_start3A = arith.constant 0 : i32
        %dma_start3A_29 = tpu.memref_slice %arg7[%scan3A_28, %dma_start3A] : memref<40x128xi32, #tpu.memory_space<vmem>> -> memref<1x128xi32, #tpu.memory_space<vmem>>
        %dma_start3A_30 = tpu.memref_squeeze %dma_start3A_29 : memref<1x128xi32, #tpu.memory_space<vmem>> -> memref<128xi32, #tpu.memory_space<vmem>>
        %dma_start3A_31 = arith.constant 0 : i32
        %dma_start3A_32 = arith.constant 0 : i32
        %dma_start3A_33 = tpu.memref_slice %arg9[%dma_start3A_31, %dma_start3A_32] : memref<10240x128xf32, #tpu.memory_space<vmem_shared>> -> memref<10240x128xf32, #tpu.memory_space<vmem_shared>>
        tpu.enqueue_indirect_dma source(%arg8 : memref<128x128xf32, #tpu.memory_space<vmem>>) target(%dma_start3A_33 : memref<10240x128xf32, #tpu.memory_space<vmem_shared>>) offsets(%dma_start3A_30 : memref<128xi32, #tpu.memory_space<vmem>>) semaphore(%run_scoped3A : memref<!tpu.dma_semaphore, #tpu.memory_space<semaphore_mem>>) {add = true}
        %dma_wait3A = arith.constant 0 : i32
        %dma_wait3A_34 = tpu.memref_slice %arg7[%scan3A_28, %dma_wait3A] : memref<40x128xi32, #tpu.memory_space<vmem>> -> memref<1x128xi32, #tpu.memory_space<vmem>>
        %dma_wait3A_35 = tpu.memref_squeeze %dma_wait3A_34 : memref<1x128xi32, #tpu.memory_space<vmem>> -> memref<128xi32, #tpu.memory_space<vmem>>
        %dma_wait3A_36 = arith.constant 0 : i32
        %dma_wait3A_37 = arith.constant 0 : i32
        %dma_wait3A_38 = tpu.memref_slice %arg9[%dma_wait3A_36, %dma_wait3A_37] : memref<10240x128xf32, #tpu.memory_space<vmem_shared>> -> memref<10240x128xf32, #tpu.memory_space<vmem_shared>>
        tpu.wait_indirect_dma semaphore(%run_scoped3A : memref<!tpu.dma_semaphore, #tpu.memory_space<semaphore_mem>>) src(%arg8 : memref<128x128xf32, #tpu.memory_space<vmem>>) dst(%dma_wait3A_38 : memref<10240x128xf32, #tpu.memory_space<vmem_shared>>)
        tpu.yield
      }) : () -> ()
    }
    %scan3A_19 = arith.constant 40 : i32
    %barrier3A_20 = arith.constant 0 : index
    tpu.barrier barrier_id(%barrier3A_20)
    %mul3A_21 = arith.constant 640 : i32
    %mul3A_22 = arith.muli %arg1, %mul3A_21 : i32
    %mul3A_23 = arith.constant 10240 : i32
    %mul3A_24 = arith.muli %arg0, %mul3A_23 : i32
    %mul3A_25 = arith.constant 640 : i32
    %mul3A_26 = arith.muli %arg1, %mul3A_25 : i32
    %add3A_27 = arith.addi %mul3A_24, %mul3A_26 : i32
    "tpu.region"() ({
      %run_scoped3A = tpu.sem_alloc : memref<!tpu.dma_semaphore, #tpu.memory_space<semaphore_mem>>
      %dma_start3A = arith.constant 0 : i32
      %dma_start3A_28 = tpu.memref_slice %arg5[%add3A_27, %dma_start3A] : memref<20480x128xf32, #tpu.memory_space<hbm>> -> memref<640x128xf32, #tpu.memory_space<hbm>>
      %dma_start3A_29 = arith.constant 0 : i32
      %dma_start3A_30 = tpu.memref_slice %arg9[%mul3A_22, %dma_start3A_29] : memref<10240x128xf32, #tpu.memory_space<vmem_shared>> -> memref<640x128xf32, #tpu.memory_space<vmem_shared>>
      tpu.enqueue_dma source(%dma_start3A_30 : memref<640x128xf32, #tpu.memory_space<vmem_shared>>) target(%dma_start3A_28 : memref<640x128xf32, #tpu.memory_space<hbm>>) target_semaphore(%run_scoped3A : memref<!tpu.dma_semaphore, #tpu.memory_space<semaphore_mem>>)
      %dma_wait3A = arith.constant 0 : i32
      %dma_wait3A_31 = tpu.memref_slice %arg5[%add3A_27, %dma_wait3A] : memref<20480x128xf32, #tpu.memory_space<hbm>> -> memref<640x128xf32, #tpu.memory_space<hbm>>
      %dma_wait3A_32 = arith.constant 0 : i32
      %dma_wait3A_33 = tpu.memref_slice %arg9[%mul3A_22, %dma_wait3A_32] : memref<10240x128xf32, #tpu.memory_space<vmem_shared>> -> memref<640x128xf32, #tpu.memory_space<vmem_shared>>
      tpu.wait_dma2 semaphore(%run_scoped3A : memref<!tpu.dma_semaphore, #tpu.memory_space<semaphore_mem>>) src(%dma_wait3A_33 : memref<640x128xf32, #tpu.memory_space<vmem_shared>>) dst(%dma_wait3A_31 : memref<640x128xf32, #tpu.memory_space<hbm>>)
      tpu.yield
    }) : () -> ()
    return
  }
}

#map = affine_map<(d0, d1) -> (0)>
#map1 = affine_map<(d0, d1) -> (0, 0)>
module attributes {stable_mosaic.version = 14 : i64} {
  func.func @k(%arg0: i32, %arg1: i32, %arg2: memref<163840xi32, #tpu.memory_space<hbm>>, %arg3: memref<40000x128xf32, #tpu.memory_space<hbm>>, %arg4: memref<128x128xf32, #tpu.memory_space<hbm>>, %arg5: memref<40960x128xf32, #tpu.memory_space<hbm>>, %arg6: memref<10240xi32, #tpu.memory_space<vmem>>, %arg7: memref<80xi32, #tpu.memory_space<vmem>>, %arg8: memref<80xi32, #tpu.memory_space<vmem>>, %arg9: memref<80xi32, #tpu.memory_space<vmem>>, %arg10: memref<80xi32, #tpu.memory_space<vmem>>, %arg11: memref<80x128xf32, #tpu.memory_space<vmem>>, %arg12: memref<80x128xf32, #tpu.memory_space<vmem>>, %arg13: memref<80x128xf32, #tpu.memory_space<vmem>>, %arg14: memref<!tpu.dma_semaphore, #tpu.memory_space<semaphore_mem>>, %arg15: memref<!tpu.dma_semaphore, #tpu.memory_space<semaphore_mem>>, %arg16: memref<!tpu.dma_semaphore, #tpu.memory_space<semaphore_mem>>, %arg17: memref<10240x128xf32, #tpu.memory_space<vmem_shared>>) attributes {dimension_semantics = [#tpu.dimension_semantics<core_parallel>, #tpu.dimension_semantics<subcore_parallel>], iteration_bounds = array<i64: 2, 16>, scalar_prefetch = 0 : i64, scratch_operands = 12 : i64, tpu.core_type = #tpu.core_type<sc_vector_subcore>, window_params = [{transform_indices = #map}, {transform_indices = #map1}, {transform_indices = #map1}, {transform_indices = #map1}]} {
    %mul3A = arith.constant 10240 : i32
    %mul3A_0 = arith.muli %arg1, %mul3A : i32
    "tpu.region"() ({
      %run_scoped3A = tpu.sem_alloc : memref<!tpu.dma_semaphore, #tpu.memory_space<semaphore_mem>>
      %dma_start3A = tpu.memref_slice %arg2[%mul3A_0] : memref<163840xi32, #tpu.memory_space<hbm>> -> memref<10240xi32, #tpu.memory_space<hbm>>
      %dma_start3A_6 = tpu.memref_slice %arg2[%mul3A_0] : memref<163840xi32, #tpu.memory_space<hbm>> -> memref<10240xi32, #tpu.memory_space<hbm>>
      tpu.enqueue_dma source(%dma_start3A_6 : memref<10240xi32, #tpu.memory_space<hbm>>) target(%arg6 : memref<10240xi32, #tpu.memory_space<vmem>>) target_semaphore(%run_scoped3A : memref<!tpu.dma_semaphore, #tpu.memory_space<semaphore_mem>>)
      %dma_wait3A = tpu.memref_slice %arg2[%mul3A_0] : memref<163840xi32, #tpu.memory_space<hbm>> -> memref<10240xi32, #tpu.memory_space<hbm>>
      %dma_wait3A_7 = tpu.memref_slice %arg2[%mul3A_0] : memref<163840xi32, #tpu.memory_space<hbm>> -> memref<10240xi32, #tpu.memory_space<hbm>>
      tpu.wait_dma2 semaphore(%run_scoped3A : memref<!tpu.dma_semaphore, #tpu.memory_space<semaphore_mem>>) src(%dma_wait3A_7 : memref<10240xi32, #tpu.memory_space<hbm>>) dst(%arg6 : memref<10240xi32, #tpu.memory_space<vmem>>)
      tpu.yield
    }) : () -> ()
    %scan3A = arith.constant 0 : i32
    %scan3A_1 = arith.constant 0 : i32
    %scan3A_2 = arith.constant 2 : i32
    %scan3A_3 = arith.addi %scan3A_1, %scan3A_2 : i32
    %scan3A_4 = arith.constant 1 : i32
    scf.for %scan3A_6 = %scan3A_1 to %scan3A_3 step %scan3A_4  : i32 {
      %mul3A_7 = arith.constant 2 : i32
      %mul3A_8 = arith.muli %mul3A_7, %arg0 : i32
      %add3A = arith.addi %mul3A_8, %scan3A_6 : i32
      %mul3A_9 = arith.constant 10000 : i32
      %mul3A_10 = arith.muli %add3A, %mul3A_9 : i32
      %scan3A_11 = arith.constant 0 : i32
      %scan3A_12 = arith.constant 0 : i32
      %scan3A_13 = arith.constant 5 : i32
      %scan3A_14 = arith.addi %scan3A_12, %scan3A_13 : i32
      %scan3A_15 = arith.constant 1 : i32
      scf.for %scan3A_154 = %scan3A_12 to %scan3A_14 step %scan3A_15  : i32 {
        %mul3A_155 = arith.constant 640 : i32
        %mul3A_156 = arith.muli %arg1, %mul3A_155 : i32
        %mul3A_157 = arith.constant 128 : i32
        %mul3A_158 = arith.muli %scan3A_154, %mul3A_157 : i32
        %add3A_159 = arith.addi %mul3A_156, %mul3A_158 : i32
        "tpu.region"() ({
          %run_scoped3A = tpu.sem_alloc : memref<!tpu.dma_semaphore, #tpu.memory_space<semaphore_mem>>
          %dma_start3A_160 = arith.constant 0 : i32
          %dma_start3A_161 = tpu.memref_slice %arg17[%add3A_159, %dma_start3A_160] : memref<10240x128xf32, #tpu.memory_space<vmem_shared>> -> memref<128x128xf32, #tpu.memory_space<vmem_shared>>
          tpu.enqueue_dma source(%arg4 : memref<128x128xf32, #tpu.memory_space<hbm>>) target(%dma_start3A_161 : memref<128x128xf32, #tpu.memory_space<vmem_shared>>) target_semaphore(%run_scoped3A : memref<!tpu.dma_semaphore, #tpu.memory_space<semaphore_mem>>)
          %dma_wait3A = arith.constant 0 : i32
          %dma_wait3A_162 = tpu.memref_slice %arg17[%add3A_159, %dma_wait3A] : memref<10240x128xf32, #tpu.memory_space<vmem_shared>> -> memref<128x128xf32, #tpu.memory_space<vmem_shared>>
          tpu.wait_dma2 semaphore(%run_scoped3A : memref<!tpu.dma_semaphore, #tpu.memory_space<semaphore_mem>>) src(%arg4 : memref<128x128xf32, #tpu.memory_space<hbm>>) dst(%dma_wait3A_162 : memref<128x128xf32, #tpu.memory_space<vmem_shared>>)
          tpu.yield
        }) : () -> ()
      }
      %scan3A_16 = arith.constant 5 : i32
      %barrier3A = arith.constant 0 : index
      tpu.barrier barrier_id(%barrier3A)
      %get3A = arith.constant 0 : index
      %get3A_17 = tpu.vector_load %arg6[%get3A] {strides = array<i32>} : memref<10240xi32, #tpu.memory_space<vmem>>, vector<16xi32>,
      %get3A_18 = vector.shape_cast %get3A_17 : vector<16xi32> to vector<16xi32>
      %and3A = arith.constant 65535 : i32
      %and3A_19 = vector.broadcast %and3A : i32 to vector<16xi32>
      %and3A_20 = arith.andi %get3A_18, %and3A_19 : vector<16xi32>
      %add3A_21 = vector.broadcast %mul3A_10 : i32 to vector<16xi32>
      %add3A_22 = arith.addi %and3A_20, %add3A_21 : vector<16xi32>
      %swap3A = arith.constant 0 : index
      %swap3A_23 = tpu.vector_load %arg7[%swap3A] {strides = array<i32>} : memref<80xi32, #tpu.memory_space<vmem>>, vector<16xi32>,
      %swap3A_24 = vector.shape_cast %swap3A_23 : vector<16xi32> to vector<16xi32>
      %swap3A_25 = vector.shape_cast %add3A_22 : vector<16xi32> to vector<16xi32>
      tpu.vector_store %arg7[%swap3A], %swap3A_25 {strides = array<i32>} : memref<80xi32, #tpu.memory_space<vmem>>, vector<16xi32>,
      %get3A_26 = arith.constant 16 : index
      %get3A_27 = tpu.vector_load %arg6[%get3A_26] {strides = array<i32>} : memref<10240xi32, #tpu.memory_space<vmem>>, vector<16xi32>,
      %get3A_28 = vector.shape_cast %get3A_27 : vector<16xi32> to vector<16xi32>
      %and3A_29 = arith.constant 65535 : i32
      %and3A_30 = vector.broadcast %and3A_29 : i32 to vector<16xi32>
      %and3A_31 = arith.andi %get3A_28, %and3A_30 : vector<16xi32>
      %add3A_32 = vector.broadcast %mul3A_10 : i32 to vector<16xi32>
      %add3A_33 = arith.addi %and3A_31, %add3A_32 : vector<16xi32>
      %swap3A_34 = arith.constant 16 : index
      %swap3A_35 = tpu.vector_load %arg7[%swap3A_34] {strides = array<i32>} : memref<80xi32, #tpu.memory_space<vmem>>, vector<16xi32>,
      %swap3A_36 = vector.shape_cast %swap3A_35 : vector<16xi32> to vector<16xi32>
      %swap3A_37 = vector.shape_cast %add3A_33 : vector<16xi32> to vector<16xi32>
      tpu.vector_store %arg7[%swap3A_34], %swap3A_37 {strides = array<i32>} : memref<80xi32, #tpu.memory_space<vmem>>, vector<16xi32>,
      %get3A_38 = arith.constant 32 : index
      %get3A_39 = tpu.vector_load %arg6[%get3A_38] {strides = array<i32>} : memref<10240xi32, #tpu.memory_space<vmem>>, vector<16xi32>,
      %get3A_40 = vector.shape_cast %get3A_39 : vector<16xi32> to vector<16xi32>
      %and3A_41 = arith.constant 65535 : i32
      %and3A_42 = vector.broadcast %and3A_41 : i32 to vector<16xi32>
      %and3A_43 = arith.andi %get3A_40, %and3A_42 : vector<16xi32>
      %add3A_44 = vector.broadcast %mul3A_10 : i32 to vector<16xi32>
      %add3A_45 = arith.addi %and3A_43, %add3A_44 : vector<16xi32>
      %swap3A_46 = arith.constant 32 : index
      %swap3A_47 = tpu.vector_load %arg7[%swap3A_46] {strides = array<i32>} : memref<80xi32, #tpu.memory_space<vmem>>, vector<16xi32>,
      %swap3A_48 = vector.shape_cast %swap3A_47 : vector<16xi32> to vector<16xi32>
      %swap3A_49 = vector.shape_cast %add3A_45 : vector<16xi32> to vector<16xi32>
      tpu.vector_store %arg7[%swap3A_46], %swap3A_49 {strides = array<i32>} : memref<80xi32, #tpu.memory_space<vmem>>, vector<16xi32>,
      %get3A_50 = arith.constant 48 : index
      %get3A_51 = tpu.vector_load %arg6[%get3A_50] {strides = array<i32>} : memref<10240xi32, #tpu.memory_space<vmem>>, vector<16xi32>,
      %get3A_52 = vector.shape_cast %get3A_51 : vector<16xi32> to vector<16xi32>
      %and3A_53 = arith.constant 65535 : i32
      %and3A_54 = vector.broadcast %and3A_53 : i32 to vector<16xi32>
      %and3A_55 = arith.andi %get3A_52, %and3A_54 : vector<16xi32>
      %add3A_56 = vector.broadcast %mul3A_10 : i32 to vector<16xi32>
      %add3A_57 = arith.addi %and3A_55, %add3A_56 : vector<16xi32>
      %swap3A_58 = arith.constant 48 : index
      %swap3A_59 = tpu.vector_load %arg7[%swap3A_58] {strides = array<i32>} : memref<80xi32, #tpu.memory_space<vmem>>, vector<16xi32>,
      %swap3A_60 = vector.shape_cast %swap3A_59 : vector<16xi32> to vector<16xi32>
      %swap3A_61 = vector.shape_cast %add3A_57 : vector<16xi32> to vector<16xi32>
      tpu.vector_store %arg7[%swap3A_58], %swap3A_61 {strides = array<i32>} : memref<80xi32, #tpu.memory_space<vmem>>, vector<16xi32>,
      %get3A_62 = arith.constant 64 : index
      %get3A_63 = tpu.vector_load %arg6[%get3A_62] {strides = array<i32>} : memref<10240xi32, #tpu.memory_space<vmem>>, vector<16xi32>,
      %get3A_64 = vector.shape_cast %get3A_63 : vector<16xi32> to vector<16xi32>
      %and3A_65 = arith.constant 65535 : i32
      %and3A_66 = vector.broadcast %and3A_65 : i32 to vector<16xi32>
      %and3A_67 = arith.andi %get3A_64, %and3A_66 : vector<16xi32>
      %add3A_68 = vector.broadcast %mul3A_10 : i32 to vector<16xi32>
      %add3A_69 = arith.addi %and3A_67, %add3A_68 : vector<16xi32>
      %swap3A_70 = arith.constant 64 : index
      %swap3A_71 = tpu.vector_load %arg7[%swap3A_70] {strides = array<i32>} : memref<80xi32, #tpu.memory_space<vmem>>, vector<16xi32>,
      %swap3A_72 = vector.shape_cast %swap3A_71 : vector<16xi32> to vector<16xi32>
      %swap3A_73 = vector.shape_cast %add3A_69 : vector<16xi32> to vector<16xi32>
      tpu.vector_store %arg7[%swap3A_70], %swap3A_73 {strides = array<i32>} : memref<80xi32, #tpu.memory_space<vmem>>, vector<16xi32>,
      %dma_start3A = arith.constant 0 : i32
      %dma_start3A_74 = arith.constant 0 : i32
      %dma_start3A_75 = tpu.memref_slice %arg3[%dma_start3A, %dma_start3A_74] : memref<40000x128xf32, #tpu.memory_space<hbm>> -> memref<40000x128xf32, #tpu.memory_space<hbm>>
      tpu.enqueue_indirect_dma source(%dma_start3A_75 : memref<40000x128xf32, #tpu.memory_space<hbm>>) target(%arg11 : memref<80x128xf32, #tpu.memory_space<vmem>>) offsets(%arg7 : memref<80xi32, #tpu.memory_space<vmem>>) semaphore(%arg14 : memref<!tpu.dma_semaphore, #tpu.memory_space<semaphore_mem>>)
      %get3A_76 = arith.constant 80 : index
      %get3A_77 = tpu.vector_load %arg6[%get3A_76] {strides = array<i32>} : memref<10240xi32, #tpu.memory_space<vmem>>, vector<16xi32>,
      %get3A_78 = vector.shape_cast %get3A_77 : vector<16xi32> to vector<16xi32>
      %and3A_79 = arith.constant 65535 : i32
      %and3A_80 = vector.broadcast %and3A_79 : i32 to vector<16xi32>
      %and3A_81 = arith.andi %get3A_78, %and3A_80 : vector<16xi32>
      %add3A_82 = vector.broadcast %mul3A_10 : i32 to vector<16xi32>
      %add3A_83 = arith.addi %and3A_81, %add3A_82 : vector<16xi32>
      %swap3A_84 = arith.constant 0 : index
      %swap3A_85 = tpu.vector_load %arg8[%swap3A_84] {strides = array<i32>} : memref<80xi32, #tpu.memory_space<vmem>>, vector<16xi32>,
      %swap3A_86 = vector.shape_cast %swap3A_85 : vector<16xi32> to vector<16xi32>
      %swap3A_87 = vector.shape_cast %add3A_83 : vector<16xi32> to vector<16xi32>
      tpu.vector_store %arg8[%swap3A_84], %swap3A_87 {strides = array<i32>} : memref<80xi32, #tpu.memory_space<vmem>>, vector<16xi32>,
      %get3A_88 = arith.constant 96 : index
      %get3A_89 = tpu.vector_load %arg6[%get3A_88] {strides = array<i32>} : memref<10240xi32, #tpu.memory_space<vmem>>, vector<16xi32>,
      %get3A_90 = vector.shape_cast %get3A_89 : vector<16xi32> to vector<16xi32>
      %and3A_91 = arith.constant 65535 : i32
      %and3A_92 = vector.broadcast %and3A_91 : i32 to vector<16xi32>
      %and3A_93 = arith.andi %get3A_90, %and3A_92 : vector<16xi32>
      %add3A_94 = vector.broadcast %mul3A_10 : i32 to vector<16xi32>
      %add3A_95 = arith.addi %and3A_93, %add3A_94 : vector<16xi32>
      %swap3A_96 = arith.constant 16 : index
      %swap3A_97 = tpu.vector_load %arg8[%swap3A_96] {strides = array<i32>} : memref<80xi32, #tpu.memory_space<vmem>>, vector<16xi32>,
      %swap3A_98 = vector.shape_cast %swap3A_97 : vector<16xi32> to vector<16xi32>
      %swap3A_99 = vector.shape_cast %add3A_95 : vector<16xi32> to vector<16xi32>
      tpu.vector_store %arg8[%swap3A_96], %swap3A_99 {strides = array<i32>} : memref<80xi32, #tpu.memory_space<vmem>>, vector<16xi32>,
      %get3A_100 = arith.constant 112 : index
      %get3A_101 = tpu.vector_load %arg6[%get3A_100] {strides = array<i32>} : memref<10240xi32, #tpu.memory_space<vmem>>, vector<16xi32>,
      %get3A_102 = vector.shape_cast %get3A_101 : vector<16xi32> to vector<16xi32>
      %and3A_103 = arith.constant 65535 : i32
      %and3A_104 = vector.broadcast %and3A_103 : i32 to vector<16xi32>
      %and3A_105 = arith.andi %get3A_102, %and3A_104 : vector<16xi32>
      %add3A_106 = vector.broadcast %mul3A_10 : i32 to vector<16xi32>
      %add3A_107 = arith.addi %and3A_105, %add3A_106 : vector<16xi32>
      %swap3A_108 = arith.constant 32 : index
      %swap3A_109 = tpu.vector_load %arg8[%swap3A_108] {strides = array<i32>} : memref<80xi32, #tpu.memory_space<vmem>>, vector<16xi32>,
      %swap3A_110 = vector.shape_cast %swap3A_109 : vector<16xi32> to vector<16xi32>
      %swap3A_111 = vector.shape_cast %add3A_107 : vector<16xi32> to vector<16xi32>
      tpu.vector_store %arg8[%swap3A_108], %swap3A_111 {strides = array<i32>} : memref<80xi32, #tpu.memory_space<vmem>>, vector<16xi32>,
      %get3A_112 = arith.constant 128 : index
      %get3A_113 = tpu.vector_load %arg6[%get3A_112] {strides = array<i32>} : memref<10240xi32, #tpu.memory_space<vmem>>, vector<16xi32>,
      %get3A_114 = vector.shape_cast %get3A_113 : vector<16xi32> to vector<16xi32>
      %and3A_115 = arith.constant 65535 : i32
      %and3A_116 = vector.broadcast %and3A_115 : i32 to vector<16xi32>
      %and3A_117 = arith.andi %get3A_114, %and3A_116 : vector<16xi32>
      %add3A_118 = vector.broadcast %mul3A_10 : i32 to vector<16xi32>
      %add3A_119 = arith.addi %and3A_117, %add3A_118 : vector<16xi32>
      %swap3A_120 = arith.constant 48 : index
      %swap3A_121 = tpu.vector_load %arg8[%swap3A_120] {strides = array<i32>} : memref<80xi32, #tpu.memory_space<vmem>>, vector<16xi32>,
      %swap3A_122 = vector.shape_cast %swap3A_121 : vector<16xi32> to vector<16xi32>
      %swap3A_123 = vector.shape_cast %add3A_119 : vector<16xi32> to vector<16xi32>
      tpu.vector_store %arg8[%swap3A_120], %swap3A_123 {strides = array<i32>} : memref<80xi32, #tpu.memory_space<vmem>>, vector<16xi32>,
      %get3A_124 = arith.constant 144 : index
      %get3A_125 = tpu.vector_load %arg6[%get3A_124] {strides = array<i32>} : memref<10240xi32, #tpu.memory_space<vmem>>, vector<16xi32>,
      %get3A_126 = vector.shape_cast %get3A_125 : vector<16xi32> to vector<16xi32>
      %and3A_127 = arith.constant 65535 : i32
      %and3A_128 = vector.broadcast %and3A_127 : i32 to vector<16xi32>
      %and3A_129 = arith.andi %get3A_126, %and3A_128 : vector<16xi32>
      %add3A_130 = vector.broadcast %mul3A_10 : i32 to vector<16xi32>
      %add3A_131 = arith.addi %and3A_129, %add3A_130 : vector<16xi32>
      %swap3A_132 = arith.constant 64 : index
      %swap3A_133 = tpu.vector_load %arg8[%swap3A_132] {strides = array<i32>} : memref<80xi32, #tpu.memory_space<vmem>>, vector<16xi32>,
      %swap3A_134 = vector.shape_cast %swap3A_133 : vector<16xi32> to vector<16xi32>
      %swap3A_135 = vector.shape_cast %add3A_131 : vector<16xi32> to vector<16xi32>
      tpu.vector_store %arg8[%swap3A_132], %swap3A_135 {strides = array<i32>} : memref<80xi32, #tpu.memory_space<vmem>>, vector<16xi32>,
      %dma_start3A_136 = arith.constant 0 : i32
      %dma_start3A_137 = arith.constant 0 : i32
      %dma_start3A_138 = tpu.memref_slice %arg3[%dma_start3A_136, %dma_start3A_137] : memref<40000x128xf32, #tpu.memory_space<hbm>> -> memref<40000x128xf32, #tpu.memory_space<hbm>>
      tpu.enqueue_indirect_dma source(%dma_start3A_138 : memref<40000x128xf32, #tpu.memory_space<hbm>>) target(%arg12 : memref<80x128xf32, #tpu.memory_space<vmem>>) offsets(%arg8 : memref<80xi32, #tpu.memory_space<vmem>>) semaphore(%arg15 : memref<!tpu.dma_semaphore, #tpu.memory_space<semaphore_mem>>)
      %scan3A_139 = arith.constant 0 : i32
      %scan3A_140 = arith.constant 0 : i32
      %scan3A_141 = arith.constant 43 : i32
      %scan3A_142 = arith.addi %scan3A_140, %scan3A_141 : i32
      %scan3A_143 = arith.constant 1 : i32
      scf.for %scan3A_154 = %scan3A_140 to %scan3A_142 step %scan3A_143  : i32 {
        %mul3A_155 = arith.constant 3 : i32
        %mul3A_156 = arith.muli %mul3A_155, %scan3A_154 : i32
        %add3A_157 = arith.constant 0 : i32
        %add3A_158 = arith.addi %mul3A_156, %add3A_157 : i32
        %add3A_159 = arith.constant 2 : i32
        %add3A_160 = arith.addi %add3A_158, %add3A_159 : i32
        %lt3A = arith.constant 128 : i32
        %lt3A_161 = arith.cmpi slt, %add3A_160, %lt3A : i32
        %convert_element_type3A = arith.extui %lt3A_161 : i1 to i32
        %cond3A = arith.constant 0 : i32
        %cond3A_162 = arith.cmpi ne, %convert_element_type3A, %cond3A : i32
        scf.if %cond3A_162 {
          %mul3A_196 = arith.constant 80 : i32
          %mul3A_197 = arith.muli %add3A_160, %mul3A_196 : i32
          %add3A_198 = arith.constant 0 : i32
          %add3A_199 = arith.addi %mul3A_197, %add3A_198 : i32
          %get3A_200 = arith.index_cast %add3A_199 : i32 to index
          %get3A_201 = tpu.vector_load %arg6[%get3A_200] {strides = array<i32>} : memref<10240xi32, #tpu.memory_space<vmem>>, vector<16xi32>,
          %get3A_202 = vector.shape_cast %get3A_201 : vector<16xi32> to vector<16xi32>
          %and3A_203 = arith.constant 65535 : i32
          %and3A_204 = vector.broadcast %and3A_203 : i32 to vector<16xi32>
          %and3A_205 = arith.andi %get3A_202, %and3A_204 : vector<16xi32>
          %add3A_206 = vector.broadcast %mul3A_10 : i32 to vector<16xi32>
          %add3A_207 = arith.addi %and3A_205, %add3A_206 : vector<16xi32>
          %swap3A_208 = arith.constant 0 : index
          %swap3A_209 = tpu.vector_load %arg9[%swap3A_208] {strides = array<i32>} : memref<80xi32, #tpu.memory_space<vmem>>, vector<16xi32>,
          %swap3A_210 = vector.shape_cast %swap3A_209 : vector<16xi32> to vector<16xi32>
          %swap3A_211 = vector.shape_cast %add3A_207 : vector<16xi32> to vector<16xi32>
          tpu.vector_store %arg9[%swap3A_208], %swap3A_211 {strides = array<i32>} : memref<80xi32, #tpu.memory_space<vmem>>, vector<16xi32>,
          %mul3A_212 = arith.constant 80 : i32
          %mul3A_213 = arith.muli %add3A_160, %mul3A_212 : i32
          %add3A_214 = arith.constant 16 : i32
          %add3A_215 = arith.addi %mul3A_213, %add3A_214 : i32
          %get3A_216 = arith.index_cast %add3A_215 : i32 to index
          %get3A_217 = tpu.vector_load %arg6[%get3A_216] {strides = array<i32>} : memref<10240xi32, #tpu.memory_space<vmem>>, vector<16xi32>,
          %get3A_218 = vector.shape_cast %get3A_217 : vector<16xi32> to vector<16xi32>
          %and3A_219 = arith.constant 65535 : i32
          %and3A_220 = vector.broadcast %and3A_219 : i32 to vector<16xi32>
          %and3A_221 = arith.andi %get3A_218, %and3A_220 : vector<16xi32>
          %add3A_222 = vector.broadcast %mul3A_10 : i32 to vector<16xi32>
          %add3A_223 = arith.addi %and3A_221, %add3A_222 : vector<16xi32>
          %swap3A_224 = arith.constant 16 : index
          %swap3A_225 = tpu.vector_load %arg9[%swap3A_224] {strides = array<i32>} : memref<80xi32, #tpu.memory_space<vmem>>, vector<16xi32>,
          %swap3A_226 = vector.shape_cast %swap3A_225 : vector<16xi32> to vector<16xi32>
          %swap3A_227 = vector.shape_cast %add3A_223 : vector<16xi32> to vector<16xi32>
          tpu.vector_store %arg9[%swap3A_224], %swap3A_227 {strides = array<i32>} : memref<80xi32, #tpu.memory_space<vmem>>, vector<16xi32>,
          %mul3A_228 = arith.constant 80 : i32
          %mul3A_229 = arith.muli %add3A_160, %mul3A_228 : i32
          %add3A_230 = arith.constant 32 : i32
          %add3A_231 = arith.addi %mul3A_229, %add3A_230 : i32
          %get3A_232 = arith.index_cast %add3A_231 : i32 to index
          %get3A_233 = tpu.vector_load %arg6[%get3A_232] {strides = array<i32>} : memref<10240xi32, #tpu.memory_space<vmem>>, vector<16xi32>,
          %get3A_234 = vector.shape_cast %get3A_233 : vector<16xi32> to vector<16xi32>
          %and3A_235 = arith.constant 65535 : i32
          %and3A_236 = vector.broadcast %and3A_235 : i32 to vector<16xi32>
          %and3A_237 = arith.andi %get3A_234, %and3A_236 : vector<16xi32>
          %add3A_238 = vector.broadcast %mul3A_10 : i32 to vector<16xi32>
          %add3A_239 = arith.addi %and3A_237, %add3A_238 : vector<16xi32>
          %swap3A_240 = arith.constant 32 : index
          %swap3A_241 = tpu.vector_load %arg9[%swap3A_240] {strides = array<i32>} : memref<80xi32, #tpu.memory_space<vmem>>, vector<16xi32>,
          %swap3A_242 = vector.shape_cast %swap3A_241 : vector<16xi32> to vector<16xi32>
          %swap3A_243 = vector.shape_cast %add3A_239 : vector<16xi32> to vector<16xi32>
          tpu.vector_store %arg9[%swap3A_240], %swap3A_243 {strides = array<i32>} : memref<80xi32, #tpu.memory_space<vmem>>, vector<16xi32>,
          %mul3A_244 = arith.constant 80 : i32
          %mul3A_245 = arith.muli %add3A_160, %mul3A_244 : i32
          %add3A_246 = arith.constant 48 : i32
          %add3A_247 = arith.addi %mul3A_245, %add3A_246 : i32
          %get3A_248 = arith.index_cast %add3A_247 : i32 to index
          %get3A_249 = tpu.vector_load %arg6[%get3A_248] {strides = array<i32>} : memref<10240xi32, #tpu.memory_space<vmem>>, vector<16xi32>,
          %get3A_250 = vector.shape_cast %get3A_249 : vector<16xi32> to vector<16xi32>
          %and3A_251 = arith.constant 65535 : i32
          %and3A_252 = vector.broadcast %and3A_251 : i32 to vector<16xi32>
          %and3A_253 = arith.andi %get3A_250, %and3A_252 : vector<16xi32>
          %add3A_254 = vector.broadcast %mul3A_10 : i32 to vector<16xi32>
          %add3A_255 = arith.addi %and3A_253, %add3A_254 : vector<16xi32>
          %swap3A_256 = arith.constant 48 : index
          %swap3A_257 = tpu.vector_load %arg9[%swap3A_256] {strides = array<i32>} : memref<80xi32, #tpu.memory_space<vmem>>, vector<16xi32>,
          %swap3A_258 = vector.shape_cast %swap3A_257 : vector<16xi32> to vector<16xi32>
          %swap3A_259 = vector.shape_cast %add3A_255 : vector<16xi32> to vector<16xi32>
          tpu.vector_store %arg9[%swap3A_256], %swap3A_259 {strides = array<i32>} : memref<80xi32, #tpu.memory_space<vmem>>, vector<16xi32>,
          %mul3A_260 = arith.constant 80 : i32
          %mul3A_261 = arith.muli %add3A_160, %mul3A_260 : i32
          %add3A_262 = arith.constant 64 : i32
          %add3A_263 = arith.addi %mul3A_261, %add3A_262 : i32
          %get3A_264 = arith.index_cast %add3A_263 : i32 to index
          %get3A_265 = tpu.vector_load %arg6[%get3A_264] {strides = array<i32>} : memref<10240xi32, #tpu.memory_space<vmem>>, vector<16xi32>,
          %get3A_266 = vector.shape_cast %get3A_265 : vector<16xi32> to vector<16xi32>
          %and3A_267 = arith.constant 65535 : i32
          %and3A_268 = vector.broadcast %and3A_267 : i32 to vector<16xi32>
          %and3A_269 = arith.andi %get3A_266, %and3A_268 : vector<16xi32>
          %add3A_270 = vector.broadcast %mul3A_10 : i32 to vector<16xi32>
          %add3A_271 = arith.addi %and3A_269, %add3A_270 : vector<16xi32>
          %swap3A_272 = arith.constant 64 : index
          %swap3A_273 = tpu.vector_load %arg9[%swap3A_272] {strides = array<i32>} : memref<80xi32, #tpu.memory_space<vmem>>, vector<16xi32>,
          %swap3A_274 = vector.shape_cast %swap3A_273 : vector<16xi32> to vector<16xi32>
          %swap3A_275 = vector.shape_cast %add3A_271 : vector<16xi32> to vector<16xi32>
          tpu.vector_store %arg9[%swap3A_272], %swap3A_275 {strides = array<i32>} : memref<80xi32, #tpu.memory_space<vmem>>, vector<16xi32>,
          %dma_start3A_276 = arith.constant 0 : i32
          %dma_start3A_277 = arith.constant 0 : i32
          %dma_start3A_278 = tpu.memref_slice %arg3[%dma_start3A_276, %dma_start3A_277] : memref<40000x128xf32, #tpu.memory_space<hbm>> -> memref<40000x128xf32, #tpu.memory_space<hbm>>
          tpu.enqueue_indirect_dma source(%dma_start3A_278 : memref<40000x128xf32, #tpu.memory_space<hbm>>) target(%arg13 : memref<80x128xf32, #tpu.memory_space<vmem>>) offsets(%arg9 : memref<80xi32, #tpu.memory_space<vmem>>) semaphore(%arg16 : memref<!tpu.dma_semaphore, #tpu.memory_space<semaphore_mem>>)
        } else {
        }
        %lt3A_163 = arith.constant 128 : i32
        %lt3A_164 = arith.cmpi slt, %add3A_158, %lt3A_163 : i32
        %convert_element_type3A_165 = arith.extui %lt3A_164 : i1 to i32
        %cond3A_166 = arith.constant 0 : i32
        %cond3A_167 = arith.cmpi ne, %convert_element_type3A_165, %cond3A_166 : i32
        scf.if %cond3A_167 {
          %dma_wait3A = arith.constant 0 : i32
          %dma_wait3A_196 = arith.constant 0 : i32
          %dma_wait3A_197 = tpu.memref_slice %arg3[%dma_wait3A, %dma_wait3A_196] : memref<40000x128xf32, #tpu.memory_space<hbm>> -> memref<40000x128xf32, #tpu.memory_space<hbm>>
          tpu.wait_indirect_dma semaphore(%arg14 : memref<!tpu.dma_semaphore, #tpu.memory_space<semaphore_mem>>) src(%dma_wait3A_197 : memref<40000x128xf32, #tpu.memory_space<hbm>>) dst(%arg11 : memref<80x128xf32, #tpu.memory_space<vmem>>)
          %mul3A_198 = arith.constant 80 : i32
          %mul3A_199 = arith.muli %add3A_158, %mul3A_198 : i32
          %add3A_200 = arith.constant 0 : i32
          %add3A_201 = arith.addi %mul3A_199, %add3A_200 : i32
          %get3A_202 = arith.index_cast %add3A_201 : i32 to index
          %get3A_203 = tpu.vector_load %arg6[%get3A_202] {strides = array<i32>} : memref<10240xi32, #tpu.memory_space<vmem>>, vector<16xi32>,
          %get3A_204 = vector.shape_cast %get3A_203 : vector<16xi32> to vector<16xi32>
          %shift_right_logical3A = arith.constant 16 : i32
          %shift_right_logical3A_205 = vector.broadcast %shift_right_logical3A : i32 to vector<16xi32>
          %shift_right_logical3A_206 = arith.shrui %get3A_204, %shift_right_logical3A_205 : vector<16xi32>
          %swap3A_207 = arith.constant 0 : index
          %swap3A_208 = tpu.vector_load %arg10[%swap3A_207] {strides = array<i32>} : memref<80xi32, #tpu.memory_space<vmem>>, vector<16xi32>,
          %swap3A_209 = vector.shape_cast %swap3A_208 : vector<16xi32> to vector<16xi32>
          %swap3A_210 = vector.shape_cast %shift_right_logical3A_206 : vector<16xi32> to vector<16xi32>
          tpu.vector_store %arg10[%swap3A_207], %swap3A_210 {strides = array<i32>} : memref<80xi32, #tpu.memory_space<vmem>>, vector<16xi32>,
          %mul3A_211 = arith.constant 80 : i32
          %mul3A_212 = arith.muli %add3A_158, %mul3A_211 : i32
          %add3A_213 = arith.constant 16 : i32
          %add3A_214 = arith.addi %mul3A_212, %add3A_213 : i32
          %get3A_215 = arith.index_cast %add3A_214 : i32 to index
          %get3A_216 = tpu.vector_load %arg6[%get3A_215] {strides = array<i32>} : memref<10240xi32, #tpu.memory_space<vmem>>, vector<16xi32>,
          %get3A_217 = vector.shape_cast %get3A_216 : vector<16xi32> to vector<16xi32>
          %shift_right_logical3A_218 = arith.constant 16 : i32
          %shift_right_logical3A_219 = vector.broadcast %shift_right_logical3A_218 : i32 to vector<16xi32>
          %shift_right_logical3A_220 = arith.shrui %get3A_217, %shift_right_logical3A_219 : vector<16xi32>
          %swap3A_221 = arith.constant 16 : index
          %swap3A_222 = tpu.vector_load %arg10[%swap3A_221] {strides = array<i32>} : memref<80xi32, #tpu.memory_space<vmem>>, vector<16xi32>,
          %swap3A_223 = vector.shape_cast %swap3A_222 : vector<16xi32> to vector<16xi32>
          %swap3A_224 = vector.shape_cast %shift_right_logical3A_220 : vector<16xi32> to vector<16xi32>
          tpu.vector_store %arg10[%swap3A_221], %swap3A_224 {strides = array<i32>} : memref<80xi32, #tpu.memory_space<vmem>>, vector<16xi32>,
          %mul3A_225 = arith.constant 80 : i32
          %mul3A_226 = arith.muli %add3A_158, %mul3A_225 : i32
          %add3A_227 = arith.constant 32 : i32
          %add3A_228 = arith.addi %mul3A_226, %add3A_227 : i32
          %get3A_229 = arith.index_cast %add3A_228 : i32 to index
          %get3A_230 = tpu.vector_load %arg6[%get3A_229] {strides = array<i32>} : memref<10240xi32, #tpu.memory_space<vmem>>, vector<16xi32>,
          %get3A_231 = vector.shape_cast %get3A_230 : vector<16xi32> to vector<16xi32>
          %shift_right_logical3A_232 = arith.constant 16 : i32
          %shift_right_logical3A_233 = vector.broadcast %shift_right_logical3A_232 : i32 to vector<16xi32>
          %shift_right_logical3A_234 = arith.shrui %get3A_231, %shift_right_logical3A_233 : vector<16xi32>
          %swap3A_235 = arith.constant 32 : index
          %swap3A_236 = tpu.vector_load %arg10[%swap3A_235] {strides = array<i32>} : memref<80xi32, #tpu.memory_space<vmem>>, vector<16xi32>,
          %swap3A_237 = vector.shape_cast %swap3A_236 : vector<16xi32> to vector<16xi32>
          %swap3A_238 = vector.shape_cast %shift_right_logical3A_234 : vector<16xi32> to vector<16xi32>
          tpu.vector_store %arg10[%swap3A_235], %swap3A_238 {strides = array<i32>} : memref<80xi32, #tpu.memory_space<vmem>>, vector<16xi32>,
          %mul3A_239 = arith.constant 80 : i32
          %mul3A_240 = arith.muli %add3A_158, %mul3A_239 : i32
          %add3A_241 = arith.constant 48 : i32
          %add3A_242 = arith.addi %mul3A_240, %add3A_241 : i32
          %get3A_243 = arith.index_cast %add3A_242 : i32 to index
          %get3A_244 = tpu.vector_load %arg6[%get3A_243] {strides = array<i32>} : memref<10240xi32, #tpu.memory_space<vmem>>, vector<16xi32>,
          %get3A_245 = vector.shape_cast %get3A_244 : vector<16xi32> to vector<16xi32>
          %shift_right_logical3A_246 = arith.constant 16 : i32
          %shift_right_logical3A_247 = vector.broadcast %shift_right_logical3A_246 : i32 to vector<16xi32>
          %shift_right_logical3A_248 = arith.shrui %get3A_245, %shift_right_logical3A_247 : vector<16xi32>
          %swap3A_249 = arith.constant 48 : index
          %swap3A_250 = tpu.vector_load %arg10[%swap3A_249] {strides = array<i32>} : memref<80xi32, #tpu.memory_space<vmem>>, vector<16xi32>,
          %swap3A_251 = vector.shape_cast %swap3A_250 : vector<16xi32> to vector<16xi32>
          %swap3A_252 = vector.shape_cast %shift_right_logical3A_248 : vector<16xi32> to vector<16xi32>
          tpu.vector_store %arg10[%swap3A_249], %swap3A_252 {strides = array<i32>} : memref<80xi32, #tpu.memory_space<vmem>>, vector<16xi32>,
          %mul3A_253 = arith.constant 80 : i32
          %mul3A_254 = arith.muli %add3A_158, %mul3A_253 : i32
          %add3A_255 = arith.constant 64 : i32
          %add3A_256 = arith.addi %mul3A_254, %add3A_255 : i32
          %get3A_257 = arith.index_cast %add3A_256 : i32 to index
          %get3A_258 = tpu.vector_load %arg6[%get3A_257] {strides = array<i32>} : memref<10240xi32, #tpu.memory_space<vmem>>, vector<16xi32>,
          %get3A_259 = vector.shape_cast %get3A_258 : vector<16xi32> to vector<16xi32>
          %shift_right_logical3A_260 = arith.constant 16 : i32
          %shift_right_logical3A_261 = vector.broadcast %shift_right_logical3A_260 : i32 to vector<16xi32>
          %shift_right_logical3A_262 = arith.shrui %get3A_259, %shift_right_logical3A_261 : vector<16xi32>
          %swap3A_263 = arith.constant 64 : index
          %swap3A_264 = tpu.vector_load %arg10[%swap3A_263] {strides = array<i32>} : memref<80xi32, #tpu.memory_space<vmem>>, vector<16xi32>,
          %swap3A_265 = vector.shape_cast %swap3A_264 : vector<16xi32> to vector<16xi32>
          %swap3A_266 = vector.shape_cast %shift_right_logical3A_262 : vector<16xi32> to vector<16xi32>
          tpu.vector_store %arg10[%swap3A_263], %swap3A_266 {strides = array<i32>} : memref<80xi32, #tpu.memory_space<vmem>>, vector<16xi32>,
          "tpu.region"() ({
            %run_scoped3A = tpu.sem_alloc : memref<!tpu.dma_semaphore, #tpu.memory_space<semaphore_mem>>
            %dma_start3A_267 = arith.constant 0 : i32
            %dma_start3A_268 = arith.constant 0 : i32
            %dma_start3A_269 = tpu.memref_slice %arg17[%dma_start3A_267, %dma_start3A_268] : memref<10240x128xf32, #tpu.memory_space<vmem_shared>> -> memref<10240x128xf32, #tpu.memory_space<vmem_shared>>
            tpu.enqueue_indirect_dma source(%arg11 : memref<80x128xf32, #tpu.memory_space<vmem>>) target(%dma_start3A_269 : memref<10240x128xf32, #tpu.memory_space<vmem_shared>>) offsets(%arg10 : memref<80xi32, #tpu.memory_space<vmem>>) semaphore(%run_scoped3A : memref<!tpu.dma_semaphore, #tpu.memory_space<semaphore_mem>>) {add = true}
            %dma_wait3A_270 = arith.constant 0 : i32
            %dma_wait3A_271 = arith.constant 0 : i32
            %dma_wait3A_272 = tpu.memref_slice %arg17[%dma_wait3A_270, %dma_wait3A_271] : memref<10240x128xf32, #tpu.memory_space<vmem_shared>> -> memref<10240x128xf32, #tpu.memory_space<vmem_shared>>
            tpu.wait_indirect_dma semaphore(%run_scoped3A : memref<!tpu.dma_semaphore, #tpu.memory_space<semaphore_mem>>) src(%arg11 : memref<80x128xf32, #tpu.memory_space<vmem>>) dst(%dma_wait3A_272 : memref<10240x128xf32, #tpu.memory_space<vmem_shared>>)
            tpu.yield
          }) : () -> ()
        } else {
        }
        %add3A_168 = arith.constant 1 : i32
        %add3A_169 = arith.addi %mul3A_156, %add3A_168 : i32
        %add3A_170 = arith.constant 2 : i32
        %add3A_171 = arith.addi %add3A_169, %add3A_170 : i32
        %lt3A_172 = arith.constant 128 : i32
        %lt3A_173 = arith.cmpi slt, %add3A_171, %lt3A_172 : i32
        %convert_element_type3A_174 = arith.extui %lt3A_173 : i1 to i32
        %cond3A_175 = arith.constant 0 : i32
        %cond3A_176 = arith.cmpi ne, %convert_element_type3A_174, %cond3A_175 : i32
        scf.if %cond3A_176 {
          %mul3A_196 = arith.constant 80 : i32
          %mul3A_197 = arith.muli %add3A_171, %mul3A_196 : i32
          %add3A_198 = arith.constant 0 : i32
          %add3A_199 = arith.addi %mul3A_197, %add3A_198 : i32
          %get3A_200 = arith.index_cast %add3A_199 : i32 to index
          %get3A_201 = tpu.vector_load %arg6[%get3A_200] {strides = array<i32>} : memref<10240xi32, #tpu.memory_space<vmem>>, vector<16xi32>,
          %get3A_202 = vector.shape_cast %get3A_201 : vector<16xi32> to vector<16xi32>
          %and3A_203 = arith.constant 65535 : i32
          %and3A_204 = vector.broadcast %and3A_203 : i32 to vector<16xi32>
          %and3A_205 = arith.andi %get3A_202, %and3A_204 : vector<16xi32>
          %add3A_206 = vector.broadcast %mul3A_10 : i32 to vector<16xi32>
          %add3A_207 = arith.addi %and3A_205, %add3A_206 : vector<16xi32>
          %swap3A_208 = arith.constant 0 : index
          %swap3A_209 = tpu.vector_load %arg7[%swap3A_208] {strides = array<i32>} : memref<80xi32, #tpu.memory_space<vmem>>, vector<16xi32>,
          %swap3A_210 = vector.shape_cast %swap3A_209 : vector<16xi32> to vector<16xi32>
          %swap3A_211 = vector.shape_cast %add3A_207 : vector<16xi32> to vector<16xi32>
          tpu.vector_store %arg7[%swap3A_208], %swap3A_211 {strides = array<i32>} : memref<80xi32, #tpu.memory_space<vmem>>, vector<16xi32>,
          %mul3A_212 = arith.constant 80 : i32
          %mul3A_213 = arith.muli %add3A_171, %mul3A_212 : i32
          %add3A_214 = arith.constant 16 : i32
          %add3A_215 = arith.addi %mul3A_213, %add3A_214 : i32
          %get3A_216 = arith.index_cast %add3A_215 : i32 to index
          %get3A_217 = tpu.vector_load %arg6[%get3A_216] {strides = array<i32>} : memref<10240xi32, #tpu.memory_space<vmem>>, vector<16xi32>,
          %get3A_218 = vector.shape_cast %get3A_217 : vector<16xi32> to vector<16xi32>
          %and3A_219 = arith.constant 65535 : i32
          %and3A_220 = vector.broadcast %and3A_219 : i32 to vector<16xi32>
          %and3A_221 = arith.andi %get3A_218, %and3A_220 : vector<16xi32>
          %add3A_222 = vector.broadcast %mul3A_10 : i32 to vector<16xi32>
          %add3A_223 = arith.addi %and3A_221, %add3A_222 : vector<16xi32>
          %swap3A_224 = arith.constant 16 : index
          %swap3A_225 = tpu.vector_load %arg7[%swap3A_224] {strides = array<i32>} : memref<80xi32, #tpu.memory_space<vmem>>, vector<16xi32>,
          %swap3A_226 = vector.shape_cast %swap3A_225 : vector<16xi32> to vector<16xi32>
          %swap3A_227 = vector.shape_cast %add3A_223 : vector<16xi32> to vector<16xi32>
          tpu.vector_store %arg7[%swap3A_224], %swap3A_227 {strides = array<i32>} : memref<80xi32, #tpu.memory_space<vmem>>, vector<16xi32>,
          %mul3A_228 = arith.constant 80 : i32
          %mul3A_229 = arith.muli %add3A_171, %mul3A_228 : i32
          %add3A_230 = arith.constant 32 : i32
          %add3A_231 = arith.addi %mul3A_229, %add3A_230 : i32
          %get3A_232 = arith.index_cast %add3A_231 : i32 to index
          %get3A_233 = tpu.vector_load %arg6[%get3A_232] {strides = array<i32>} : memref<10240xi32, #tpu.memory_space<vmem>>, vector<16xi32>,
          %get3A_234 = vector.shape_cast %get3A_233 : vector<16xi32> to vector<16xi32>
          %and3A_235 = arith.constant 65535 : i32
          %and3A_236 = vector.broadcast %and3A_235 : i32 to vector<16xi32>
          %and3A_237 = arith.andi %get3A_234, %and3A_236 : vector<16xi32>
          %add3A_238 = vector.broadcast %mul3A_10 : i32 to vector<16xi32>
          %add3A_239 = arith.addi %and3A_237, %add3A_238 : vector<16xi32>
          %swap3A_240 = arith.constant 32 : index
          %swap3A_241 = tpu.vector_load %arg7[%swap3A_240] {strides = array<i32>} : memref<80xi32, #tpu.memory_space<vmem>>, vector<16xi32>,
          %swap3A_242 = vector.shape_cast %swap3A_241 : vector<16xi32> to vector<16xi32>
          %swap3A_243 = vector.shape_cast %add3A_239 : vector<16xi32> to vector<16xi32>
          tpu.vector_store %arg7[%swap3A_240], %swap3A_243 {strides = array<i32>} : memref<80xi32, #tpu.memory_space<vmem>>, vector<16xi32>,
          %mul3A_244 = arith.constant 80 : i32
          %mul3A_245 = arith.muli %add3A_171, %mul3A_244 : i32
          %add3A_246 = arith.constant 48 : i32
          %add3A_247 = arith.addi %mul3A_245, %add3A_246 : i32
          %get3A_248 = arith.index_cast %add3A_247 : i32 to index
          %get3A_249 = tpu.vector_load %arg6[%get3A_248] {strides = array<i32>} : memref<10240xi32, #tpu.memory_space<vmem>>, vector<16xi32>,
          %get3A_250 = vector.shape_cast %get3A_249 : vector<16xi32> to vector<16xi32>
          %and3A_251 = arith.constant 65535 : i32
          %and3A_252 = vector.broadcast %and3A_251 : i32 to vector<16xi32>
          %and3A_253 = arith.andi %get3A_250, %and3A_252 : vector<16xi32>
          %add3A_254 = vector.broadcast %mul3A_10 : i32 to vector<16xi32>
          %add3A_255 = arith.addi %and3A_253, %add3A_254 : vector<16xi32>
          %swap3A_256 = arith.constant 48 : index
          %swap3A_257 = tpu.vector_load %arg7[%swap3A_256] {strides = array<i32>} : memref<80xi32, #tpu.memory_space<vmem>>, vector<16xi32>,
          %swap3A_258 = vector.shape_cast %swap3A_257 : vector<16xi32> to vector<16xi32>
          %swap3A_259 = vector.shape_cast %add3A_255 : vector<16xi32> to vector<16xi32>
          tpu.vector_store %arg7[%swap3A_256], %swap3A_259 {strides = array<i32>} : memref<80xi32, #tpu.memory_space<vmem>>, vector<16xi32>,
          %mul3A_260 = arith.constant 80 : i32
          %mul3A_261 = arith.muli %add3A_171, %mul3A_260 : i32
          %add3A_262 = arith.constant 64 : i32
          %add3A_263 = arith.addi %mul3A_261, %add3A_262 : i32
          %get3A_264 = arith.index_cast %add3A_263 : i32 to index
          %get3A_265 = tpu.vector_load %arg6[%get3A_264] {strides = array<i32>} : memref<10240xi32, #tpu.memory_space<vmem>>, vector<16xi32>,
          %get3A_266 = vector.shape_cast %get3A_265 : vector<16xi32> to vector<16xi32>
          %and3A_267 = arith.constant 65535 : i32
          %and3A_268 = vector.broadcast %and3A_267 : i32 to vector<16xi32>
          %and3A_269 = arith.andi %get3A_266, %and3A_268 : vector<16xi32>
          %add3A_270 = vector.broadcast %mul3A_10 : i32 to vector<16xi32>
          %add3A_271 = arith.addi %and3A_269, %add3A_270 : vector<16xi32>
          %swap3A_272 = arith.constant 64 : index
          %swap3A_273 = tpu.vector_load %arg7[%swap3A_272] {strides = array<i32>} : memref<80xi32, #tpu.memory_space<vmem>>, vector<16xi32>,
          %swap3A_274 = vector.shape_cast %swap3A_273 : vector<16xi32> to vector<16xi32>
          %swap3A_275 = vector.shape_cast %add3A_271 : vector<16xi32> to vector<16xi32>
          tpu.vector_store %arg7[%swap3A_272], %swap3A_275 {strides = array<i32>} : memref<80xi32, #tpu.memory_space<vmem>>, vector<16xi32>,
          %dma_start3A_276 = arith.constant 0 : i32
          %dma_start3A_277 = arith.constant 0 : i32
          %dma_start3A_278 = tpu.memref_slice %arg3[%dma_start3A_276, %dma_start3A_277] : memref<40000x128xf32, #tpu.memory_space<hbm>> -> memref<40000x128xf32, #tpu.memory_space<hbm>>
          tpu.enqueue_indirect_dma source(%dma_start3A_278 : memref<40000x128xf32, #tpu.memory_space<hbm>>) target(%arg11 : memref<80x128xf32, #tpu.memory_space<vmem>>) offsets(%arg7 : memref<80xi32, #tpu.memory_space<vmem>>) semaphore(%arg14 : memref<!tpu.dma_semaphore, #tpu.memory_space<semaphore_mem>>)
        } else {
        }
        %lt3A_177 = arith.constant 128 : i32
        %lt3A_178 = arith.cmpi slt, %add3A_169, %lt3A_177 : i32
        %convert_element_type3A_179 = arith.extui %lt3A_178 : i1 to i32
        %cond3A_180 = arith.constant 0 : i32
        %cond3A_181 = arith.cmpi ne, %convert_element_type3A_179, %cond3A_180 : i32
        scf.if %cond3A_181 {
          %dma_wait3A = arith.constant 0 : i32
          %dma_wait3A_196 = arith.constant 0 : i32
          %dma_wait3A_197 = tpu.memref_slice %arg3[%dma_wait3A, %dma_wait3A_196] : memref<40000x128xf32, #tpu.memory_space<hbm>> -> memref<40000x128xf32, #tpu.memory_space<hbm>>
          tpu.wait_indirect_dma semaphore(%arg15 : memref<!tpu.dma_semaphore, #tpu.memory_space<semaphore_mem>>) src(%dma_wait3A_197 : memref<40000x128xf32, #tpu.memory_space<hbm>>) dst(%arg12 : memref<80x128xf32, #tpu.memory_space<vmem>>)
          %mul3A_198 = arith.constant 80 : i32
          %mul3A_199 = arith.muli %add3A_169, %mul3A_198 : i32
          %add3A_200 = arith.constant 0 : i32
          %add3A_201 = arith.addi %mul3A_199, %add3A_200 : i32
          %get3A_202 = arith.index_cast %add3A_201 : i32 to index
          %get3A_203 = tpu.vector_load %arg6[%get3A_202] {strides = array<i32>} : memref<10240xi32, #tpu.memory_space<vmem>>, vector<16xi32>,
          %get3A_204 = vector.shape_cast %get3A_203 : vector<16xi32> to vector<16xi32>
          %shift_right_logical3A = arith.constant 16 : i32
          %shift_right_logical3A_205 = vector.broadcast %shift_right_logical3A : i32 to vector<16xi32>
          %shift_right_logical3A_206 = arith.shrui %get3A_204, %shift_right_logical3A_205 : vector<16xi32>
          %swap3A_207 = arith.constant 0 : index
          %swap3A_208 = tpu.vector_load %arg10[%swap3A_207] {strides = array<i32>} : memref<80xi32, #tpu.memory_space<vmem>>, vector<16xi32>,
          %swap3A_209 = vector.shape_cast %swap3A_208 : vector<16xi32> to vector<16xi32>
          %swap3A_210 = vector.shape_cast %shift_right_logical3A_206 : vector<16xi32> to vector<16xi32>
          tpu.vector_store %arg10[%swap3A_207], %swap3A_210 {strides = array<i32>} : memref<80xi32, #tpu.memory_space<vmem>>, vector<16xi32>,
          %mul3A_211 = arith.constant 80 : i32
          %mul3A_212 = arith.muli %add3A_169, %mul3A_211 : i32
          %add3A_213 = arith.constant 16 : i32
          %add3A_214 = arith.addi %mul3A_212, %add3A_213 : i32
          %get3A_215 = arith.index_cast %add3A_214 : i32 to index
          %get3A_216 = tpu.vector_load %arg6[%get3A_215] {strides = array<i32>} : memref<10240xi32, #tpu.memory_space<vmem>>, vector<16xi32>,
          %get3A_217 = vector.shape_cast %get3A_216 : vector<16xi32> to vector<16xi32>
          %shift_right_logical3A_218 = arith.constant 16 : i32
          %shift_right_logical3A_219 = vector.broadcast %shift_right_logical3A_218 : i32 to vector<16xi32>
          %shift_right_logical3A_220 = arith.shrui %get3A_217, %shift_right_logical3A_219 : vector<16xi32>
          %swap3A_221 = arith.constant 16 : index
          %swap3A_222 = tpu.vector_load %arg10[%swap3A_221] {strides = array<i32>} : memref<80xi32, #tpu.memory_space<vmem>>, vector<16xi32>,
          %swap3A_223 = vector.shape_cast %swap3A_222 : vector<16xi32> to vector<16xi32>
          %swap3A_224 = vector.shape_cast %shift_right_logical3A_220 : vector<16xi32> to vector<16xi32>
          tpu.vector_store %arg10[%swap3A_221], %swap3A_224 {strides = array<i32>} : memref<80xi32, #tpu.memory_space<vmem>>, vector<16xi32>,
          %mul3A_225 = arith.constant 80 : i32
          %mul3A_226 = arith.muli %add3A_169, %mul3A_225 : i32
          %add3A_227 = arith.constant 32 : i32
          %add3A_228 = arith.addi %mul3A_226, %add3A_227 : i32
          %get3A_229 = arith.index_cast %add3A_228 : i32 to index
          %get3A_230 = tpu.vector_load %arg6[%get3A_229] {strides = array<i32>} : memref<10240xi32, #tpu.memory_space<vmem>>, vector<16xi32>,
          %get3A_231 = vector.shape_cast %get3A_230 : vector<16xi32> to vector<16xi32>
          %shift_right_logical3A_232 = arith.constant 16 : i32
          %shift_right_logical3A_233 = vector.broadcast %shift_right_logical3A_232 : i32 to vector<16xi32>
          %shift_right_logical3A_234 = arith.shrui %get3A_231, %shift_right_logical3A_233 : vector<16xi32>
          %swap3A_235 = arith.constant 32 : index
          %swap3A_236 = tpu.vector_load %arg10[%swap3A_235] {strides = array<i32>} : memref<80xi32, #tpu.memory_space<vmem>>, vector<16xi32>,
          %swap3A_237 = vector.shape_cast %swap3A_236 : vector<16xi32> to vector<16xi32>
          %swap3A_238 = vector.shape_cast %shift_right_logical3A_234 : vector<16xi32> to vector<16xi32>
          tpu.vector_store %arg10[%swap3A_235], %swap3A_238 {strides = array<i32>} : memref<80xi32, #tpu.memory_space<vmem>>, vector<16xi32>,
          %mul3A_239 = arith.constant 80 : i32
          %mul3A_240 = arith.muli %add3A_169, %mul3A_239 : i32
          %add3A_241 = arith.constant 48 : i32
          %add3A_242 = arith.addi %mul3A_240, %add3A_241 : i32
          %get3A_243 = arith.index_cast %add3A_242 : i32 to index
          %get3A_244 = tpu.vector_load %arg6[%get3A_243] {strides = array<i32>} : memref<10240xi32, #tpu.memory_space<vmem>>, vector<16xi32>,
          %get3A_245 = vector.shape_cast %get3A_244 : vector<16xi32> to vector<16xi32>
          %shift_right_logical3A_246 = arith.constant 16 : i32
          %shift_right_logical3A_247 = vector.broadcast %shift_right_logical3A_246 : i32 to vector<16xi32>
          %shift_right_logical3A_248 = arith.shrui %get3A_245, %shift_right_logical3A_247 : vector<16xi32>
          %swap3A_249 = arith.constant 48 : index
          %swap3A_250 = tpu.vector_load %arg10[%swap3A_249] {strides = array<i32>} : memref<80xi32, #tpu.memory_space<vmem>>, vector<16xi32>,
          %swap3A_251 = vector.shape_cast %swap3A_250 : vector<16xi32> to vector<16xi32>
          %swap3A_252 = vector.shape_cast %shift_right_logical3A_248 : vector<16xi32> to vector<16xi32>
          tpu.vector_store %arg10[%swap3A_249], %swap3A_252 {strides = array<i32>} : memref<80xi32, #tpu.memory_space<vmem>>, vector<16xi32>,
          %mul3A_253 = arith.constant 80 : i32
          %mul3A_254 = arith.muli %add3A_169, %mul3A_253 : i32
          %add3A_255 = arith.constant 64 : i32
          %add3A_256 = arith.addi %mul3A_254, %add3A_255 : i32
          %get3A_257 = arith.index_cast %add3A_256 : i32 to index
          %get3A_258 = tpu.vector_load %arg6[%get3A_257] {strides = array<i32>} : memref<10240xi32, #tpu.memory_space<vmem>>, vector<16xi32>,
          %get3A_259 = vector.shape_cast %get3A_258 : vector<16xi32> to vector<16xi32>
          %shift_right_logical3A_260 = arith.constant 16 : i32
          %shift_right_logical3A_261 = vector.broadcast %shift_right_logical3A_260 : i32 to vector<16xi32>
          %shift_right_logical3A_262 = arith.shrui %get3A_259, %shift_right_logical3A_261 : vector<16xi32>
          %swap3A_263 = arith.constant 64 : index
          %swap3A_264 = tpu.vector_load %arg10[%swap3A_263] {strides = array<i32>} : memref<80xi32, #tpu.memory_space<vmem>>, vector<16xi32>,
          %swap3A_265 = vector.shape_cast %swap3A_264 : vector<16xi32> to vector<16xi32>
          %swap3A_266 = vector.shape_cast %shift_right_logical3A_262 : vector<16xi32> to vector<16xi32>
          tpu.vector_store %arg10[%swap3A_263], %swap3A_266 {strides = array<i32>} : memref<80xi32, #tpu.memory_space<vmem>>, vector<16xi32>,
          "tpu.region"() ({
            %run_scoped3A = tpu.sem_alloc : memref<!tpu.dma_semaphore, #tpu.memory_space<semaphore_mem>>
            %dma_start3A_267 = arith.constant 0 : i32
            %dma_start3A_268 = arith.constant 0 : i32
            %dma_start3A_269 = tpu.memref_slice %arg17[%dma_start3A_267, %dma_start3A_268] : memref<10240x128xf32, #tpu.memory_space<vmem_shared>> -> memref<10240x128xf32, #tpu.memory_space<vmem_shared>>
            tpu.enqueue_indirect_dma source(%arg12 : memref<80x128xf32, #tpu.memory_space<vmem>>) target(%dma_start3A_269 : memref<10240x128xf32, #tpu.memory_space<vmem_shared>>) offsets(%arg10 : memref<80xi32, #tpu.memory_space<vmem>>) semaphore(%run_scoped3A : memref<!tpu.dma_semaphore, #tpu.memory_space<semaphore_mem>>) {add = true}
            %dma_wait3A_270 = arith.constant 0 : i32
            %dma_wait3A_271 = arith.constant 0 : i32
            %dma_wait3A_272 = tpu.memref_slice %arg17[%dma_wait3A_270, %dma_wait3A_271] : memref<10240x128xf32, #tpu.memory_space<vmem_shared>> -> memref<10240x128xf32, #tpu.memory_space<vmem_shared>>
            tpu.wait_indirect_dma semaphore(%run_scoped3A : memref<!tpu.dma_semaphore, #tpu.memory_space<semaphore_mem>>) src(%arg12 : memref<80x128xf32, #tpu.memory_space<vmem>>) dst(%dma_wait3A_272 : memref<10240x128xf32, #tpu.memory_space<vmem_shared>>)
            tpu.yield
          }) : () -> ()
        } else {
        }
        %add3A_182 = arith.constant 2 : i32
        %add3A_183 = arith.addi %mul3A_156, %add3A_182 : i32
        %add3A_184 = arith.constant 2 : i32
        %add3A_185 = arith.addi %add3A_183, %add3A_184 : i32
        %lt3A_186 = arith.constant 128 : i32
        %lt3A_187 = arith.cmpi slt, %add3A_185, %lt3A_186 : i32
        %convert_element_type3A_188 = arith.extui %lt3A_187 : i1 to i32
        %cond3A_189 = arith.constant 0 : i32
        %cond3A_190 = arith.cmpi ne, %convert_element_type3A_188, %cond3A_189 : i32
        scf.if %cond3A_190 {
          %mul3A_196 = arith.constant 80 : i32
          %mul3A_197 = arith.muli %add3A_185, %mul3A_196 : i32
          %add3A_198 = arith.constant 0 : i32
          %add3A_199 = arith.addi %mul3A_197, %add3A_198 : i32
          %get3A_200 = arith.index_cast %add3A_199 : i32 to index
          %get3A_201 = tpu.vector_load %arg6[%get3A_200] {strides = array<i32>} : memref<10240xi32, #tpu.memory_space<vmem>>, vector<16xi32>,
          %get3A_202 = vector.shape_cast %get3A_201 : vector<16xi32> to vector<16xi32>
          %and3A_203 = arith.constant 65535 : i32
          %and3A_204 = vector.broadcast %and3A_203 : i32 to vector<16xi32>
          %and3A_205 = arith.andi %get3A_202, %and3A_204 : vector<16xi32>
          %add3A_206 = vector.broadcast %mul3A_10 : i32 to vector<16xi32>
          %add3A_207 = arith.addi %and3A_205, %add3A_206 : vector<16xi32>
          %swap3A_208 = arith.constant 0 : index
          %swap3A_209 = tpu.vector_load %arg8[%swap3A_208] {strides = array<i32>} : memref<80xi32, #tpu.memory_space<vmem>>, vector<16xi32>,
          %swap3A_210 = vector.shape_cast %swap3A_209 : vector<16xi32> to vector<16xi32>
          %swap3A_211 = vector.shape_cast %add3A_207 : vector<16xi32> to vector<16xi32>
          tpu.vector_store %arg8[%swap3A_208], %swap3A_211 {strides = array<i32>} : memref<80xi32, #tpu.memory_space<vmem>>, vector<16xi32>,
          %mul3A_212 = arith.constant 80 : i32
          %mul3A_213 = arith.muli %add3A_185, %mul3A_212 : i32
          %add3A_214 = arith.constant 16 : i32
          %add3A_215 = arith.addi %mul3A_213, %add3A_214 : i32
          %get3A_216 = arith.index_cast %add3A_215 : i32 to index
          %get3A_217 = tpu.vector_load %arg6[%get3A_216] {strides = array<i32>} : memref<10240xi32, #tpu.memory_space<vmem>>, vector<16xi32>,
          %get3A_218 = vector.shape_cast %get3A_217 : vector<16xi32> to vector<16xi32>
          %and3A_219 = arith.constant 65535 : i32
          %and3A_220 = vector.broadcast %and3A_219 : i32 to vector<16xi32>
          %and3A_221 = arith.andi %get3A_218, %and3A_220 : vector<16xi32>
          %add3A_222 = vector.broadcast %mul3A_10 : i32 to vector<16xi32>
          %add3A_223 = arith.addi %and3A_221, %add3A_222 : vector<16xi32>
          %swap3A_224 = arith.constant 16 : index
          %swap3A_225 = tpu.vector_load %arg8[%swap3A_224] {strides = array<i32>} : memref<80xi32, #tpu.memory_space<vmem>>, vector<16xi32>,
          %swap3A_226 = vector.shape_cast %swap3A_225 : vector<16xi32> to vector<16xi32>
          %swap3A_227 = vector.shape_cast %add3A_223 : vector<16xi32> to vector<16xi32>
          tpu.vector_store %arg8[%swap3A_224], %swap3A_227 {strides = array<i32>} : memref<80xi32, #tpu.memory_space<vmem>>, vector<16xi32>,
          %mul3A_228 = arith.constant 80 : i32
          %mul3A_229 = arith.muli %add3A_185, %mul3A_228 : i32
          %add3A_230 = arith.constant 32 : i32
          %add3A_231 = arith.addi %mul3A_229, %add3A_230 : i32
          %get3A_232 = arith.index_cast %add3A_231 : i32 to index
          %get3A_233 = tpu.vector_load %arg6[%get3A_232] {strides = array<i32>} : memref<10240xi32, #tpu.memory_space<vmem>>, vector<16xi32>,
          %get3A_234 = vector.shape_cast %get3A_233 : vector<16xi32> to vector<16xi32>
          %and3A_235 = arith.constant 65535 : i32
          %and3A_236 = vector.broadcast %and3A_235 : i32 to vector<16xi32>
          %and3A_237 = arith.andi %get3A_234, %and3A_236 : vector<16xi32>
          %add3A_238 = vector.broadcast %mul3A_10 : i32 to vector<16xi32>
          %add3A_239 = arith.addi %and3A_237, %add3A_238 : vector<16xi32>
          %swap3A_240 = arith.constant 32 : index
          %swap3A_241 = tpu.vector_load %arg8[%swap3A_240] {strides = array<i32>} : memref<80xi32, #tpu.memory_space<vmem>>, vector<16xi32>,
          %swap3A_242 = vector.shape_cast %swap3A_241 : vector<16xi32> to vector<16xi32>
          %swap3A_243 = vector.shape_cast %add3A_239 : vector<16xi32> to vector<16xi32>
          tpu.vector_store %arg8[%swap3A_240], %swap3A_243 {strides = array<i32>} : memref<80xi32, #tpu.memory_space<vmem>>, vector<16xi32>,
          %mul3A_244 = arith.constant 80 : i32
          %mul3A_245 = arith.muli %add3A_185, %mul3A_244 : i32
          %add3A_246 = arith.constant 48 : i32
          %add3A_247 = arith.addi %mul3A_245, %add3A_246 : i32
          %get3A_248 = arith.index_cast %add3A_247 : i32 to index
          %get3A_249 = tpu.vector_load %arg6[%get3A_248] {strides = array<i32>} : memref<10240xi32, #tpu.memory_space<vmem>>, vector<16xi32>,
          %get3A_250 = vector.shape_cast %get3A_249 : vector<16xi32> to vector<16xi32>
          %and3A_251 = arith.constant 65535 : i32
          %and3A_252 = vector.broadcast %and3A_251 : i32 to vector<16xi32>
          %and3A_253 = arith.andi %get3A_250, %and3A_252 : vector<16xi32>
          %add3A_254 = vector.broadcast %mul3A_10 : i32 to vector<16xi32>
          %add3A_255 = arith.addi %and3A_253, %add3A_254 : vector<16xi32>
          %swap3A_256 = arith.constant 48 : index
          %swap3A_257 = tpu.vector_load %arg8[%swap3A_256] {strides = array<i32>} : memref<80xi32, #tpu.memory_space<vmem>>, vector<16xi32>,
          %swap3A_258 = vector.shape_cast %swap3A_257 : vector<16xi32> to vector<16xi32>
          %swap3A_259 = vector.shape_cast %add3A_255 : vector<16xi32> to vector<16xi32>
          tpu.vector_store %arg8[%swap3A_256], %swap3A_259 {strides = array<i32>} : memref<80xi32, #tpu.memory_space<vmem>>, vector<16xi32>,
          %mul3A_260 = arith.constant 80 : i32
          %mul3A_261 = arith.muli %add3A_185, %mul3A_260 : i32
          %add3A_262 = arith.constant 64 : i32
          %add3A_263 = arith.addi %mul3A_261, %add3A_262 : i32
          %get3A_264 = arith.index_cast %add3A_263 : i32 to index
          %get3A_265 = tpu.vector_load %arg6[%get3A_264] {strides = array<i32>} : memref<10240xi32, #tpu.memory_space<vmem>>, vector<16xi32>,
          %get3A_266 = vector.shape_cast %get3A_265 : vector<16xi32> to vector<16xi32>
          %and3A_267 = arith.constant 65535 : i32
          %and3A_268 = vector.broadcast %and3A_267 : i32 to vector<16xi32>
          %and3A_269 = arith.andi %get3A_266, %and3A_268 : vector<16xi32>
          %add3A_270 = vector.broadcast %mul3A_10 : i32 to vector<16xi32>
          %add3A_271 = arith.addi %and3A_269, %add3A_270 : vector<16xi32>
          %swap3A_272 = arith.constant 64 : index
          %swap3A_273 = tpu.vector_load %arg8[%swap3A_272] {strides = array<i32>} : memref<80xi32, #tpu.memory_space<vmem>>, vector<16xi32>,
          %swap3A_274 = vector.shape_cast %swap3A_273 : vector<16xi32> to vector<16xi32>
          %swap3A_275 = vector.shape_cast %add3A_271 : vector<16xi32> to vector<16xi32>
          tpu.vector_store %arg8[%swap3A_272], %swap3A_275 {strides = array<i32>} : memref<80xi32, #tpu.memory_space<vmem>>, vector<16xi32>,
          %dma_start3A_276 = arith.constant 0 : i32
          %dma_start3A_277 = arith.constant 0 : i32
          %dma_start3A_278 = tpu.memref_slice %arg3[%dma_start3A_276, %dma_start3A_277] : memref<40000x128xf32, #tpu.memory_space<hbm>> -> memref<40000x128xf32, #tpu.memory_space<hbm>>
          tpu.enqueue_indirect_dma source(%dma_start3A_278 : memref<40000x128xf32, #tpu.memory_space<hbm>>) target(%arg12 : memref<80x128xf32, #tpu.memory_space<vmem>>) offsets(%arg8 : memref<80xi32, #tpu.memory_space<vmem>>) semaphore(%arg15 : memref<!tpu.dma_semaphore, #tpu.memory_space<semaphore_mem>>)
        } else {
        }
        %lt3A_191 = arith.constant 128 : i32
        %lt3A_192 = arith.cmpi slt, %add3A_183, %lt3A_191 : i32
        %convert_element_type3A_193 = arith.extui %lt3A_192 : i1 to i32
        %cond3A_194 = arith.constant 0 : i32
        %cond3A_195 = arith.cmpi ne, %convert_element_type3A_193, %cond3A_194 : i32
        scf.if %cond3A_195 {
          %dma_wait3A = arith.constant 0 : i32
          %dma_wait3A_196 = arith.constant 0 : i32
          %dma_wait3A_197 = tpu.memref_slice %arg3[%dma_wait3A, %dma_wait3A_196] : memref<40000x128xf32, #tpu.memory_space<hbm>> -> memref<40000x128xf32, #tpu.memory_space<hbm>>
          tpu.wait_indirect_dma semaphore(%arg16 : memref<!tpu.dma_semaphore, #tpu.memory_space<semaphore_mem>>) src(%dma_wait3A_197 : memref<40000x128xf32, #tpu.memory_space<hbm>>) dst(%arg13 : memref<80x128xf32, #tpu.memory_space<vmem>>)
          %mul3A_198 = arith.constant 80 : i32
          %mul3A_199 = arith.muli %add3A_183, %mul3A_198 : i32
          %add3A_200 = arith.constant 0 : i32
          %add3A_201 = arith.addi %mul3A_199, %add3A_200 : i32
          %get3A_202 = arith.index_cast %add3A_201 : i32 to index
          %get3A_203 = tpu.vector_load %arg6[%get3A_202] {strides = array<i32>} : memref<10240xi32, #tpu.memory_space<vmem>>, vector<16xi32>,
          %get3A_204 = vector.shape_cast %get3A_203 : vector<16xi32> to vector<16xi32>
          %shift_right_logical3A = arith.constant 16 : i32
          %shift_right_logical3A_205 = vector.broadcast %shift_right_logical3A : i32 to vector<16xi32>
          %shift_right_logical3A_206 = arith.shrui %get3A_204, %shift_right_logical3A_205 : vector<16xi32>
          %swap3A_207 = arith.constant 0 : index
          %swap3A_208 = tpu.vector_load %arg10[%swap3A_207] {strides = array<i32>} : memref<80xi32, #tpu.memory_space<vmem>>, vector<16xi32>,
          %swap3A_209 = vector.shape_cast %swap3A_208 : vector<16xi32> to vector<16xi32>
          %swap3A_210 = vector.shape_cast %shift_right_logical3A_206 : vector<16xi32> to vector<16xi32>
          tpu.vector_store %arg10[%swap3A_207], %swap3A_210 {strides = array<i32>} : memref<80xi32, #tpu.memory_space<vmem>>, vector<16xi32>,
          %mul3A_211 = arith.constant 80 : i32
          %mul3A_212 = arith.muli %add3A_183, %mul3A_211 : i32
          %add3A_213 = arith.constant 16 : i32
          %add3A_214 = arith.addi %mul3A_212, %add3A_213 : i32
          %get3A_215 = arith.index_cast %add3A_214 : i32 to index
          %get3A_216 = tpu.vector_load %arg6[%get3A_215] {strides = array<i32>} : memref<10240xi32, #tpu.memory_space<vmem>>, vector<16xi32>,
          %get3A_217 = vector.shape_cast %get3A_216 : vector<16xi32> to vector<16xi32>
          %shift_right_logical3A_218 = arith.constant 16 : i32
          %shift_right_logical3A_219 = vector.broadcast %shift_right_logical3A_218 : i32 to vector<16xi32>
          %shift_right_logical3A_220 = arith.shrui %get3A_217, %shift_right_logical3A_219 : vector<16xi32>
          %swap3A_221 = arith.constant 16 : index
          %swap3A_222 = tpu.vector_load %arg10[%swap3A_221] {strides = array<i32>} : memref<80xi32, #tpu.memory_space<vmem>>, vector<16xi32>,
          %swap3A_223 = vector.shape_cast %swap3A_222 : vector<16xi32> to vector<16xi32>
          %swap3A_224 = vector.shape_cast %shift_right_logical3A_220 : vector<16xi32> to vector<16xi32>
          tpu.vector_store %arg10[%swap3A_221], %swap3A_224 {strides = array<i32>} : memref<80xi32, #tpu.memory_space<vmem>>, vector<16xi32>,
          %mul3A_225 = arith.constant 80 : i32
          %mul3A_226 = arith.muli %add3A_183, %mul3A_225 : i32
          %add3A_227 = arith.constant 32 : i32
          %add3A_228 = arith.addi %mul3A_226, %add3A_227 : i32
          %get3A_229 = arith.index_cast %add3A_228 : i32 to index
          %get3A_230 = tpu.vector_load %arg6[%get3A_229] {strides = array<i32>} : memref<10240xi32, #tpu.memory_space<vmem>>, vector<16xi32>,
          %get3A_231 = vector.shape_cast %get3A_230 : vector<16xi32> to vector<16xi32>
          %shift_right_logical3A_232 = arith.constant 16 : i32
          %shift_right_logical3A_233 = vector.broadcast %shift_right_logical3A_232 : i32 to vector<16xi32>
          %shift_right_logical3A_234 = arith.shrui %get3A_231, %shift_right_logical3A_233 : vector<16xi32>
          %swap3A_235 = arith.constant 32 : index
          %swap3A_236 = tpu.vector_load %arg10[%swap3A_235] {strides = array<i32>} : memref<80xi32, #tpu.memory_space<vmem>>, vector<16xi32>,
          %swap3A_237 = vector.shape_cast %swap3A_236 : vector<16xi32> to vector<16xi32>
          %swap3A_238 = vector.shape_cast %shift_right_logical3A_234 : vector<16xi32> to vector<16xi32>
          tpu.vector_store %arg10[%swap3A_235], %swap3A_238 {strides = array<i32>} : memref<80xi32, #tpu.memory_space<vmem>>, vector<16xi32>,
          %mul3A_239 = arith.constant 80 : i32
          %mul3A_240 = arith.muli %add3A_183, %mul3A_239 : i32
          %add3A_241 = arith.constant 48 : i32
          %add3A_242 = arith.addi %mul3A_240, %add3A_241 : i32
          %get3A_243 = arith.index_cast %add3A_242 : i32 to index
          %get3A_244 = tpu.vector_load %arg6[%get3A_243] {strides = array<i32>} : memref<10240xi32, #tpu.memory_space<vmem>>, vector<16xi32>,
          %get3A_245 = vector.shape_cast %get3A_244 : vector<16xi32> to vector<16xi32>
          %shift_right_logical3A_246 = arith.constant 16 : i32
          %shift_right_logical3A_247 = vector.broadcast %shift_right_logical3A_246 : i32 to vector<16xi32>
          %shift_right_logical3A_248 = arith.shrui %get3A_245, %shift_right_logical3A_247 : vector<16xi32>
          %swap3A_249 = arith.constant 48 : index
          %swap3A_250 = tpu.vector_load %arg10[%swap3A_249] {strides = array<i32>} : memref<80xi32, #tpu.memory_space<vmem>>, vector<16xi32>,
          %swap3A_251 = vector.shape_cast %swap3A_250 : vector<16xi32> to vector<16xi32>
          %swap3A_252 = vector.shape_cast %shift_right_logical3A_248 : vector<16xi32> to vector<16xi32>
          tpu.vector_store %arg10[%swap3A_249], %swap3A_252 {strides = array<i32>} : memref<80xi32, #tpu.memory_space<vmem>>, vector<16xi32>,
          %mul3A_253 = arith.constant 80 : i32
          %mul3A_254 = arith.muli %add3A_183, %mul3A_253 : i32
          %add3A_255 = arith.constant 64 : i32
          %add3A_256 = arith.addi %mul3A_254, %add3A_255 : i32
          %get3A_257 = arith.index_cast %add3A_256 : i32 to index
          %get3A_258 = tpu.vector_load %arg6[%get3A_257] {strides = array<i32>} : memref<10240xi32, #tpu.memory_space<vmem>>, vector<16xi32>,
          %get3A_259 = vector.shape_cast %get3A_258 : vector<16xi32> to vector<16xi32>
          %shift_right_logical3A_260 = arith.constant 16 : i32
          %shift_right_logical3A_261 = vector.broadcast %shift_right_logical3A_260 : i32 to vector<16xi32>
          %shift_right_logical3A_262 = arith.shrui %get3A_259, %shift_right_logical3A_261 : vector<16xi32>
          %swap3A_263 = arith.constant 64 : index
          %swap3A_264 = tpu.vector_load %arg10[%swap3A_263] {strides = array<i32>} : memref<80xi32, #tpu.memory_space<vmem>>, vector<16xi32>,
          %swap3A_265 = vector.shape_cast %swap3A_264 : vector<16xi32> to vector<16xi32>
          %swap3A_266 = vector.shape_cast %shift_right_logical3A_262 : vector<16xi32> to vector<16xi32>
          tpu.vector_store %arg10[%swap3A_263], %swap3A_266 {strides = array<i32>} : memref<80xi32, #tpu.memory_space<vmem>>, vector<16xi32>,
          "tpu.region"() ({
            %run_scoped3A = tpu.sem_alloc : memref<!tpu.dma_semaphore, #tpu.memory_space<semaphore_mem>>
            %dma_start3A_267 = arith.constant 0 : i32
            %dma_start3A_268 = arith.constant 0 : i32
            %dma_start3A_269 = tpu.memref_slice %arg17[%dma_start3A_267, %dma_start3A_268] : memref<10240x128xf32, #tpu.memory_space<vmem_shared>> -> memref<10240x128xf32, #tpu.memory_space<vmem_shared>>
            tpu.enqueue_indirect_dma source(%arg13 : memref<80x128xf32, #tpu.memory_space<vmem>>) target(%dma_start3A_269 : memref<10240x128xf32, #tpu.memory_space<vmem_shared>>) offsets(%arg10 : memref<80xi32, #tpu.memory_space<vmem>>) semaphore(%run_scoped3A : memref<!tpu.dma_semaphore, #tpu.memory_space<semaphore_mem>>) {add = true}
            %dma_wait3A_270 = arith.constant 0 : i32
            %dma_wait3A_271 = arith.constant 0 : i32
            %dma_wait3A_272 = tpu.memref_slice %arg17[%dma_wait3A_270, %dma_wait3A_271] : memref<10240x128xf32, #tpu.memory_space<vmem_shared>> -> memref<10240x128xf32, #tpu.memory_space<vmem_shared>>
            tpu.wait_indirect_dma semaphore(%run_scoped3A : memref<!tpu.dma_semaphore, #tpu.memory_space<semaphore_mem>>) src(%arg13 : memref<80x128xf32, #tpu.memory_space<vmem>>) dst(%dma_wait3A_272 : memref<10240x128xf32, #tpu.memory_space<vmem_shared>>)
            tpu.yield
          }) : () -> ()
        } else {
        }
      }
      %scan3A_144 = arith.constant 43 : i32
      %barrier3A_145 = arith.constant 0 : index
      tpu.barrier barrier_id(%barrier3A_145)
      %mul3A_146 = arith.constant 640 : i32
      %mul3A_147 = arith.muli %arg1, %mul3A_146 : i32
      %mul3A_148 = arith.constant 10240 : i32
      %mul3A_149 = arith.muli %add3A, %mul3A_148 : i32
      %mul3A_150 = arith.constant 640 : i32
      %mul3A_151 = arith.muli %arg1, %mul3A_150 : i32
      %add3A_152 = arith.addi %mul3A_149, %mul3A_151 : i32
      "tpu.region"() ({
        %run_scoped3A = tpu.sem_alloc : memref<!tpu.dma_semaphore, #tpu.memory_space<semaphore_mem>>
        %dma_start3A_154 = arith.constant 0 : i32
        %dma_start3A_155 = tpu.memref_slice %arg5[%add3A_152, %dma_start3A_154] : memref<40960x128xf32, #tpu.memory_space<hbm>> -> memref<640x128xf32, #tpu.memory_space<hbm>>
        %dma_start3A_156 = arith.constant 0 : i32
        %dma_start3A_157 = tpu.memref_slice %arg17[%mul3A_147, %dma_start3A_156] : memref<10240x128xf32, #tpu.memory_space<vmem_shared>> -> memref<640x128xf32, #tpu.memory_space<vmem_shared>>
        tpu.enqueue_dma source(%dma_start3A_157 : memref<640x128xf32, #tpu.memory_space<vmem_shared>>) target(%dma_start3A_155 : memref<640x128xf32, #tpu.memory_space<hbm>>) target_semaphore(%run_scoped3A : memref<!tpu.dma_semaphore, #tpu.memory_space<semaphore_mem>>)
        %dma_wait3A = arith.constant 0 : i32
        %dma_wait3A_158 = tpu.memref_slice %arg5[%add3A_152, %dma_wait3A] : memref<40960x128xf32, #tpu.memory_space<hbm>> -> memref<640x128xf32, #tpu.memory_space<hbm>>
        %dma_wait3A_159 = arith.constant 0 : i32
        %dma_wait3A_160 = tpu.memref_slice %arg17[%mul3A_147, %dma_wait3A_159] : memref<10240x128xf32, #tpu.memory_space<vmem_shared>> -> memref<640x128xf32, #tpu.memory_space<vmem_shared>>
        tpu.wait_dma2 semaphore(%run_scoped3A : memref<!tpu.dma_semaphore, #tpu.memory_space<semaphore_mem>>) src(%dma_wait3A_160 : memref<640x128xf32, #tpu.memory_space<vmem_shared>>) dst(%dma_wait3A_158 : memref<640x128xf32, #tpu.memory_space<hbm>>)
        tpu.yield
      }) : () -> ()
      %barrier3A_153 = arith.constant 0 : index
      tpu.barrier barrier_id(%barrier3A_153)
    }
    %scan3A_5 = arith.constant 2 : i32
    return
  }
}

#map = affine_map<(d0, d1) -> (0)>
#map1 = affine_map<(d0, d1) -> (0, 0)>
module attributes {stable_mosaic.version = 14 : i64} {
  func.func @k(%arg0: i32, %arg1: i32, %arg2: memref<163840xi32, #tpu.memory_space<hbm>>, %arg3: memref<40000x128xf32, #tpu.memory_space<hbm>>, %arg4: memref<128x128xf32, #tpu.memory_space<hbm>>, %arg5: memref<40960x128xf32, #tpu.memory_space<hbm>>, %arg6: memref<10240xi32, #tpu.memory_space<vmem>>, %arg7: memref<80xi32, #tpu.memory_space<vmem>>, %arg8: memref<80xi32, #tpu.memory_space<vmem>>, %arg9: memref<80xi32, #tpu.memory_space<vmem>>, %arg10: memref<80xi32, #tpu.memory_space<vmem>>, %arg11: memref<80x128xf32, #tpu.memory_space<vmem>>, %arg12: memref<80x128xf32, #tpu.memory_space<vmem>>, %arg13: memref<80x128xf32, #tpu.memory_space<vmem>>, %arg14: memref<!tpu.dma_semaphore, #tpu.memory_space<semaphore_mem>>, %arg15: memref<!tpu.dma_semaphore, #tpu.memory_space<semaphore_mem>>, %arg16: memref<!tpu.dma_semaphore, #tpu.memory_space<semaphore_mem>>, %arg17: memref<10240x128xf32, #tpu.memory_space<vmem_shared>>) attributes {dimension_semantics = [#tpu.dimension_semantics<core_parallel>, #tpu.dimension_semantics<subcore_parallel>], iteration_bounds = array<i64: 2, 16>, scalar_prefetch = 0 : i64, scratch_operands = 12 : i64, tpu.core_type = #tpu.core_type<sc_vector_subcore>, window_params = [{transform_indices = #map}, {transform_indices = #map1}, {transform_indices = #map1}, {transform_indices = #map1}]} {
    %mul3A = arith.constant 10240 : i32
    %mul3A_0 = arith.muli %arg1, %mul3A : i32
    "tpu.region"() ({
      %run_scoped3A = tpu.sem_alloc : memref<!tpu.dma_semaphore, #tpu.memory_space<semaphore_mem>>
      %dma_start3A = tpu.memref_slice %arg2[%mul3A_0] : memref<163840xi32, #tpu.memory_space<hbm>> -> memref<10240xi32, #tpu.memory_space<hbm>>
      %dma_start3A_6 = tpu.memref_slice %arg2[%mul3A_0] : memref<163840xi32, #tpu.memory_space<hbm>> -> memref<10240xi32, #tpu.memory_space<hbm>>
      tpu.enqueue_dma source(%dma_start3A_6 : memref<10240xi32, #tpu.memory_space<hbm>>) target(%arg6 : memref<10240xi32, #tpu.memory_space<vmem>>) target_semaphore(%run_scoped3A : memref<!tpu.dma_semaphore, #tpu.memory_space<semaphore_mem>>)
      %dma_wait3A = tpu.memref_slice %arg2[%mul3A_0] : memref<163840xi32, #tpu.memory_space<hbm>> -> memref<10240xi32, #tpu.memory_space<hbm>>
      %dma_wait3A_7 = tpu.memref_slice %arg2[%mul3A_0] : memref<163840xi32, #tpu.memory_space<hbm>> -> memref<10240xi32, #tpu.memory_space<hbm>>
      tpu.wait_dma2 semaphore(%run_scoped3A : memref<!tpu.dma_semaphore, #tpu.memory_space<semaphore_mem>>) src(%dma_wait3A_7 : memref<10240xi32, #tpu.memory_space<hbm>>) dst(%arg6 : memref<10240xi32, #tpu.memory_space<vmem>>)
      tpu.yield
    }) : () -> ()
    %scan3A = arith.constant 0 : i32
    %scan3A_1 = arith.constant 0 : i32
    %scan3A_2 = arith.constant 2 : i32
    %scan3A_3 = arith.addi %scan3A_1, %scan3A_2 : i32
    %scan3A_4 = arith.constant 1 : i32
    scf.for %scan3A_6 = %scan3A_1 to %scan3A_3 step %scan3A_4  : i32 {
      %mul3A_7 = arith.constant 2 : i32
      %mul3A_8 = arith.muli %mul3A_7, %arg0 : i32
      %add3A = arith.addi %mul3A_8, %scan3A_6 : i32
      %mul3A_9 = arith.constant 10000 : i32
      %mul3A_10 = arith.muli %add3A, %mul3A_9 : i32
      %scan3A_11 = arith.constant 0 : i32
      %scan3A_12 = arith.constant 0 : i32
      %scan3A_13 = arith.constant 5 : i32
      %scan3A_14 = arith.addi %scan3A_12, %scan3A_13 : i32
      %scan3A_15 = arith.constant 1 : i32
      scf.for %scan3A_154 = %scan3A_12 to %scan3A_14 step %scan3A_15  : i32 {
        %mul3A_155 = arith.constant 640 : i32
        %mul3A_156 = arith.muli %arg1, %mul3A_155 : i32
        %mul3A_157 = arith.constant 128 : i32
        %mul3A_158 = arith.muli %scan3A_154, %mul3A_157 : i32
        %add3A_159 = arith.addi %mul3A_156, %mul3A_158 : i32
        "tpu.region"() ({
          %run_scoped3A = tpu.sem_alloc : memref<!tpu.dma_semaphore, #tpu.memory_space<semaphore_mem>>
          %dma_start3A_160 = arith.constant 0 : i32
          %dma_start3A_161 = tpu.memref_slice %arg17[%add3A_159, %dma_start3A_160] : memref<10240x128xf32, #tpu.memory_space<vmem_shared>> -> memref<128x128xf32, #tpu.memory_space<vmem_shared>>
          tpu.enqueue_dma source(%arg4 : memref<128x128xf32, #tpu.memory_space<hbm>>) target(%dma_start3A_161 : memref<128x128xf32, #tpu.memory_space<vmem_shared>>) target_semaphore(%run_scoped3A : memref<!tpu.dma_semaphore, #tpu.memory_space<semaphore_mem>>)
          %dma_wait3A = arith.constant 0 : i32
          %dma_wait3A_162 = tpu.memref_slice %arg17[%add3A_159, %dma_wait3A] : memref<10240x128xf32, #tpu.memory_space<vmem_shared>> -> memref<128x128xf32, #tpu.memory_space<vmem_shared>>
          tpu.wait_dma2 semaphore(%run_scoped3A : memref<!tpu.dma_semaphore, #tpu.memory_space<semaphore_mem>>) src(%arg4 : memref<128x128xf32, #tpu.memory_space<hbm>>) dst(%dma_wait3A_162 : memref<128x128xf32, #tpu.memory_space<vmem_shared>>)
          tpu.yield
        }) : () -> ()
      }
      %scan3A_16 = arith.constant 5 : i32
      %barrier3A = arith.constant 0 : index
      tpu.barrier barrier_id(%barrier3A)
      %get3A = arith.constant 0 : index
      %get3A_17 = tpu.vector_load %arg6[%get3A] {strides = array<i32>} : memref<10240xi32, #tpu.memory_space<vmem>>, vector<16xi32>,
      %get3A_18 = vector.shape_cast %get3A_17 : vector<16xi32> to vector<16xi32>
      %and3A = arith.constant 65535 : i32
      %and3A_19 = vector.broadcast %and3A : i32 to vector<16xi32>
      %and3A_20 = arith.andi %get3A_18, %and3A_19 : vector<16xi32>
      %add3A_21 = vector.broadcast %mul3A_10 : i32 to vector<16xi32>
      %add3A_22 = arith.addi %and3A_20, %add3A_21 : vector<16xi32>
      %swap3A = arith.constant 0 : index
      %swap3A_23 = tpu.vector_load %arg7[%swap3A] {strides = array<i32>} : memref<80xi32, #tpu.memory_space<vmem>>, vector<16xi32>,
      %swap3A_24 = vector.shape_cast %swap3A_23 : vector<16xi32> to vector<16xi32>
      %swap3A_25 = vector.shape_cast %add3A_22 : vector<16xi32> to vector<16xi32>
      tpu.vector_store %arg7[%swap3A], %swap3A_25 {strides = array<i32>} : memref<80xi32, #tpu.memory_space<vmem>>, vector<16xi32>,
      %get3A_26 = arith.constant 16 : index
      %get3A_27 = tpu.vector_load %arg6[%get3A_26] {strides = array<i32>} : memref<10240xi32, #tpu.memory_space<vmem>>, vector<16xi32>,
      %get3A_28 = vector.shape_cast %get3A_27 : vector<16xi32> to vector<16xi32>
      %and3A_29 = arith.constant 65535 : i32
      %and3A_30 = vector.broadcast %and3A_29 : i32 to vector<16xi32>
      %and3A_31 = arith.andi %get3A_28, %and3A_30 : vector<16xi32>
      %add3A_32 = vector.broadcast %mul3A_10 : i32 to vector<16xi32>
      %add3A_33 = arith.addi %and3A_31, %add3A_32 : vector<16xi32>
      %swap3A_34 = arith.constant 16 : index
      %swap3A_35 = tpu.vector_load %arg7[%swap3A_34] {strides = array<i32>} : memref<80xi32, #tpu.memory_space<vmem>>, vector<16xi32>,
      %swap3A_36 = vector.shape_cast %swap3A_35 : vector<16xi32> to vector<16xi32>
      %swap3A_37 = vector.shape_cast %add3A_33 : vector<16xi32> to vector<16xi32>
      tpu.vector_store %arg7[%swap3A_34], %swap3A_37 {strides = array<i32>} : memref<80xi32, #tpu.memory_space<vmem>>, vector<16xi32>,
      %get3A_38 = arith.constant 32 : index
      %get3A_39 = tpu.vector_load %arg6[%get3A_38] {strides = array<i32>} : memref<10240xi32, #tpu.memory_space<vmem>>, vector<16xi32>,
      %get3A_40 = vector.shape_cast %get3A_39 : vector<16xi32> to vector<16xi32>
      %and3A_41 = arith.constant 65535 : i32
      %and3A_42 = vector.broadcast %and3A_41 : i32 to vector<16xi32>
      %and3A_43 = arith.andi %get3A_40, %and3A_42 : vector<16xi32>
      %add3A_44 = vector.broadcast %mul3A_10 : i32 to vector<16xi32>
      %add3A_45 = arith.addi %and3A_43, %add3A_44 : vector<16xi32>
      %swap3A_46 = arith.constant 32 : index
      %swap3A_47 = tpu.vector_load %arg7[%swap3A_46] {strides = array<i32>} : memref<80xi32, #tpu.memory_space<vmem>>, vector<16xi32>,
      %swap3A_48 = vector.shape_cast %swap3A_47 : vector<16xi32> to vector<16xi32>
      %swap3A_49 = vector.shape_cast %add3A_45 : vector<16xi32> to vector<16xi32>
      tpu.vector_store %arg7[%swap3A_46], %swap3A_49 {strides = array<i32>} : memref<80xi32, #tpu.memory_space<vmem>>, vector<16xi32>,
      %get3A_50 = arith.constant 48 : index
      %get3A_51 = tpu.vector_load %arg6[%get3A_50] {strides = array<i32>} : memref<10240xi32, #tpu.memory_space<vmem>>, vector<16xi32>,
      %get3A_52 = vector.shape_cast %get3A_51 : vector<16xi32> to vector<16xi32>
      %and3A_53 = arith.constant 65535 : i32
      %and3A_54 = vector.broadcast %and3A_53 : i32 to vector<16xi32>
      %and3A_55 = arith.andi %get3A_52, %and3A_54 : vector<16xi32>
      %add3A_56 = vector.broadcast %mul3A_10 : i32 to vector<16xi32>
      %add3A_57 = arith.addi %and3A_55, %add3A_56 : vector<16xi32>
      %swap3A_58 = arith.constant 48 : index
      %swap3A_59 = tpu.vector_load %arg7[%swap3A_58] {strides = array<i32>} : memref<80xi32, #tpu.memory_space<vmem>>, vector<16xi32>,
      %swap3A_60 = vector.shape_cast %swap3A_59 : vector<16xi32> to vector<16xi32>
      %swap3A_61 = vector.shape_cast %add3A_57 : vector<16xi32> to vector<16xi32>
      tpu.vector_store %arg7[%swap3A_58], %swap3A_61 {strides = array<i32>} : memref<80xi32, #tpu.memory_space<vmem>>, vector<16xi32>,
      %get3A_62 = arith.constant 64 : index
      %get3A_63 = tpu.vector_load %arg6[%get3A_62] {strides = array<i32>} : memref<10240xi32, #tpu.memory_space<vmem>>, vector<16xi32>,
      %get3A_64 = vector.shape_cast %get3A_63 : vector<16xi32> to vector<16xi32>
      %and3A_65 = arith.constant 65535 : i32
      %and3A_66 = vector.broadcast %and3A_65 : i32 to vector<16xi32>
      %and3A_67 = arith.andi %get3A_64, %and3A_66 : vector<16xi32>
      %add3A_68 = vector.broadcast %mul3A_10 : i32 to vector<16xi32>
      %add3A_69 = arith.addi %and3A_67, %add3A_68 : vector<16xi32>
      %swap3A_70 = arith.constant 64 : index
      %swap3A_71 = tpu.vector_load %arg7[%swap3A_70] {strides = array<i32>} : memref<80xi32, #tpu.memory_space<vmem>>, vector<16xi32>,
      %swap3A_72 = vector.shape_cast %swap3A_71 : vector<16xi32> to vector<16xi32>
      %swap3A_73 = vector.shape_cast %add3A_69 : vector<16xi32> to vector<16xi32>
      tpu.vector_store %arg7[%swap3A_70], %swap3A_73 {strides = array<i32>} : memref<80xi32, #tpu.memory_space<vmem>>, vector<16xi32>,
      %dma_start3A = arith.constant 0 : i32
      %dma_start3A_74 = arith.constant 0 : i32
      %dma_start3A_75 = tpu.memref_slice %arg3[%dma_start3A, %dma_start3A_74] : memref<40000x128xf32, #tpu.memory_space<hbm>> -> memref<40000x128xf32, #tpu.memory_space<hbm>>
      tpu.enqueue_indirect_dma source(%dma_start3A_75 : memref<40000x128xf32, #tpu.memory_space<hbm>>) target(%arg11 : memref<80x128xf32, #tpu.memory_space<vmem>>) offsets(%arg7 : memref<80xi32, #tpu.memory_space<vmem>>) semaphore(%arg14 : memref<!tpu.dma_semaphore, #tpu.memory_space<semaphore_mem>>)
      %get3A_76 = arith.constant 80 : index
      %get3A_77 = tpu.vector_load %arg6[%get3A_76] {strides = array<i32>} : memref<10240xi32, #tpu.memory_space<vmem>>, vector<16xi32>,
      %get3A_78 = vector.shape_cast %get3A_77 : vector<16xi32> to vector<16xi32>
      %and3A_79 = arith.constant 65535 : i32
      %and3A_80 = vector.broadcast %and3A_79 : i32 to vector<16xi32>
      %and3A_81 = arith.andi %get3A_78, %and3A_80 : vector<16xi32>
      %add3A_82 = vector.broadcast %mul3A_10 : i32 to vector<16xi32>
      %add3A_83 = arith.addi %and3A_81, %add3A_82 : vector<16xi32>
      %swap3A_84 = arith.constant 0 : index
      %swap3A_85 = tpu.vector_load %arg8[%swap3A_84] {strides = array<i32>} : memref<80xi32, #tpu.memory_space<vmem>>, vector<16xi32>,
      %swap3A_86 = vector.shape_cast %swap3A_85 : vector<16xi32> to vector<16xi32>
      %swap3A_87 = vector.shape_cast %add3A_83 : vector<16xi32> to vector<16xi32>
      tpu.vector_store %arg8[%swap3A_84], %swap3A_87 {strides = array<i32>} : memref<80xi32, #tpu.memory_space<vmem>>, vector<16xi32>,
      %get3A_88 = arith.constant 96 : index
      %get3A_89 = tpu.vector_load %arg6[%get3A_88] {strides = array<i32>} : memref<10240xi32, #tpu.memory_space<vmem>>, vector<16xi32>,
      %get3A_90 = vector.shape_cast %get3A_89 : vector<16xi32> to vector<16xi32>
      %and3A_91 = arith.constant 65535 : i32
      %and3A_92 = vector.broadcast %and3A_91 : i32 to vector<16xi32>
      %and3A_93 = arith.andi %get3A_90, %and3A_92 : vector<16xi32>
      %add3A_94 = vector.broadcast %mul3A_10 : i32 to vector<16xi32>
      %add3A_95 = arith.addi %and3A_93, %add3A_94 : vector<16xi32>
      %swap3A_96 = arith.constant 16 : index
      %swap3A_97 = tpu.vector_load %arg8[%swap3A_96] {strides = array<i32>} : memref<80xi32, #tpu.memory_space<vmem>>, vector<16xi32>,
      %swap3A_98 = vector.shape_cast %swap3A_97 : vector<16xi32> to vector<16xi32>
      %swap3A_99 = vector.shape_cast %add3A_95 : vector<16xi32> to vector<16xi32>
      tpu.vector_store %arg8[%swap3A_96], %swap3A_99 {strides = array<i32>} : memref<80xi32, #tpu.memory_space<vmem>>, vector<16xi32>,
      %get3A_100 = arith.constant 112 : index
      %get3A_101 = tpu.vector_load %arg6[%get3A_100] {strides = array<i32>} : memref<10240xi32, #tpu.memory_space<vmem>>, vector<16xi32>,
      %get3A_102 = vector.shape_cast %get3A_101 : vector<16xi32> to vector<16xi32>
      %and3A_103 = arith.constant 65535 : i32
      %and3A_104 = vector.broadcast %and3A_103 : i32 to vector<16xi32>
      %and3A_105 = arith.andi %get3A_102, %and3A_104 : vector<16xi32>
      %add3A_106 = vector.broadcast %mul3A_10 : i32 to vector<16xi32>
      %add3A_107 = arith.addi %and3A_105, %add3A_106 : vector<16xi32>
      %swap3A_108 = arith.constant 32 : index
      %swap3A_109 = tpu.vector_load %arg8[%swap3A_108] {strides = array<i32>} : memref<80xi32, #tpu.memory_space<vmem>>, vector<16xi32>,
      %swap3A_110 = vector.shape_cast %swap3A_109 : vector<16xi32> to vector<16xi32>
      %swap3A_111 = vector.shape_cast %add3A_107 : vector<16xi32> to vector<16xi32>
      tpu.vector_store %arg8[%swap3A_108], %swap3A_111 {strides = array<i32>} : memref<80xi32, #tpu.memory_space<vmem>>, vector<16xi32>,
      %get3A_112 = arith.constant 128 : index
      %get3A_113 = tpu.vector_load %arg6[%get3A_112] {strides = array<i32>} : memref<10240xi32, #tpu.memory_space<vmem>>, vector<16xi32>,
      %get3A_114 = vector.shape_cast %get3A_113 : vector<16xi32> to vector<16xi32>
      %and3A_115 = arith.constant 65535 : i32
      %and3A_116 = vector.broadcast %and3A_115 : i32 to vector<16xi32>
      %and3A_117 = arith.andi %get3A_114, %and3A_116 : vector<16xi32>
      %add3A_118 = vector.broadcast %mul3A_10 : i32 to vector<16xi32>
      %add3A_119 = arith.addi %and3A_117, %add3A_118 : vector<16xi32>
      %swap3A_120 = arith.constant 48 : index
      %swap3A_121 = tpu.vector_load %arg8[%swap3A_120] {strides = array<i32>} : memref<80xi32, #tpu.memory_space<vmem>>, vector<16xi32>,
      %swap3A_122 = vector.shape_cast %swap3A_121 : vector<16xi32> to vector<16xi32>
      %swap3A_123 = vector.shape_cast %add3A_119 : vector<16xi32> to vector<16xi32>
      tpu.vector_store %arg8[%swap3A_120], %swap3A_123 {strides = array<i32>} : memref<80xi32, #tpu.memory_space<vmem>>, vector<16xi32>,
      %get3A_124 = arith.constant 144 : index
      %get3A_125 = tpu.vector_load %arg6[%get3A_124] {strides = array<i32>} : memref<10240xi32, #tpu.memory_space<vmem>>, vector<16xi32>,
      %get3A_126 = vector.shape_cast %get3A_125 : vector<16xi32> to vector<16xi32>
      %and3A_127 = arith.constant 65535 : i32
      %and3A_128 = vector.broadcast %and3A_127 : i32 to vector<16xi32>
      %and3A_129 = arith.andi %get3A_126, %and3A_128 : vector<16xi32>
      %add3A_130 = vector.broadcast %mul3A_10 : i32 to vector<16xi32>
      %add3A_131 = arith.addi %and3A_129, %add3A_130 : vector<16xi32>
      %swap3A_132 = arith.constant 64 : index
      %swap3A_133 = tpu.vector_load %arg8[%swap3A_132] {strides = array<i32>} : memref<80xi32, #tpu.memory_space<vmem>>, vector<16xi32>,
      %swap3A_134 = vector.shape_cast %swap3A_133 : vector<16xi32> to vector<16xi32>
      %swap3A_135 = vector.shape_cast %add3A_131 : vector<16xi32> to vector<16xi32>
      tpu.vector_store %arg8[%swap3A_132], %swap3A_135 {strides = array<i32>} : memref<80xi32, #tpu.memory_space<vmem>>, vector<16xi32>,
      %dma_start3A_136 = arith.constant 0 : i32
      %dma_start3A_137 = arith.constant 0 : i32
      %dma_start3A_138 = tpu.memref_slice %arg3[%dma_start3A_136, %dma_start3A_137] : memref<40000x128xf32, #tpu.memory_space<hbm>> -> memref<40000x128xf32, #tpu.memory_space<hbm>>
      tpu.enqueue_indirect_dma source(%dma_start3A_138 : memref<40000x128xf32, #tpu.memory_space<hbm>>) target(%arg12 : memref<80x128xf32, #tpu.memory_space<vmem>>) offsets(%arg8 : memref<80xi32, #tpu.memory_space<vmem>>) semaphore(%arg15 : memref<!tpu.dma_semaphore, #tpu.memory_space<semaphore_mem>>)
      %scan3A_139 = arith.constant 0 : i32
      %scan3A_140 = arith.constant 0 : i32
      %scan3A_141 = arith.constant 43 : i32
      %scan3A_142 = arith.addi %scan3A_140, %scan3A_141 : i32
      %scan3A_143 = arith.constant 1 : i32
      scf.for %scan3A_154 = %scan3A_140 to %scan3A_142 step %scan3A_143  : i32 {
        %mul3A_155 = arith.constant 3 : i32
        %mul3A_156 = arith.muli %mul3A_155, %scan3A_154 : i32
        %add3A_157 = arith.constant 0 : i32
        %add3A_158 = arith.addi %mul3A_156, %add3A_157 : i32
        %add3A_159 = arith.constant 2 : i32
        %add3A_160 = arith.addi %add3A_158, %add3A_159 : i32
        %lt3A = arith.constant 128 : i32
        %lt3A_161 = arith.cmpi slt, %add3A_160, %lt3A : i32
        %convert_element_type3A = arith.extui %lt3A_161 : i1 to i32
        %cond3A = arith.constant 0 : i32
        %cond3A_162 = arith.cmpi ne, %convert_element_type3A, %cond3A : i32
        scf.if %cond3A_162 {
          %mul3A_196 = arith.constant 80 : i32
          %mul3A_197 = arith.muli %add3A_160, %mul3A_196 : i32
          %add3A_198 = arith.constant 0 : i32
          %add3A_199 = arith.addi %mul3A_197, %add3A_198 : i32
          %get3A_200 = arith.index_cast %add3A_199 : i32 to index
          %get3A_201 = tpu.vector_load %arg6[%get3A_200] {strides = array<i32>} : memref<10240xi32, #tpu.memory_space<vmem>>, vector<16xi32>,
          %get3A_202 = vector.shape_cast %get3A_201 : vector<16xi32> to vector<16xi32>
          %and3A_203 = arith.constant 65535 : i32
          %and3A_204 = vector.broadcast %and3A_203 : i32 to vector<16xi32>
          %and3A_205 = arith.andi %get3A_202, %and3A_204 : vector<16xi32>
          %add3A_206 = vector.broadcast %mul3A_10 : i32 to vector<16xi32>
          %add3A_207 = arith.addi %and3A_205, %add3A_206 : vector<16xi32>
          %swap3A_208 = arith.constant 0 : index
          %swap3A_209 = tpu.vector_load %arg9[%swap3A_208] {strides = array<i32>} : memref<80xi32, #tpu.memory_space<vmem>>, vector<16xi32>,
          %swap3A_210 = vector.shape_cast %swap3A_209 : vector<16xi32> to vector<16xi32>
          %swap3A_211 = vector.shape_cast %add3A_207 : vector<16xi32> to vector<16xi32>
          tpu.vector_store %arg9[%swap3A_208], %swap3A_211 {strides = array<i32>} : memref<80xi32, #tpu.memory_space<vmem>>, vector<16xi32>,
          %mul3A_212 = arith.constant 80 : i32
          %mul3A_213 = arith.muli %add3A_160, %mul3A_212 : i32
          %add3A_214 = arith.constant 16 : i32
          %add3A_215 = arith.addi %mul3A_213, %add3A_214 : i32
          %get3A_216 = arith.index_cast %add3A_215 : i32 to index
          %get3A_217 = tpu.vector_load %arg6[%get3A_216] {strides = array<i32>} : memref<10240xi32, #tpu.memory_space<vmem>>, vector<16xi32>,
          %get3A_218 = vector.shape_cast %get3A_217 : vector<16xi32> to vector<16xi32>
          %and3A_219 = arith.constant 65535 : i32
          %and3A_220 = vector.broadcast %and3A_219 : i32 to vector<16xi32>
          %and3A_221 = arith.andi %get3A_218, %and3A_220 : vector<16xi32>
          %add3A_222 = vector.broadcast %mul3A_10 : i32 to vector<16xi32>
          %add3A_223 = arith.addi %and3A_221, %add3A_222 : vector<16xi32>
          %swap3A_224 = arith.constant 16 : index
          %swap3A_225 = tpu.vector_load %arg9[%swap3A_224] {strides = array<i32>} : memref<80xi32, #tpu.memory_space<vmem>>, vector<16xi32>,
          %swap3A_226 = vector.shape_cast %swap3A_225 : vector<16xi32> to vector<16xi32>
          %swap3A_227 = vector.shape_cast %add3A_223 : vector<16xi32> to vector<16xi32>
          tpu.vector_store %arg9[%swap3A_224], %swap3A_227 {strides = array<i32>} : memref<80xi32, #tpu.memory_space<vmem>>, vector<16xi32>,
          %mul3A_228 = arith.constant 80 : i32
          %mul3A_229 = arith.muli %add3A_160, %mul3A_228 : i32
          %add3A_230 = arith.constant 32 : i32
          %add3A_231 = arith.addi %mul3A_229, %add3A_230 : i32
          %get3A_232 = arith.index_cast %add3A_231 : i32 to index
          %get3A_233 = tpu.vector_load %arg6[%get3A_232] {strides = array<i32>} : memref<10240xi32, #tpu.memory_space<vmem>>, vector<16xi32>,
          %get3A_234 = vector.shape_cast %get3A_233 : vector<16xi32> to vector<16xi32>
          %and3A_235 = arith.constant 65535 : i32
          %and3A_236 = vector.broadcast %and3A_235 : i32 to vector<16xi32>
          %and3A_237 = arith.andi %get3A_234, %and3A_236 : vector<16xi32>
          %add3A_238 = vector.broadcast %mul3A_10 : i32 to vector<16xi32>
          %add3A_239 = arith.addi %and3A_237, %add3A_238 : vector<16xi32>
          %swap3A_240 = arith.constant 32 : index
          %swap3A_241 = tpu.vector_load %arg9[%swap3A_240] {strides = array<i32>} : memref<80xi32, #tpu.memory_space<vmem>>, vector<16xi32>,
          %swap3A_242 = vector.shape_cast %swap3A_241 : vector<16xi32> to vector<16xi32>
          %swap3A_243 = vector.shape_cast %add3A_239 : vector<16xi32> to vector<16xi32>
          tpu.vector_store %arg9[%swap3A_240], %swap3A_243 {strides = array<i32>} : memref<80xi32, #tpu.memory_space<vmem>>, vector<16xi32>,
          %mul3A_244 = arith.constant 80 : i32
          %mul3A_245 = arith.muli %add3A_160, %mul3A_244 : i32
          %add3A_246 = arith.constant 48 : i32
          %add3A_247 = arith.addi %mul3A_245, %add3A_246 : i32
          %get3A_248 = arith.index_cast %add3A_247 : i32 to index
          %get3A_249 = tpu.vector_load %arg6[%get3A_248] {strides = array<i32>} : memref<10240xi32, #tpu.memory_space<vmem>>, vector<16xi32>,
          %get3A_250 = vector.shape_cast %get3A_249 : vector<16xi32> to vector<16xi32>
          %and3A_251 = arith.constant 65535 : i32
          %and3A_252 = vector.broadcast %and3A_251 : i32 to vector<16xi32>
          %and3A_253 = arith.andi %get3A_250, %and3A_252 : vector<16xi32>
          %add3A_254 = vector.broadcast %mul3A_10 : i32 to vector<16xi32>
          %add3A_255 = arith.addi %and3A_253, %add3A_254 : vector<16xi32>
          %swap3A_256 = arith.constant 48 : index
          %swap3A_257 = tpu.vector_load %arg9[%swap3A_256] {strides = array<i32>} : memref<80xi32, #tpu.memory_space<vmem>>, vector<16xi32>,
          %swap3A_258 = vector.shape_cast %swap3A_257 : vector<16xi32> to vector<16xi32>
          %swap3A_259 = vector.shape_cast %add3A_255 : vector<16xi32> to vector<16xi32>
          tpu.vector_store %arg9[%swap3A_256], %swap3A_259 {strides = array<i32>} : memref<80xi32, #tpu.memory_space<vmem>>, vector<16xi32>,
          %mul3A_260 = arith.constant 80 : i32
          %mul3A_261 = arith.muli %add3A_160, %mul3A_260 : i32
          %add3A_262 = arith.constant 64 : i32
          %add3A_263 = arith.addi %mul3A_261, %add3A_262 : i32
          %get3A_264 = arith.index_cast %add3A_263 : i32 to index
          %get3A_265 = tpu.vector_load %arg6[%get3A_264] {strides = array<i32>} : memref<10240xi32, #tpu.memory_space<vmem>>, vector<16xi32>,
          %get3A_266 = vector.shape_cast %get3A_265 : vector<16xi32> to vector<16xi32>
          %and3A_267 = arith.constant 65535 : i32
          %and3A_268 = vector.broadcast %and3A_267 : i32 to vector<16xi32>
          %and3A_269 = arith.andi %get3A_266, %and3A_268 : vector<16xi32>
          %add3A_270 = vector.broadcast %mul3A_10 : i32 to vector<16xi32>
          %add3A_271 = arith.addi %and3A_269, %add3A_270 : vector<16xi32>
          %swap3A_272 = arith.constant 64 : index
          %swap3A_273 = tpu.vector_load %arg9[%swap3A_272] {strides = array<i32>} : memref<80xi32, #tpu.memory_space<vmem>>, vector<16xi32>,
          %swap3A_274 = vector.shape_cast %swap3A_273 : vector<16xi32> to vector<16xi32>
          %swap3A_275 = vector.shape_cast %add3A_271 : vector<16xi32> to vector<16xi32>
          tpu.vector_store %arg9[%swap3A_272], %swap3A_275 {strides = array<i32>} : memref<80xi32, #tpu.memory_space<vmem>>, vector<16xi32>,
          %dma_start3A_276 = arith.constant 0 : i32
          %dma_start3A_277 = arith.constant 0 : i32
          %dma_start3A_278 = tpu.memref_slice %arg3[%dma_start3A_276, %dma_start3A_277] : memref<40000x128xf32, #tpu.memory_space<hbm>> -> memref<40000x128xf32, #tpu.memory_space<hbm>>
          tpu.enqueue_indirect_dma source(%dma_start3A_278 : memref<40000x128xf32, #tpu.memory_space<hbm>>) target(%arg13 : memref<80x128xf32, #tpu.memory_space<vmem>>) offsets(%arg9 : memref<80xi32, #tpu.memory_space<vmem>>) semaphore(%arg16 : memref<!tpu.dma_semaphore, #tpu.memory_space<semaphore_mem>>)
        } else {
        }
        %lt3A_163 = arith.constant 128 : i32
        %lt3A_164 = arith.cmpi slt, %add3A_158, %lt3A_163 : i32
        %convert_element_type3A_165 = arith.extui %lt3A_164 : i1 to i32
        %cond3A_166 = arith.constant 0 : i32
        %cond3A_167 = arith.cmpi ne, %convert_element_type3A_165, %cond3A_166 : i32
        scf.if %cond3A_167 {
          %dma_wait3A = arith.constant 0 : i32
          %dma_wait3A_196 = arith.constant 0 : i32
          %dma_wait3A_197 = tpu.memref_slice %arg3[%dma_wait3A, %dma_wait3A_196] : memref<40000x128xf32, #tpu.memory_space<hbm>> -> memref<40000x128xf32, #tpu.memory_space<hbm>>
          tpu.wait_indirect_dma semaphore(%arg14 : memref<!tpu.dma_semaphore, #tpu.memory_space<semaphore_mem>>) src(%dma_wait3A_197 : memref<40000x128xf32, #tpu.memory_space<hbm>>) dst(%arg11 : memref<80x128xf32, #tpu.memory_space<vmem>>)
          %mul3A_198 = arith.constant 80 : i32
          %mul3A_199 = arith.muli %add3A_158, %mul3A_198 : i32
          %add3A_200 = arith.constant 0 : i32
          %add3A_201 = arith.addi %mul3A_199, %add3A_200 : i32
          %get3A_202 = arith.index_cast %add3A_201 : i32 to index
          %get3A_203 = tpu.vector_load %arg6[%get3A_202] {strides = array<i32>} : memref<10240xi32, #tpu.memory_space<vmem>>, vector<16xi32>,
          %get3A_204 = vector.shape_cast %get3A_203 : vector<16xi32> to vector<16xi32>
          %shift_right_logical3A = arith.constant 16 : i32
          %shift_right_logical3A_205 = vector.broadcast %shift_right_logical3A : i32 to vector<16xi32>
          %shift_right_logical3A_206 = arith.shrui %get3A_204, %shift_right_logical3A_205 : vector<16xi32>
          %swap3A_207 = arith.constant 0 : index
          %swap3A_208 = tpu.vector_load %arg10[%swap3A_207] {strides = array<i32>} : memref<80xi32, #tpu.memory_space<vmem>>, vector<16xi32>,
          %swap3A_209 = vector.shape_cast %swap3A_208 : vector<16xi32> to vector<16xi32>
          %swap3A_210 = vector.shape_cast %shift_right_logical3A_206 : vector<16xi32> to vector<16xi32>
          tpu.vector_store %arg10[%swap3A_207], %swap3A_210 {strides = array<i32>} : memref<80xi32, #tpu.memory_space<vmem>>, vector<16xi32>,
          %mul3A_211 = arith.constant 80 : i32
          %mul3A_212 = arith.muli %add3A_158, %mul3A_211 : i32
          %add3A_213 = arith.constant 16 : i32
          %add3A_214 = arith.addi %mul3A_212, %add3A_213 : i32
          %get3A_215 = arith.index_cast %add3A_214 : i32 to index
          %get3A_216 = tpu.vector_load %arg6[%get3A_215] {strides = array<i32>} : memref<10240xi32, #tpu.memory_space<vmem>>, vector<16xi32>,
          %get3A_217 = vector.shape_cast %get3A_216 : vector<16xi32> to vector<16xi32>
          %shift_right_logical3A_218 = arith.constant 16 : i32
          %shift_right_logical3A_219 = vector.broadcast %shift_right_logical3A_218 : i32 to vector<16xi32>
          %shift_right_logical3A_220 = arith.shrui %get3A_217, %shift_right_logical3A_219 : vector<16xi32>
          %swap3A_221 = arith.constant 16 : index
          %swap3A_222 = tpu.vector_load %arg10[%swap3A_221] {strides = array<i32>} : memref<80xi32, #tpu.memory_space<vmem>>, vector<16xi32>,
          %swap3A_223 = vector.shape_cast %swap3A_222 : vector<16xi32> to vector<16xi32>
          %swap3A_224 = vector.shape_cast %shift_right_logical3A_220 : vector<16xi32> to vector<16xi32>
          tpu.vector_store %arg10[%swap3A_221], %swap3A_224 {strides = array<i32>} : memref<80xi32, #tpu.memory_space<vmem>>, vector<16xi32>,
          %mul3A_225 = arith.constant 80 : i32
          %mul3A_226 = arith.muli %add3A_158, %mul3A_225 : i32
          %add3A_227 = arith.constant 32 : i32
          %add3A_228 = arith.addi %mul3A_226, %add3A_227 : i32
          %get3A_229 = arith.index_cast %add3A_228 : i32 to index
          %get3A_230 = tpu.vector_load %arg6[%get3A_229] {strides = array<i32>} : memref<10240xi32, #tpu.memory_space<vmem>>, vector<16xi32>,
          %get3A_231 = vector.shape_cast %get3A_230 : vector<16xi32> to vector<16xi32>
          %shift_right_logical3A_232 = arith.constant 16 : i32
          %shift_right_logical3A_233 = vector.broadcast %shift_right_logical3A_232 : i32 to vector<16xi32>
          %shift_right_logical3A_234 = arith.shrui %get3A_231, %shift_right_logical3A_233 : vector<16xi32>
          %swap3A_235 = arith.constant 32 : index
          %swap3A_236 = tpu.vector_load %arg10[%swap3A_235] {strides = array<i32>} : memref<80xi32, #tpu.memory_space<vmem>>, vector<16xi32>,
          %swap3A_237 = vector.shape_cast %swap3A_236 : vector<16xi32> to vector<16xi32>
          %swap3A_238 = vector.shape_cast %shift_right_logical3A_234 : vector<16xi32> to vector<16xi32>
          tpu.vector_store %arg10[%swap3A_235], %swap3A_238 {strides = array<i32>} : memref<80xi32, #tpu.memory_space<vmem>>, vector<16xi32>,
          %mul3A_239 = arith.constant 80 : i32
          %mul3A_240 = arith.muli %add3A_158, %mul3A_239 : i32
          %add3A_241 = arith.constant 48 : i32
          %add3A_242 = arith.addi %mul3A_240, %add3A_241 : i32
          %get3A_243 = arith.index_cast %add3A_242 : i32 to index
          %get3A_244 = tpu.vector_load %arg6[%get3A_243] {strides = array<i32>} : memref<10240xi32, #tpu.memory_space<vmem>>, vector<16xi32>,
          %get3A_245 = vector.shape_cast %get3A_244 : vector<16xi32> to vector<16xi32>
          %shift_right_logical3A_246 = arith.constant 16 : i32
          %shift_right_logical3A_247 = vector.broadcast %shift_right_logical3A_246 : i32 to vector<16xi32>
          %shift_right_logical3A_248 = arith.shrui %get3A_245, %shift_right_logical3A_247 : vector<16xi32>
          %swap3A_249 = arith.constant 48 : index
          %swap3A_250 = tpu.vector_load %arg10[%swap3A_249] {strides = array<i32>} : memref<80xi32, #tpu.memory_space<vmem>>, vector<16xi32>,
          %swap3A_251 = vector.shape_cast %swap3A_250 : vector<16xi32> to vector<16xi32>
          %swap3A_252 = vector.shape_cast %shift_right_logical3A_248 : vector<16xi32> to vector<16xi32>
          tpu.vector_store %arg10[%swap3A_249], %swap3A_252 {strides = array<i32>} : memref<80xi32, #tpu.memory_space<vmem>>, vector<16xi32>,
          %mul3A_253 = arith.constant 80 : i32
          %mul3A_254 = arith.muli %add3A_158, %mul3A_253 : i32
          %add3A_255 = arith.constant 64 : i32
          %add3A_256 = arith.addi %mul3A_254, %add3A_255 : i32
          %get3A_257 = arith.index_cast %add3A_256 : i32 to index
          %get3A_258 = tpu.vector_load %arg6[%get3A_257] {strides = array<i32>} : memref<10240xi32, #tpu.memory_space<vmem>>, vector<16xi32>,
          %get3A_259 = vector.shape_cast %get3A_258 : vector<16xi32> to vector<16xi32>
          %shift_right_logical3A_260 = arith.constant 16 : i32
          %shift_right_logical3A_261 = vector.broadcast %shift_right_logical3A_260 : i32 to vector<16xi32>
          %shift_right_logical3A_262 = arith.shrui %get3A_259, %shift_right_logical3A_261 : vector<16xi32>
          %swap3A_263 = arith.constant 64 : index
          %swap3A_264 = tpu.vector_load %arg10[%swap3A_263] {strides = array<i32>} : memref<80xi32, #tpu.memory_space<vmem>>, vector<16xi32>,
          %swap3A_265 = vector.shape_cast %swap3A_264 : vector<16xi32> to vector<16xi32>
          %swap3A_266 = vector.shape_cast %shift_right_logical3A_262 : vector<16xi32> to vector<16xi32>
          tpu.vector_store %arg10[%swap3A_263], %swap3A_266 {strides = array<i32>} : memref<80xi32, #tpu.memory_space<vmem>>, vector<16xi32>,
          "tpu.region"() ({
            %run_scoped3A = tpu.sem_alloc : memref<!tpu.dma_semaphore, #tpu.memory_space<semaphore_mem>>
            %dma_start3A_267 = arith.constant 0 : i32
            %dma_start3A_268 = arith.constant 0 : i32
            %dma_start3A_269 = tpu.memref_slice %arg17[%dma_start3A_267, %dma_start3A_268] : memref<10240x128xf32, #tpu.memory_space<vmem_shared>> -> memref<10240x128xf32, #tpu.memory_space<vmem_shared>>
            tpu.enqueue_indirect_dma source(%arg11 : memref<80x128xf32, #tpu.memory_space<vmem>>) target(%dma_start3A_269 : memref<10240x128xf32, #tpu.memory_space<vmem_shared>>) offsets(%arg10 : memref<80xi32, #tpu.memory_space<vmem>>) semaphore(%run_scoped3A : memref<!tpu.dma_semaphore, #tpu.memory_space<semaphore_mem>>) {add = true}
            %dma_wait3A_270 = arith.constant 0 : i32
            %dma_wait3A_271 = arith.constant 0 : i32
            %dma_wait3A_272 = tpu.memref_slice %arg17[%dma_wait3A_270, %dma_wait3A_271] : memref<10240x128xf32, #tpu.memory_space<vmem_shared>> -> memref<10240x128xf32, #tpu.memory_space<vmem_shared>>
            tpu.wait_indirect_dma semaphore(%run_scoped3A : memref<!tpu.dma_semaphore, #tpu.memory_space<semaphore_mem>>) src(%arg11 : memref<80x128xf32, #tpu.memory_space<vmem>>) dst(%dma_wait3A_272 : memref<10240x128xf32, #tpu.memory_space<vmem_shared>>)
            tpu.yield
          }) : () -> ()
        } else {
        }
        %add3A_168 = arith.constant 1 : i32
        %add3A_169 = arith.addi %mul3A_156, %add3A_168 : i32
        %add3A_170 = arith.constant 2 : i32
        %add3A_171 = arith.addi %add3A_169, %add3A_170 : i32
        %lt3A_172 = arith.constant 128 : i32
        %lt3A_173 = arith.cmpi slt, %add3A_171, %lt3A_172 : i32
        %convert_element_type3A_174 = arith.extui %lt3A_173 : i1 to i32
        %cond3A_175 = arith.constant 0 : i32
        %cond3A_176 = arith.cmpi ne, %convert_element_type3A_174, %cond3A_175 : i32
        scf.if %cond3A_176 {
          %mul3A_196 = arith.constant 80 : i32
          %mul3A_197 = arith.muli %add3A_171, %mul3A_196 : i32
          %add3A_198 = arith.constant 0 : i32
          %add3A_199 = arith.addi %mul3A_197, %add3A_198 : i32
          %get3A_200 = arith.index_cast %add3A_199 : i32 to index
          %get3A_201 = tpu.vector_load %arg6[%get3A_200] {strides = array<i32>} : memref<10240xi32, #tpu.memory_space<vmem>>, vector<16xi32>,
          %get3A_202 = vector.shape_cast %get3A_201 : vector<16xi32> to vector<16xi32>
          %and3A_203 = arith.constant 65535 : i32
          %and3A_204 = vector.broadcast %and3A_203 : i32 to vector<16xi32>
          %and3A_205 = arith.andi %get3A_202, %and3A_204 : vector<16xi32>
          %add3A_206 = vector.broadcast %mul3A_10 : i32 to vector<16xi32>
          %add3A_207 = arith.addi %and3A_205, %add3A_206 : vector<16xi32>
          %swap3A_208 = arith.constant 0 : index
          %swap3A_209 = tpu.vector_load %arg7[%swap3A_208] {strides = array<i32>} : memref<80xi32, #tpu.memory_space<vmem>>, vector<16xi32>,
          %swap3A_210 = vector.shape_cast %swap3A_209 : vector<16xi32> to vector<16xi32>
          %swap3A_211 = vector.shape_cast %add3A_207 : vector<16xi32> to vector<16xi32>
          tpu.vector_store %arg7[%swap3A_208], %swap3A_211 {strides = array<i32>} : memref<80xi32, #tpu.memory_space<vmem>>, vector<16xi32>,
          %mul3A_212 = arith.constant 80 : i32
          %mul3A_213 = arith.muli %add3A_171, %mul3A_212 : i32
          %add3A_214 = arith.constant 16 : i32
          %add3A_215 = arith.addi %mul3A_213, %add3A_214 : i32
          %get3A_216 = arith.index_cast %add3A_215 : i32 to index
          %get3A_217 = tpu.vector_load %arg6[%get3A_216] {strides = array<i32>} : memref<10240xi32, #tpu.memory_space<vmem>>, vector<16xi32>,
          %get3A_218 = vector.shape_cast %get3A_217 : vector<16xi32> to vector<16xi32>
          %and3A_219 = arith.constant 65535 : i32
          %and3A_220 = vector.broadcast %and3A_219 : i32 to vector<16xi32>
          %and3A_221 = arith.andi %get3A_218, %and3A_220 : vector<16xi32>
          %add3A_222 = vector.broadcast %mul3A_10 : i32 to vector<16xi32>
          %add3A_223 = arith.addi %and3A_221, %add3A_222 : vector<16xi32>
          %swap3A_224 = arith.constant 16 : index
          %swap3A_225 = tpu.vector_load %arg7[%swap3A_224] {strides = array<i32>} : memref<80xi32, #tpu.memory_space<vmem>>, vector<16xi32>,
          %swap3A_226 = vector.shape_cast %swap3A_225 : vector<16xi32> to vector<16xi32>
          %swap3A_227 = vector.shape_cast %add3A_223 : vector<16xi32> to vector<16xi32>
          tpu.vector_store %arg7[%swap3A_224], %swap3A_227 {strides = array<i32>} : memref<80xi32, #tpu.memory_space<vmem>>, vector<16xi32>,
          %mul3A_228 = arith.constant 80 : i32
          %mul3A_229 = arith.muli %add3A_171, %mul3A_228 : i32
          %add3A_230 = arith.constant 32 : i32
          %add3A_231 = arith.addi %mul3A_229, %add3A_230 : i32
          %get3A_232 = arith.index_cast %add3A_231 : i32 to index
          %get3A_233 = tpu.vector_load %arg6[%get3A_232] {strides = array<i32>} : memref<10240xi32, #tpu.memory_space<vmem>>, vector<16xi32>,
          %get3A_234 = vector.shape_cast %get3A_233 : vector<16xi32> to vector<16xi32>
          %and3A_235 = arith.constant 65535 : i32
          %and3A_236 = vector.broadcast %and3A_235 : i32 to vector<16xi32>
          %and3A_237 = arith.andi %get3A_234, %and3A_236 : vector<16xi32>
          %add3A_238 = vector.broadcast %mul3A_10 : i32 to vector<16xi32>
          %add3A_239 = arith.addi %and3A_237, %add3A_238 : vector<16xi32>
          %swap3A_240 = arith.constant 32 : index
          %swap3A_241 = tpu.vector_load %arg7[%swap3A_240] {strides = array<i32>} : memref<80xi32, #tpu.memory_space<vmem>>, vector<16xi32>,
          %swap3A_242 = vector.shape_cast %swap3A_241 : vector<16xi32> to vector<16xi32>
          %swap3A_243 = vector.shape_cast %add3A_239 : vector<16xi32> to vector<16xi32>
          tpu.vector_store %arg7[%swap3A_240], %swap3A_243 {strides = array<i32>} : memref<80xi32, #tpu.memory_space<vmem>>, vector<16xi32>,
          %mul3A_244 = arith.constant 80 : i32
          %mul3A_245 = arith.muli %add3A_171, %mul3A_244 : i32
          %add3A_246 = arith.constant 48 : i32
          %add3A_247 = arith.addi %mul3A_245, %add3A_246 : i32
          %get3A_248 = arith.index_cast %add3A_247 : i32 to index
          %get3A_249 = tpu.vector_load %arg6[%get3A_248] {strides = array<i32>} : memref<10240xi32, #tpu.memory_space<vmem>>, vector<16xi32>,
          %get3A_250 = vector.shape_cast %get3A_249 : vector<16xi32> to vector<16xi32>
          %and3A_251 = arith.constant 65535 : i32
          %and3A_252 = vector.broadcast %and3A_251 : i32 to vector<16xi32>
          %and3A_253 = arith.andi %get3A_250, %and3A_252 : vector<16xi32>
          %add3A_254 = vector.broadcast %mul3A_10 : i32 to vector<16xi32>
          %add3A_255 = arith.addi %and3A_253, %add3A_254 : vector<16xi32>
          %swap3A_256 = arith.constant 48 : index
          %swap3A_257 = tpu.vector_load %arg7[%swap3A_256] {strides = array<i32>} : memref<80xi32, #tpu.memory_space<vmem>>, vector<16xi32>,
          %swap3A_258 = vector.shape_cast %swap3A_257 : vector<16xi32> to vector<16xi32>
          %swap3A_259 = vector.shape_cast %add3A_255 : vector<16xi32> to vector<16xi32>
          tpu.vector_store %arg7[%swap3A_256], %swap3A_259 {strides = array<i32>} : memref<80xi32, #tpu.memory_space<vmem>>, vector<16xi32>,
          %mul3A_260 = arith.constant 80 : i32
          %mul3A_261 = arith.muli %add3A_171, %mul3A_260 : i32
          %add3A_262 = arith.constant 64 : i32
          %add3A_263 = arith.addi %mul3A_261, %add3A_262 : i32
          %get3A_264 = arith.index_cast %add3A_263 : i32 to index
          %get3A_265 = tpu.vector_load %arg6[%get3A_264] {strides = array<i32>} : memref<10240xi32, #tpu.memory_space<vmem>>, vector<16xi32>,
          %get3A_266 = vector.shape_cast %get3A_265 : vector<16xi32> to vector<16xi32>
          %and3A_267 = arith.constant 65535 : i32
          %and3A_268 = vector.broadcast %and3A_267 : i32 to vector<16xi32>
          %and3A_269 = arith.andi %get3A_266, %and3A_268 : vector<16xi32>
          %add3A_270 = vector.broadcast %mul3A_10 : i32 to vector<16xi32>
          %add3A_271 = arith.addi %and3A_269, %add3A_270 : vector<16xi32>
          %swap3A_272 = arith.constant 64 : index
          %swap3A_273 = tpu.vector_load %arg7[%swap3A_272] {strides = array<i32>} : memref<80xi32, #tpu.memory_space<vmem>>, vector<16xi32>,
          %swap3A_274 = vector.shape_cast %swap3A_273 : vector<16xi32> to vector<16xi32>
          %swap3A_275 = vector.shape_cast %add3A_271 : vector<16xi32> to vector<16xi32>
          tpu.vector_store %arg7[%swap3A_272], %swap3A_275 {strides = array<i32>} : memref<80xi32, #tpu.memory_space<vmem>>, vector<16xi32>,
          %dma_start3A_276 = arith.constant 0 : i32
          %dma_start3A_277 = arith.constant 0 : i32
          %dma_start3A_278 = tpu.memref_slice %arg3[%dma_start3A_276, %dma_start3A_277] : memref<40000x128xf32, #tpu.memory_space<hbm>> -> memref<40000x128xf32, #tpu.memory_space<hbm>>
          tpu.enqueue_indirect_dma source(%dma_start3A_278 : memref<40000x128xf32, #tpu.memory_space<hbm>>) target(%arg11 : memref<80x128xf32, #tpu.memory_space<vmem>>) offsets(%arg7 : memref<80xi32, #tpu.memory_space<vmem>>) semaphore(%arg14 : memref<!tpu.dma_semaphore, #tpu.memory_space<semaphore_mem>>)
        } else {
        }
        %lt3A_177 = arith.constant 128 : i32
        %lt3A_178 = arith.cmpi slt, %add3A_169, %lt3A_177 : i32
        %convert_element_type3A_179 = arith.extui %lt3A_178 : i1 to i32
        %cond3A_180 = arith.constant 0 : i32
        %cond3A_181 = arith.cmpi ne, %convert_element_type3A_179, %cond3A_180 : i32
        scf.if %cond3A_181 {
          %dma_wait3A = arith.constant 0 : i32
          %dma_wait3A_196 = arith.constant 0 : i32
          %dma_wait3A_197 = tpu.memref_slice %arg3[%dma_wait3A, %dma_wait3A_196] : memref<40000x128xf32, #tpu.memory_space<hbm>> -> memref<40000x128xf32, #tpu.memory_space<hbm>>
          tpu.wait_indirect_dma semaphore(%arg15 : memref<!tpu.dma_semaphore, #tpu.memory_space<semaphore_mem>>) src(%dma_wait3A_197 : memref<40000x128xf32, #tpu.memory_space<hbm>>) dst(%arg12 : memref<80x128xf32, #tpu.memory_space<vmem>>)
          %mul3A_198 = arith.constant 80 : i32
          %mul3A_199 = arith.muli %add3A_169, %mul3A_198 : i32
          %add3A_200 = arith.constant 0 : i32
          %add3A_201 = arith.addi %mul3A_199, %add3A_200 : i32
          %get3A_202 = arith.index_cast %add3A_201 : i32 to index
          %get3A_203 = tpu.vector_load %arg6[%get3A_202] {strides = array<i32>} : memref<10240xi32, #tpu.memory_space<vmem>>, vector<16xi32>,
          %get3A_204 = vector.shape_cast %get3A_203 : vector<16xi32> to vector<16xi32>
          %shift_right_logical3A = arith.constant 16 : i32
          %shift_right_logical3A_205 = vector.broadcast %shift_right_logical3A : i32 to vector<16xi32>
          %shift_right_logical3A_206 = arith.shrui %get3A_204, %shift_right_logical3A_205 : vector<16xi32>
          %swap3A_207 = arith.constant 0 : index
          %swap3A_208 = tpu.vector_load %arg10[%swap3A_207] {strides = array<i32>} : memref<80xi32, #tpu.memory_space<vmem>>, vector<16xi32>,
          %swap3A_209 = vector.shape_cast %swap3A_208 : vector<16xi32> to vector<16xi32>
          %swap3A_210 = vector.shape_cast %shift_right_logical3A_206 : vector<16xi32> to vector<16xi32>
          tpu.vector_store %arg10[%swap3A_207], %swap3A_210 {strides = array<i32>} : memref<80xi32, #tpu.memory_space<vmem>>, vector<16xi32>,
          %mul3A_211 = arith.constant 80 : i32
          %mul3A_212 = arith.muli %add3A_169, %mul3A_211 : i32
          %add3A_213 = arith.constant 16 : i32
          %add3A_214 = arith.addi %mul3A_212, %add3A_213 : i32
          %get3A_215 = arith.index_cast %add3A_214 : i32 to index
          %get3A_216 = tpu.vector_load %arg6[%get3A_215] {strides = array<i32>} : memref<10240xi32, #tpu.memory_space<vmem>>, vector<16xi32>,
          %get3A_217 = vector.shape_cast %get3A_216 : vector<16xi32> to vector<16xi32>
          %shift_right_logical3A_218 = arith.constant 16 : i32
          %shift_right_logical3A_219 = vector.broadcast %shift_right_logical3A_218 : i32 to vector<16xi32>
          %shift_right_logical3A_220 = arith.shrui %get3A_217, %shift_right_logical3A_219 : vector<16xi32>
          %swap3A_221 = arith.constant 16 : index
          %swap3A_222 = tpu.vector_load %arg10[%swap3A_221] {strides = array<i32>} : memref<80xi32, #tpu.memory_space<vmem>>, vector<16xi32>,
          %swap3A_223 = vector.shape_cast %swap3A_222 : vector<16xi32> to vector<16xi32>
          %swap3A_224 = vector.shape_cast %shift_right_logical3A_220 : vector<16xi32> to vector<16xi32>
          tpu.vector_store %arg10[%swap3A_221], %swap3A_224 {strides = array<i32>} : memref<80xi32, #tpu.memory_space<vmem>>, vector<16xi32>,
          %mul3A_225 = arith.constant 80 : i32
          %mul3A_226 = arith.muli %add3A_169, %mul3A_225 : i32
          %add3A_227 = arith.constant 32 : i32
          %add3A_228 = arith.addi %mul3A_226, %add3A_227 : i32
          %get3A_229 = arith.index_cast %add3A_228 : i32 to index
          %get3A_230 = tpu.vector_load %arg6[%get3A_229] {strides = array<i32>} : memref<10240xi32, #tpu.memory_space<vmem>>, vector<16xi32>,
          %get3A_231 = vector.shape_cast %get3A_230 : vector<16xi32> to vector<16xi32>
          %shift_right_logical3A_232 = arith.constant 16 : i32
          %shift_right_logical3A_233 = vector.broadcast %shift_right_logical3A_232 : i32 to vector<16xi32>
          %shift_right_logical3A_234 = arith.shrui %get3A_231, %shift_right_logical3A_233 : vector<16xi32>
          %swap3A_235 = arith.constant 32 : index
          %swap3A_236 = tpu.vector_load %arg10[%swap3A_235] {strides = array<i32>} : memref<80xi32, #tpu.memory_space<vmem>>, vector<16xi32>,
          %swap3A_237 = vector.shape_cast %swap3A_236 : vector<16xi32> to vector<16xi32>
          %swap3A_238 = vector.shape_cast %shift_right_logical3A_234 : vector<16xi32> to vector<16xi32>
          tpu.vector_store %arg10[%swap3A_235], %swap3A_238 {strides = array<i32>} : memref<80xi32, #tpu.memory_space<vmem>>, vector<16xi32>,
          %mul3A_239 = arith.constant 80 : i32
          %mul3A_240 = arith.muli %add3A_169, %mul3A_239 : i32
          %add3A_241 = arith.constant 48 : i32
          %add3A_242 = arith.addi %mul3A_240, %add3A_241 : i32
          %get3A_243 = arith.index_cast %add3A_242 : i32 to index
          %get3A_244 = tpu.vector_load %arg6[%get3A_243] {strides = array<i32>} : memref<10240xi32, #tpu.memory_space<vmem>>, vector<16xi32>,
          %get3A_245 = vector.shape_cast %get3A_244 : vector<16xi32> to vector<16xi32>
          %shift_right_logical3A_246 = arith.constant 16 : i32
          %shift_right_logical3A_247 = vector.broadcast %shift_right_logical3A_246 : i32 to vector<16xi32>
          %shift_right_logical3A_248 = arith.shrui %get3A_245, %shift_right_logical3A_247 : vector<16xi32>
          %swap3A_249 = arith.constant 48 : index
          %swap3A_250 = tpu.vector_load %arg10[%swap3A_249] {strides = array<i32>} : memref<80xi32, #tpu.memory_space<vmem>>, vector<16xi32>,
          %swap3A_251 = vector.shape_cast %swap3A_250 : vector<16xi32> to vector<16xi32>
          %swap3A_252 = vector.shape_cast %shift_right_logical3A_248 : vector<16xi32> to vector<16xi32>
          tpu.vector_store %arg10[%swap3A_249], %swap3A_252 {strides = array<i32>} : memref<80xi32, #tpu.memory_space<vmem>>, vector<16xi32>,
          %mul3A_253 = arith.constant 80 : i32
          %mul3A_254 = arith.muli %add3A_169, %mul3A_253 : i32
          %add3A_255 = arith.constant 64 : i32
          %add3A_256 = arith.addi %mul3A_254, %add3A_255 : i32
          %get3A_257 = arith.index_cast %add3A_256 : i32 to index
          %get3A_258 = tpu.vector_load %arg6[%get3A_257] {strides = array<i32>} : memref<10240xi32, #tpu.memory_space<vmem>>, vector<16xi32>,
          %get3A_259 = vector.shape_cast %get3A_258 : vector<16xi32> to vector<16xi32>
          %shift_right_logical3A_260 = arith.constant 16 : i32
          %shift_right_logical3A_261 = vector.broadcast %shift_right_logical3A_260 : i32 to vector<16xi32>
          %shift_right_logical3A_262 = arith.shrui %get3A_259, %shift_right_logical3A_261 : vector<16xi32>
          %swap3A_263 = arith.constant 64 : index
          %swap3A_264 = tpu.vector_load %arg10[%swap3A_263] {strides = array<i32>} : memref<80xi32, #tpu.memory_space<vmem>>, vector<16xi32>,
          %swap3A_265 = vector.shape_cast %swap3A_264 : vector<16xi32> to vector<16xi32>
          %swap3A_266 = vector.shape_cast %shift_right_logical3A_262 : vector<16xi32> to vector<16xi32>
          tpu.vector_store %arg10[%swap3A_263], %swap3A_266 {strides = array<i32>} : memref<80xi32, #tpu.memory_space<vmem>>, vector<16xi32>,
          "tpu.region"() ({
            %run_scoped3A = tpu.sem_alloc : memref<!tpu.dma_semaphore, #tpu.memory_space<semaphore_mem>>
            %dma_start3A_267 = arith.constant 0 : i32
            %dma_start3A_268 = arith.constant 0 : i32
            %dma_start3A_269 = tpu.memref_slice %arg17[%dma_start3A_267, %dma_start3A_268] : memref<10240x128xf32, #tpu.memory_space<vmem_shared>> -> memref<10240x128xf32, #tpu.memory_space<vmem_shared>>
            tpu.enqueue_indirect_dma source(%arg12 : memref<80x128xf32, #tpu.memory_space<vmem>>) target(%dma_start3A_269 : memref<10240x128xf32, #tpu.memory_space<vmem_shared>>) offsets(%arg10 : memref<80xi32, #tpu.memory_space<vmem>>) semaphore(%run_scoped3A : memref<!tpu.dma_semaphore, #tpu.memory_space<semaphore_mem>>) {add = true}
            %dma_wait3A_270 = arith.constant 0 : i32
            %dma_wait3A_271 = arith.constant 0 : i32
            %dma_wait3A_272 = tpu.memref_slice %arg17[%dma_wait3A_270, %dma_wait3A_271] : memref<10240x128xf32, #tpu.memory_space<vmem_shared>> -> memref<10240x128xf32, #tpu.memory_space<vmem_shared>>
            tpu.wait_indirect_dma semaphore(%run_scoped3A : memref<!tpu.dma_semaphore, #tpu.memory_space<semaphore_mem>>) src(%arg12 : memref<80x128xf32, #tpu.memory_space<vmem>>) dst(%dma_wait3A_272 : memref<10240x128xf32, #tpu.memory_space<vmem_shared>>)
            tpu.yield
          }) : () -> ()
        } else {
        }
        %add3A_182 = arith.constant 2 : i32
        %add3A_183 = arith.addi %mul3A_156, %add3A_182 : i32
        %add3A_184 = arith.constant 2 : i32
        %add3A_185 = arith.addi %add3A_183, %add3A_184 : i32
        %lt3A_186 = arith.constant 128 : i32
        %lt3A_187 = arith.cmpi slt, %add3A_185, %lt3A_186 : i32
        %convert_element_type3A_188 = arith.extui %lt3A_187 : i1 to i32
        %cond3A_189 = arith.constant 0 : i32
        %cond3A_190 = arith.cmpi ne, %convert_element_type3A_188, %cond3A_189 : i32
        scf.if %cond3A_190 {
          %mul3A_196 = arith.constant 80 : i32
          %mul3A_197 = arith.muli %add3A_185, %mul3A_196 : i32
          %add3A_198 = arith.constant 0 : i32
          %add3A_199 = arith.addi %mul3A_197, %add3A_198 : i32
          %get3A_200 = arith.index_cast %add3A_199 : i32 to index
          %get3A_201 = tpu.vector_load %arg6[%get3A_200] {strides = array<i32>} : memref<10240xi32, #tpu.memory_space<vmem>>, vector<16xi32>,
          %get3A_202 = vector.shape_cast %get3A_201 : vector<16xi32> to vector<16xi32>
          %and3A_203 = arith.constant 65535 : i32
          %and3A_204 = vector.broadcast %and3A_203 : i32 to vector<16xi32>
          %and3A_205 = arith.andi %get3A_202, %and3A_204 : vector<16xi32>
          %add3A_206 = vector.broadcast %mul3A_10 : i32 to vector<16xi32>
          %add3A_207 = arith.addi %and3A_205, %add3A_206 : vector<16xi32>
          %swap3A_208 = arith.constant 0 : index
          %swap3A_209 = tpu.vector_load %arg8[%swap3A_208] {strides = array<i32>} : memref<80xi32, #tpu.memory_space<vmem>>, vector<16xi32>,
          %swap3A_210 = vector.shape_cast %swap3A_209 : vector<16xi32> to vector<16xi32>
          %swap3A_211 = vector.shape_cast %add3A_207 : vector<16xi32> to vector<16xi32>
          tpu.vector_store %arg8[%swap3A_208], %swap3A_211 {strides = array<i32>} : memref<80xi32, #tpu.memory_space<vmem>>, vector<16xi32>,
          %mul3A_212 = arith.constant 80 : i32
          %mul3A_213 = arith.muli %add3A_185, %mul3A_212 : i32
          %add3A_214 = arith.constant 16 : i32
          %add3A_215 = arith.addi %mul3A_213, %add3A_214 : i32
          %get3A_216 = arith.index_cast %add3A_215 : i32 to index
          %get3A_217 = tpu.vector_load %arg6[%get3A_216] {strides = array<i32>} : memref<10240xi32, #tpu.memory_space<vmem>>, vector<16xi32>,
          %get3A_218 = vector.shape_cast %get3A_217 : vector<16xi32> to vector<16xi32>
          %and3A_219 = arith.constant 65535 : i32
          %and3A_220 = vector.broadcast %and3A_219 : i32 to vector<16xi32>
          %and3A_221 = arith.andi %get3A_218, %and3A_220 : vector<16xi32>
          %add3A_222 = vector.broadcast %mul3A_10 : i32 to vector<16xi32>
          %add3A_223 = arith.addi %and3A_221, %add3A_222 : vector<16xi32>
          %swap3A_224 = arith.constant 16 : index
          %swap3A_225 = tpu.vector_load %arg8[%swap3A_224] {strides = array<i32>} : memref<80xi32, #tpu.memory_space<vmem>>, vector<16xi32>,
          %swap3A_226 = vector.shape_cast %swap3A_225 : vector<16xi32> to vector<16xi32>
          %swap3A_227 = vector.shape_cast %add3A_223 : vector<16xi32> to vector<16xi32>
          tpu.vector_store %arg8[%swap3A_224], %swap3A_227 {strides = array<i32>} : memref<80xi32, #tpu.memory_space<vmem>>, vector<16xi32>,
          %mul3A_228 = arith.constant 80 : i32
          %mul3A_229 = arith.muli %add3A_185, %mul3A_228 : i32
          %add3A_230 = arith.constant 32 : i32
          %add3A_231 = arith.addi %mul3A_229, %add3A_230 : i32
          %get3A_232 = arith.index_cast %add3A_231 : i32 to index
          %get3A_233 = tpu.vector_load %arg6[%get3A_232] {strides = array<i32>} : memref<10240xi32, #tpu.memory_space<vmem>>, vector<16xi32>,
          %get3A_234 = vector.shape_cast %get3A_233 : vector<16xi32> to vector<16xi32>
          %and3A_235 = arith.constant 65535 : i32
          %and3A_236 = vector.broadcast %and3A_235 : i32 to vector<16xi32>
          %and3A_237 = arith.andi %get3A_234, %and3A_236 : vector<16xi32>
          %add3A_238 = vector.broadcast %mul3A_10 : i32 to vector<16xi32>
          %add3A_239 = arith.addi %and3A_237, %add3A_238 : vector<16xi32>
          %swap3A_240 = arith.constant 32 : index
          %swap3A_241 = tpu.vector_load %arg8[%swap3A_240] {strides = array<i32>} : memref<80xi32, #tpu.memory_space<vmem>>, vector<16xi32>,
          %swap3A_242 = vector.shape_cast %swap3A_241 : vector<16xi32> to vector<16xi32>
          %swap3A_243 = vector.shape_cast %add3A_239 : vector<16xi32> to vector<16xi32>
          tpu.vector_store %arg8[%swap3A_240], %swap3A_243 {strides = array<i32>} : memref<80xi32, #tpu.memory_space<vmem>>, vector<16xi32>,
          %mul3A_244 = arith.constant 80 : i32
          %mul3A_245 = arith.muli %add3A_185, %mul3A_244 : i32
          %add3A_246 = arith.constant 48 : i32
          %add3A_247 = arith.addi %mul3A_245, %add3A_246 : i32
          %get3A_248 = arith.index_cast %add3A_247 : i32 to index
          %get3A_249 = tpu.vector_load %arg6[%get3A_248] {strides = array<i32>} : memref<10240xi32, #tpu.memory_space<vmem>>, vector<16xi32>,
          %get3A_250 = vector.shape_cast %get3A_249 : vector<16xi32> to vector<16xi32>
          %and3A_251 = arith.constant 65535 : i32
          %and3A_252 = vector.broadcast %and3A_251 : i32 to vector<16xi32>
          %and3A_253 = arith.andi %get3A_250, %and3A_252 : vector<16xi32>
          %add3A_254 = vector.broadcast %mul3A_10 : i32 to vector<16xi32>
          %add3A_255 = arith.addi %and3A_253, %add3A_254 : vector<16xi32>
          %swap3A_256 = arith.constant 48 : index
          %swap3A_257 = tpu.vector_load %arg8[%swap3A_256] {strides = array<i32>} : memref<80xi32, #tpu.memory_space<vmem>>, vector<16xi32>,
          %swap3A_258 = vector.shape_cast %swap3A_257 : vector<16xi32> to vector<16xi32>
          %swap3A_259 = vector.shape_cast %add3A_255 : vector<16xi32> to vector<16xi32>
          tpu.vector_store %arg8[%swap3A_256], %swap3A_259 {strides = array<i32>} : memref<80xi32, #tpu.memory_space<vmem>>, vector<16xi32>,
          %mul3A_260 = arith.constant 80 : i32
          %mul3A_261 = arith.muli %add3A_185, %mul3A_260 : i32
          %add3A_262 = arith.constant 64 : i32
          %add3A_263 = arith.addi %mul3A_261, %add3A_262 : i32
          %get3A_264 = arith.index_cast %add3A_263 : i32 to index
          %get3A_265 = tpu.vector_load %arg6[%get3A_264] {strides = array<i32>} : memref<10240xi32, #tpu.memory_space<vmem>>, vector<16xi32>,
          %get3A_266 = vector.shape_cast %get3A_265 : vector<16xi32> to vector<16xi32>
          %and3A_267 = arith.constant 65535 : i32
          %and3A_268 = vector.broadcast %and3A_267 : i32 to vector<16xi32>
          %and3A_269 = arith.andi %get3A_266, %and3A_268 : vector<16xi32>
          %add3A_270 = vector.broadcast %mul3A_10 : i32 to vector<16xi32>
          %add3A_271 = arith.addi %and3A_269, %add3A_270 : vector<16xi32>
          %swap3A_272 = arith.constant 64 : index
          %swap3A_273 = tpu.vector_load %arg8[%swap3A_272] {strides = array<i32>} : memref<80xi32, #tpu.memory_space<vmem>>, vector<16xi32>,
          %swap3A_274 = vector.shape_cast %swap3A_273 : vector<16xi32> to vector<16xi32>
          %swap3A_275 = vector.shape_cast %add3A_271 : vector<16xi32> to vector<16xi32>
          tpu.vector_store %arg8[%swap3A_272], %swap3A_275 {strides = array<i32>} : memref<80xi32, #tpu.memory_space<vmem>>, vector<16xi32>,
          %dma_start3A_276 = arith.constant 0 : i32
          %dma_start3A_277 = arith.constant 0 : i32
          %dma_start3A_278 = tpu.memref_slice %arg3[%dma_start3A_276, %dma_start3A_277] : memref<40000x128xf32, #tpu.memory_space<hbm>> -> memref<40000x128xf32, #tpu.memory_space<hbm>>
          tpu.enqueue_indirect_dma source(%dma_start3A_278 : memref<40000x128xf32, #tpu.memory_space<hbm>>) target(%arg12 : memref<80x128xf32, #tpu.memory_space<vmem>>) offsets(%arg8 : memref<80xi32, #tpu.memory_space<vmem>>) semaphore(%arg15 : memref<!tpu.dma_semaphore, #tpu.memory_space<semaphore_mem>>)
        } else {
        }
        %lt3A_191 = arith.constant 128 : i32
        %lt3A_192 = arith.cmpi slt, %add3A_183, %lt3A_191 : i32
        %convert_element_type3A_193 = arith.extui %lt3A_192 : i1 to i32
        %cond3A_194 = arith.constant 0 : i32
        %cond3A_195 = arith.cmpi ne, %convert_element_type3A_193, %cond3A_194 : i32
        scf.if %cond3A_195 {
          %dma_wait3A = arith.constant 0 : i32
          %dma_wait3A_196 = arith.constant 0 : i32
          %dma_wait3A_197 = tpu.memref_slice %arg3[%dma_wait3A, %dma_wait3A_196] : memref<40000x128xf32, #tpu.memory_space<hbm>> -> memref<40000x128xf32, #tpu.memory_space<hbm>>
          tpu.wait_indirect_dma semaphore(%arg16 : memref<!tpu.dma_semaphore, #tpu.memory_space<semaphore_mem>>) src(%dma_wait3A_197 : memref<40000x128xf32, #tpu.memory_space<hbm>>) dst(%arg13 : memref<80x128xf32, #tpu.memory_space<vmem>>)
          %mul3A_198 = arith.constant 80 : i32
          %mul3A_199 = arith.muli %add3A_183, %mul3A_198 : i32
          %add3A_200 = arith.constant 0 : i32
          %add3A_201 = arith.addi %mul3A_199, %add3A_200 : i32
          %get3A_202 = arith.index_cast %add3A_201 : i32 to index
          %get3A_203 = tpu.vector_load %arg6[%get3A_202] {strides = array<i32>} : memref<10240xi32, #tpu.memory_space<vmem>>, vector<16xi32>,
          %get3A_204 = vector.shape_cast %get3A_203 : vector<16xi32> to vector<16xi32>
          %shift_right_logical3A = arith.constant 16 : i32
          %shift_right_logical3A_205 = vector.broadcast %shift_right_logical3A : i32 to vector<16xi32>
          %shift_right_logical3A_206 = arith.shrui %get3A_204, %shift_right_logical3A_205 : vector<16xi32>
          %swap3A_207 = arith.constant 0 : index
          %swap3A_208 = tpu.vector_load %arg10[%swap3A_207] {strides = array<i32>} : memref<80xi32, #tpu.memory_space<vmem>>, vector<16xi32>,
          %swap3A_209 = vector.shape_cast %swap3A_208 : vector<16xi32> to vector<16xi32>
          %swap3A_210 = vector.shape_cast %shift_right_logical3A_206 : vector<16xi32> to vector<16xi32>
          tpu.vector_store %arg10[%swap3A_207], %swap3A_210 {strides = array<i32>} : memref<80xi32, #tpu.memory_space<vmem>>, vector<16xi32>,
          %mul3A_211 = arith.constant 80 : i32
          %mul3A_212 = arith.muli %add3A_183, %mul3A_211 : i32
          %add3A_213 = arith.constant 16 : i32
          %add3A_214 = arith.addi %mul3A_212, %add3A_213 : i32
          %get3A_215 = arith.index_cast %add3A_214 : i32 to index
          %get3A_216 = tpu.vector_load %arg6[%get3A_215] {strides = array<i32>} : memref<10240xi32, #tpu.memory_space<vmem>>, vector<16xi32>,
          %get3A_217 = vector.shape_cast %get3A_216 : vector<16xi32> to vector<16xi32>
          %shift_right_logical3A_218 = arith.constant 16 : i32
          %shift_right_logical3A_219 = vector.broadcast %shift_right_logical3A_218 : i32 to vector<16xi32>
          %shift_right_logical3A_220 = arith.shrui %get3A_217, %shift_right_logical3A_219 : vector<16xi32>
          %swap3A_221 = arith.constant 16 : index
          %swap3A_222 = tpu.vector_load %arg10[%swap3A_221] {strides = array<i32>} : memref<80xi32, #tpu.memory_space<vmem>>, vector<16xi32>,
          %swap3A_223 = vector.shape_cast %swap3A_222 : vector<16xi32> to vector<16xi32>
          %swap3A_224 = vector.shape_cast %shift_right_logical3A_220 : vector<16xi32> to vector<16xi32>
          tpu.vector_store %arg10[%swap3A_221], %swap3A_224 {strides = array<i32>} : memref<80xi32, #tpu.memory_space<vmem>>, vector<16xi32>,
          %mul3A_225 = arith.constant 80 : i32
          %mul3A_226 = arith.muli %add3A_183, %mul3A_225 : i32
          %add3A_227 = arith.constant 32 : i32
          %add3A_228 = arith.addi %mul3A_226, %add3A_227 : i32
          %get3A_229 = arith.index_cast %add3A_228 : i32 to index
          %get3A_230 = tpu.vector_load %arg6[%get3A_229] {strides = array<i32>} : memref<10240xi32, #tpu.memory_space<vmem>>, vector<16xi32>,
          %get3A_231 = vector.shape_cast %get3A_230 : vector<16xi32> to vector<16xi32>
          %shift_right_logical3A_232 = arith.constant 16 : i32
          %shift_right_logical3A_233 = vector.broadcast %shift_right_logical3A_232 : i32 to vector<16xi32>
          %shift_right_logical3A_234 = arith.shrui %get3A_231, %shift_right_logical3A_233 : vector<16xi32>
          %swap3A_235 = arith.constant 32 : index
          %swap3A_236 = tpu.vector_load %arg10[%swap3A_235] {strides = array<i32>} : memref<80xi32, #tpu.memory_space<vmem>>, vector<16xi32>,
          %swap3A_237 = vector.shape_cast %swap3A_236 : vector<16xi32> to vector<16xi32>
          %swap3A_238 = vector.shape_cast %shift_right_logical3A_234 : vector<16xi32> to vector<16xi32>
          tpu.vector_store %arg10[%swap3A_235], %swap3A_238 {strides = array<i32>} : memref<80xi32, #tpu.memory_space<vmem>>, vector<16xi32>,
          %mul3A_239 = arith.constant 80 : i32
          %mul3A_240 = arith.muli %add3A_183, %mul3A_239 : i32
          %add3A_241 = arith.constant 48 : i32
          %add3A_242 = arith.addi %mul3A_240, %add3A_241 : i32
          %get3A_243 = arith.index_cast %add3A_242 : i32 to index
          %get3A_244 = tpu.vector_load %arg6[%get3A_243] {strides = array<i32>} : memref<10240xi32, #tpu.memory_space<vmem>>, vector<16xi32>,
          %get3A_245 = vector.shape_cast %get3A_244 : vector<16xi32> to vector<16xi32>
          %shift_right_logical3A_246 = arith.constant 16 : i32
          %shift_right_logical3A_247 = vector.broadcast %shift_right_logical3A_246 : i32 to vector<16xi32>
          %shift_right_logical3A_248 = arith.shrui %get3A_245, %shift_right_logical3A_247 : vector<16xi32>
          %swap3A_249 = arith.constant 48 : index
          %swap3A_250 = tpu.vector_load %arg10[%swap3A_249] {strides = array<i32>} : memref<80xi32, #tpu.memory_space<vmem>>, vector<16xi32>,
          %swap3A_251 = vector.shape_cast %swap3A_250 : vector<16xi32> to vector<16xi32>
          %swap3A_252 = vector.shape_cast %shift_right_logical3A_248 : vector<16xi32> to vector<16xi32>
          tpu.vector_store %arg10[%swap3A_249], %swap3A_252 {strides = array<i32>} : memref<80xi32, #tpu.memory_space<vmem>>, vector<16xi32>,
          %mul3A_253 = arith.constant 80 : i32
          %mul3A_254 = arith.muli %add3A_183, %mul3A_253 : i32
          %add3A_255 = arith.constant 64 : i32
          %add3A_256 = arith.addi %mul3A_254, %add3A_255 : i32
          %get3A_257 = arith.index_cast %add3A_256 : i32 to index
          %get3A_258 = tpu.vector_load %arg6[%get3A_257] {strides = array<i32>} : memref<10240xi32, #tpu.memory_space<vmem>>, vector<16xi32>,
          %get3A_259 = vector.shape_cast %get3A_258 : vector<16xi32> to vector<16xi32>
          %shift_right_logical3A_260 = arith.constant 16 : i32
          %shift_right_logical3A_261 = vector.broadcast %shift_right_logical3A_260 : i32 to vector<16xi32>
          %shift_right_logical3A_262 = arith.shrui %get3A_259, %shift_right_logical3A_261 : vector<16xi32>
          %swap3A_263 = arith.constant 64 : index
          %swap3A_264 = tpu.vector_load %arg10[%swap3A_263] {strides = array<i32>} : memref<80xi32, #tpu.memory_space<vmem>>, vector<16xi32>,
          %swap3A_265 = vector.shape_cast %swap3A_264 : vector<16xi32> to vector<16xi32>
          %swap3A_266 = vector.shape_cast %shift_right_logical3A_262 : vector<16xi32> to vector<16xi32>
          tpu.vector_store %arg10[%swap3A_263], %swap3A_266 {strides = array<i32>} : memref<80xi32, #tpu.memory_space<vmem>>, vector<16xi32>,
          "tpu.region"() ({
            %run_scoped3A = tpu.sem_alloc : memref<!tpu.dma_semaphore, #tpu.memory_space<semaphore_mem>>
            %dma_start3A_267 = arith.constant 0 : i32
            %dma_start3A_268 = arith.constant 0 : i32
            %dma_start3A_269 = tpu.memref_slice %arg17[%dma_start3A_267, %dma_start3A_268] : memref<10240x128xf32, #tpu.memory_space<vmem_shared>> -> memref<10240x128xf32, #tpu.memory_space<vmem_shared>>
            tpu.enqueue_indirect_dma source(%arg13 : memref<80x128xf32, #tpu.memory_space<vmem>>) target(%dma_start3A_269 : memref<10240x128xf32, #tpu.memory_space<vmem_shared>>) offsets(%arg10 : memref<80xi32, #tpu.memory_space<vmem>>) semaphore(%run_scoped3A : memref<!tpu.dma_semaphore, #tpu.memory_space<semaphore_mem>>) {add = true}
            %dma_wait3A_270 = arith.constant 0 : i32
            %dma_wait3A_271 = arith.constant 0 : i32
            %dma_wait3A_272 = tpu.memref_slice %arg17[%dma_wait3A_270, %dma_wait3A_271] : memref<10240x128xf32, #tpu.memory_space<vmem_shared>> -> memref<10240x128xf32, #tpu.memory_space<vmem_shared>>
            tpu.wait_indirect_dma semaphore(%run_scoped3A : memref<!tpu.dma_semaphore, #tpu.memory_space<semaphore_mem>>) src(%arg13 : memref<80x128xf32, #tpu.memory_space<vmem>>) dst(%dma_wait3A_272 : memref<10240x128xf32, #tpu.memory_space<vmem_shared>>)
            tpu.yield
          }) : () -> ()
        } else {
        }
      }
      %scan3A_144 = arith.constant 43 : i32
      %barrier3A_145 = arith.constant 0 : index
      tpu.barrier barrier_id(%barrier3A_145)
      %mul3A_146 = arith.constant 640 : i32
      %mul3A_147 = arith.muli %arg1, %mul3A_146 : i32
      %mul3A_148 = arith.constant 10240 : i32
      %mul3A_149 = arith.muli %add3A, %mul3A_148 : i32
      %mul3A_150 = arith.constant 640 : i32
      %mul3A_151 = arith.muli %arg1, %mul3A_150 : i32
      %add3A_152 = arith.addi %mul3A_149, %mul3A_151 : i32
      "tpu.region"() ({
        %run_scoped3A = tpu.sem_alloc : memref<!tpu.dma_semaphore, #tpu.memory_space<semaphore_mem>>
        %dma_start3A_154 = arith.constant 0 : i32
        %dma_start3A_155 = tpu.memref_slice %arg5[%add3A_152, %dma_start3A_154] : memref<40960x128xf32, #tpu.memory_space<hbm>> -> memref<640x128xf32, #tpu.memory_space<hbm>>
        %dma_start3A_156 = arith.constant 0 : i32
        %dma_start3A_157 = tpu.memref_slice %arg17[%mul3A_147, %dma_start3A_156] : memref<10240x128xf32, #tpu.memory_space<vmem_shared>> -> memref<640x128xf32, #tpu.memory_space<vmem_shared>>
        tpu.enqueue_dma source(%dma_start3A_157 : memref<640x128xf32, #tpu.memory_space<vmem_shared>>) target(%dma_start3A_155 : memref<640x128xf32, #tpu.memory_space<hbm>>) target_semaphore(%run_scoped3A : memref<!tpu.dma_semaphore, #tpu.memory_space<semaphore_mem>>)
        %dma_wait3A = arith.constant 0 : i32
        %dma_wait3A_158 = tpu.memref_slice %arg5[%add3A_152, %dma_wait3A] : memref<40960x128xf32, #tpu.memory_space<hbm>> -> memref<640x128xf32, #tpu.memory_space<hbm>>
        %dma_wait3A_159 = arith.constant 0 : i32
        %dma_wait3A_160 = tpu.memref_slice %arg17[%mul3A_147, %dma_wait3A_159] : memref<10240x128xf32, #tpu.memory_space<vmem_shared>> -> memref<640x128xf32, #tpu.memory_space<vmem_shared>>
        tpu.wait_dma2 semaphore(%run_scoped3A : memref<!tpu.dma_semaphore, #tpu.memory_space<semaphore_mem>>) src(%dma_wait3A_160 : memref<640x128xf32, #tpu.memory_space<vmem_shared>>) dst(%dma_wait3A_158 : memref<640x128xf32, #tpu.memory_space<hbm>>)
        tpu.yield
      }) : () -> ()
      %barrier3A_153 = arith.constant 0 : index
      tpu.barrier barrier_id(%barrier3A_153)
    }
    %scan3A_5 = arith.constant 2 : i32
    return
  }
}

module attributes {stable_mosaic.version = 14 : i64} {
  func.func @_k1_body(%arg0: i32, %arg1: memref<1000x256xf32, #tpu.memory_space<vmem>>, %arg2: memref<1x256xf32, #tpu.memory_space<vmem>>, %arg3: memref<2x1000x128xf32, #tpu.memory_space<vmem>>, %arg4: memref<1000x128xf32, #tpu.memory_space<vmem>>, %arg5: memref<256x512xf32, #tpu.memory_space<vmem>>, %arg6: memref<1x512xf32, #tpu.memory_space<vmem>>, %arg7: memref<512x512xf32, #tpu.memory_space<vmem>>, %arg8: memref<256x256xf32, #tpu.memory_space<vmem>>, %arg9: memref<1x256xf32, #tpu.memory_space<vmem>>, %arg10: memref<128x256xf32, #tpu.memory_space<vmem>>, %arg11: memref<1x256xf32, #tpu.memory_space<vmem>>, %arg12: memref<1000x512xf32, #tpu.memory_space<vmem>>, %arg13: memref<4x1000x128xf32, #tpu.memory_space<vmem>>, %arg14: memref<1000x128xf32, #tpu.memory_space<vmem>>, %arg15: memref<1000x256xf32, #tpu.memory_space<vmem>>) attributes {dimension_semantics = [#tpu.dimension_semantics<arbitrary>], iteration_bounds = array<i64: 10>, scalar_prefetch = 0 : i64, scratch_operands = 0 : i64, tpu.core_type = #tpu.core_type<tc>, window_params = [{transform_indices = @transform_0, window_bounds = array<i64: 1000, 256>}, {pipeline_mode = #tpu.pipeline_mode<synchronous>, transform_indices = @transform_1, window_bounds = array<i64: 1, 256>}, {transform_indices = @transform_2, window_bounds = array<i64: 2, 1000, 128>}, {transform_indices = @transform_3, window_bounds = array<i64: 1000, 128>}, {pipeline_mode = #tpu.pipeline_mode<synchronous>, transform_indices = @transform_4, window_bounds = array<i64: 256, 512>}, {pipeline_mode = #tpu.pipeline_mode<synchronous>, transform_indices = @transform_5, window_bounds = array<i64: 1, 512>}, {pipeline_mode = #tpu.pipeline_mode<synchronous>, transform_indices = @transform_6, window_bounds = array<i64: 512, 512>}, {pipeline_mode = #tpu.pipeline_mode<synchronous>, transform_indices = @transform_7, window_bounds = array<i64: 256, 256>}, {pipeline_mode = #tpu.pipeline_mode<synchronous>, transform_indices = @transform_8, window_bounds = array<i64: 1, 256>}, {pipeline_mode = #tpu.pipeline_mode<synchronous>, transform_indices = @transform_9, window_bounds = array<i64: 128, 256>}, {pipeline_mode = #tpu.pipeline_mode<synchronous>, transform_indices = @transform_10, window_bounds = array<i64: 1, 256>}, {transform_indices = @transform_11, window_bounds = array<i64: 1000, 512>}, {transform_indices = @transform_12, window_bounds = array<i64: 4, 1000, 128>}, {transform_indices = @transform_13, window_bounds = array<i64: 1000, 128>}, {transform_indices = @transform_14, window_bounds = array<i64: 1000, 256>}]} {
    %get3A = arith.constant 0 : index
    %get3A_0 = arith.constant 0 : index
    %get3A_1 = vector.load %arg1[%get3A, %get3A_0] : memref<1000x256xf32, #tpu.memory_space<vmem>>, vector<1000x256xf32>
    %get3A_2 = arith.constant 0 : index
    %get3A_3 = arith.constant 0 : index
    %get3A_4 = vector.load %arg2[%get3A_2, %get3A_3] : memref<1x256xf32, #tpu.memory_space<vmem>>, vector<1x256xf32>
    %mul3A = vector.broadcast %get3A_4 : vector<1x256xf32> to vector<1000x256xf32>
    %mul3A_5 = arith.mulf %get3A_1, %mul3A : vector<1000x256xf32>
    %get3A_6 = arith.constant 0 : index
    %get3A_7 = arith.constant 0 : index
    %get3A_8 = vector.load %arg5[%get3A_6, %get3A_7] : memref<256x512xf32, #tpu.memory_space<vmem>>, vector<256x512xf32>
    %dot_general3A = arith.constant dense<0.000000e+00> : vector<1000x512xf32>
    %dot_general3A_9 = tpu.matmul %mul3A_5, %get3A_8, %dot_general3A {dimension_numbers = #tpu.dot_dimension_numbers<[1], [0], [0], [1], [0, 0, 1, 1], [], []>, transpose_lhs_hint = false} : vector<1000x256xf32>, vector<256x512xf32>, vector<1000x512xf32> -> vector<1000x512xf32>
    %get3A_10 = arith.constant 0 : index
    %get3A_11 = arith.constant 0 : index
    %get3A_12 = vector.load %arg6[%get3A_10, %get3A_11] : memref<1x512xf32, #tpu.memory_space<vmem>>, vector<1x512xf32>
    %add3A = vector.broadcast %get3A_12 : vector<1x512xf32> to vector<1000x512xf32>
    %add3A_13 = arith.addf %dot_general3A_9, %add3A : vector<1000x512xf32>
    %get3A_14 = arith.constant 0 : index
    %get3A_15 = arith.constant 0 : index
    %get3A_16 = arith.constant 0 : index
    %get3A_17 = vector.load %arg3[%get3A_14, %get3A_15, %get3A_16] : memref<2x1000x128xf32, #tpu.memory_space<vmem>>, vector<2x1000x128xf32>
    %slice3A = vector.extract_strided_slice %get3A_17 {offsets = [0, 0, 0], sizes = [1, 1000, 128], strides = [1, 1, 1]} : vector<2x1000x128xf32> to vector<1x1000x128xf32>
    %squeeze3A = vector.shape_cast %slice3A : vector<1x1000x128xf32> to vector<1000x128xf32>
    %slice3A_18 = vector.extract_strided_slice %squeeze3A {offsets = [0, 0], sizes = [1000, 1], strides = [1, 1]} : vector<1000x128xf32> to vector<1000x1xf32>
    %slice3A_19 = vector.extract_strided_slice %get3A_17 {offsets = [1, 0, 0], sizes = [1, 1000, 128], strides = [1, 1, 1]} : vector<2x1000x128xf32> to vector<1x1000x128xf32>
    %squeeze3A_20 = vector.shape_cast %slice3A_19 : vector<1x1000x128xf32> to vector<1000x128xf32>
    %slice3A_21 = vector.extract_strided_slice %squeeze3A_20 {offsets = [0, 0], sizes = [1000, 1], strides = [1, 1]} : vector<1000x128xf32> to vector<1000x1xf32>
    %add3A_22 = arith.addf %slice3A_18, %slice3A_21 : vector<1000x1xf32>
    %add3A_23 = arith.constant 1.000000e+00 : f32
    %add3A_24 = vector.broadcast %add3A_23 : f32 to vector<1000x1xf32>
    %add3A_25 = arith.addf %add3A_22, %add3A_24 : vector<1000x1xf32>
    %sqrt3A = math.sqrt %add3A_25 : vector<1000x1xf32>
    %div3A = arith.constant 1.000000e+00 : f32
    %div3A_26 = vector.broadcast %div3A : f32 to vector<1000x1xf32>
    %div3A_27 = arith.divf %div3A_26, %sqrt3A : vector<1000x1xf32>
    %get3A_28 = arith.constant 0 : index
    %get3A_29 = arith.constant 0 : index
    %get3A_30 = vector.load %arg7[%get3A_28, %get3A_29] : memref<512x512xf32, #tpu.memory_space<vmem>>, vector<512x512xf32>
    %dot_general3A_31 = arith.constant dense<0.000000e+00> : vector<1000x512xf32>
    %dot_general3A_32 = tpu.matmul %add3A_13, %get3A_30, %dot_general3A_31 {dimension_numbers = #tpu.dot_dimension_numbers<[1], [0], [0], [1], [0, 0, 1, 1], [], []>, transpose_lhs_hint = false} : vector<1000x512xf32>, vector<512x512xf32>, vector<1000x512xf32> -> vector<1000x512xf32>
    %mul3A_33 = vector.broadcast %div3A_27 : vector<1000x1xf32> to vector<1000x512xf32>
    %mul3A_34 = arith.mulf %mul3A_33, %dot_general3A_32 : vector<1000x512xf32>
    %get3A_35 = arith.constant 0 : index
    %get3A_36 = arith.constant 0 : index
    %get3A_37 = vector.load %arg8[%get3A_35, %get3A_36] : memref<256x256xf32, #tpu.memory_space<vmem>>, vector<256x256xf32>
    %dot_general3A_38 = arith.constant dense<0.000000e+00> : vector<1000x256xf32>
    %dot_general3A_39 = tpu.matmul %mul3A_5, %get3A_37, %dot_general3A_38 {dimension_numbers = #tpu.dot_dimension_numbers<[1], [0], [0], [1], [0, 0, 1, 1], [], []>, transpose_lhs_hint = false} : vector<1000x256xf32>, vector<256x256xf32>, vector<1000x256xf32> -> vector<1000x256xf32>
    %get3A_40 = arith.constant 0 : index
    %get3A_41 = arith.constant 0 : index
    %get3A_42 = vector.load %arg9[%get3A_40, %get3A_41] : memref<1x256xf32, #tpu.memory_space<vmem>>, vector<1x256xf32>
    %add3A_43 = vector.broadcast %get3A_42 : vector<1x256xf32> to vector<1000x256xf32>
    %add3A_44 = arith.addf %dot_general3A_39, %add3A_43 : vector<1000x256xf32>
    %get3A_45 = arith.constant 0 : index
    %get3A_46 = arith.constant 0 : index
    %get3A_47 = vector.load %arg4[%get3A_45, %get3A_46] : memref<1000x128xf32, #tpu.memory_space<vmem>>, vector<1000x128xf32>
    %get3A_48 = arith.constant 0 : index
    %get3A_49 = arith.constant 0 : index
    %get3A_50 = vector.load %arg10[%get3A_48, %get3A_49] : memref<128x256xf32, #tpu.memory_space<vmem>>, vector<128x256xf32>
    %dot_general3A_51 = arith.constant dense<0.000000e+00> : vector<1000x256xf32>
    %dot_general3A_52 = tpu.matmul %get3A_47, %get3A_50, %dot_general3A_51 {dimension_numbers = #tpu.dot_dimension_numbers<[1], [0], [0], [1], [0, 0, 1, 1], [], []>, transpose_lhs_hint = false} : vector<1000x128xf32>, vector<128x256xf32>, vector<1000x256xf32> -> vector<1000x256xf32>
    %add3A_53 = arith.addf %add3A_44, %dot_general3A_52 : vector<1000x256xf32>
    %get3A_54 = arith.constant 0 : index
    %get3A_55 = arith.constant 0 : index
    %get3A_56 = vector.load %arg11[%get3A_54, %get3A_55] : memref<1x256xf32, #tpu.memory_space<vmem>>, vector<1x256xf32>
    %add3A_57 = vector.broadcast %get3A_56 : vector<1x256xf32> to vector<1000x256xf32>
    %add3A_58 = arith.addf %add3A_53, %add3A_57 : vector<1000x256xf32>
    %swap3A = arith.constant 0 : index
    %swap3A_59 = arith.constant 0 : index
    %swap3A_60 = vector.load %arg12[%swap3A, %swap3A_59] : memref<1000x512xf32, #tpu.memory_space<vmem>>, vector<1000x512xf32>
    tpu.vector_store %arg12[%swap3A, %swap3A_59], %add3A_13 {strides = array<i32>} : memref<1000x512xf32, #tpu.memory_space<vmem>>, vector<1000x512xf32>,
    %slice3A_61 = vector.extract_strided_slice %mul3A_34 {offsets = [0, 0], sizes = [1000, 128], strides = [1, 1]} : vector<1000x512xf32> to vector<1000x128xf32>
    %swap3A_62 = arith.constant 0 : index
    %swap3A_63 = arith.constant 0 : index
    %swap3A_64 = arith.constant 0 : index
    %swap3A_65 = vector.load %arg13[%swap3A_62, %swap3A_63, %swap3A_64] : memref<4x1000x128xf32, #tpu.memory_space<vmem>>, vector<1x1000x128xf32>
    %swap3A_66 = vector.shape_cast %swap3A_65 : vector<1x1000x128xf32> to vector<1000x128xf32>
    %swap3A_67 = vector.shape_cast %slice3A_61 : vector<1000x128xf32> to vector<1x1000x128xf32>
    tpu.vector_store %arg13[%swap3A_62, %swap3A_63, %swap3A_64], %swap3A_67 {strides = array<i32>} : memref<4x1000x128xf32, #tpu.memory_space<vmem>>, vector<1x1000x128xf32>,
    %slice3A_68 = vector.extract_strided_slice %mul3A_34 {offsets = [0, 128], sizes = [1000, 128], strides = [1, 1]} : vector<1000x512xf32> to vector<1000x128xf32>
    %swap3A_69 = arith.constant 1 : index
    %swap3A_70 = arith.constant 0 : index
    %swap3A_71 = arith.constant 0 : index
    %swap3A_72 = vector.load %arg13[%swap3A_69, %swap3A_70, %swap3A_71] : memref<4x1000x128xf32, #tpu.memory_space<vmem>>, vector<1x1000x128xf32>
    %swap3A_73 = vector.shape_cast %swap3A_72 : vector<1x1000x128xf32> to vector<1000x128xf32>
    %swap3A_74 = vector.shape_cast %slice3A_68 : vector<1000x128xf32> to vector<1x1000x128xf32>
    tpu.vector_store %arg13[%swap3A_69, %swap3A_70, %swap3A_71], %swap3A_74 {strides = array<i32>} : memref<4x1000x128xf32, #tpu.memory_space<vmem>>, vector<1x1000x128xf32>,
    %slice3A_75 = vector.extract_strided_slice %mul3A_34 {offsets = [0, 256], sizes = [1000, 128], strides = [1, 1]} : vector<1000x512xf32> to vector<1000x128xf32>
    %swap3A_76 = arith.constant 2 : index
    %swap3A_77 = arith.constant 0 : index
    %swap3A_78 = arith.constant 0 : index
    %swap3A_79 = vector.load %arg13[%swap3A_76, %swap3A_77, %swap3A_78] : memref<4x1000x128xf32, #tpu.memory_space<vmem>>, vector<1x1000x128xf32>
    %swap3A_80 = vector.shape_cast %swap3A_79 : vector<1x1000x128xf32> to vector<1000x128xf32>
    %swap3A_81 = vector.shape_cast %slice3A_75 : vector<1000x128xf32> to vector<1x1000x128xf32>
    tpu.vector_store %arg13[%swap3A_76, %swap3A_77, %swap3A_78], %swap3A_81 {strides = array<i32>} : memref<4x1000x128xf32, #tpu.memory_space<vmem>>, vector<1x1000x128xf32>,
    %slice3A_82 = vector.extract_strided_slice %mul3A_34 {offsets = [0, 384], sizes = [1000, 128], strides = [1, 1]} : vector<1000x512xf32> to vector<1000x128xf32>
    %swap3A_83 = arith.constant 3 : index
    %swap3A_84 = arith.constant 0 : index
    %swap3A_85 = arith.constant 0 : index
    %swap3A_86 = vector.load %arg13[%swap3A_83, %swap3A_84, %swap3A_85] : memref<4x1000x128xf32, #tpu.memory_space<vmem>>, vector<1x1000x128xf32>
    %swap3A_87 = vector.shape_cast %swap3A_86 : vector<1x1000x128xf32> to vector<1000x128xf32>
    %swap3A_88 = vector.shape_cast %slice3A_82 : vector<1000x128xf32> to vector<1x1000x128xf32>
    tpu.vector_store %arg13[%swap3A_83, %swap3A_84, %swap3A_85], %swap3A_88 {strides = array<i32>} : memref<4x1000x128xf32, #tpu.memory_space<vmem>>, vector<1x1000x128xf32>,
    %broadcast_in_dim3A = vector.shape_cast %div3A_27 : vector<1000x1xf32> to vector<1000x1xf32>
    %broadcast_in_dim3A_89 = vector.broadcast %broadcast_in_dim3A : vector<1000x1xf32> to vector<1000x128xf32>
    %swap3A_90 = arith.constant 0 : index
    %swap3A_91 = arith.constant 0 : index
    %swap3A_92 = vector.load %arg14[%swap3A_90, %swap3A_91] : memref<1000x128xf32, #tpu.memory_space<vmem>>, vector<1000x128xf32>
    tpu.vector_store %arg14[%swap3A_90, %swap3A_91], %broadcast_in_dim3A_89 {strides = array<i32>} : memref<1000x128xf32, #tpu.memory_space<vmem>>, vector<1000x128xf32>,
    %swap3A_93 = arith.constant 0 : index
    %swap3A_94 = arith.constant 0 : index
    %swap3A_95 = vector.load %arg15[%swap3A_93, %swap3A_94] : memref<1000x256xf32, #tpu.memory_space<vmem>>, vector<1000x256xf32>
    tpu.vector_store %arg15[%swap3A_93, %swap3A_94], %add3A_58 {strides = array<i32>} : memref<1000x256xf32, #tpu.memory_space<vmem>>, vector<1000x256xf32>,
    return
  }
  func.func @transform_0(%arg0: i32) -> (i32, i32) {
    %c0_i32 = arith.constant 0 : i32
    %c0_i32_0 = arith.constant 0 : i32
    return %arg0, %c0_i32 : i32, i32
  }
  func.func @transform_1(%arg0: i32) -> (i32, i32) {
    %c0_i32 = arith.constant 0 : i32
    %c0_i32_0 = arith.constant 0 : i32
    %c0_i32_1 = arith.constant 0 : i32
    return %c0_i32, %c0_i32_0 : i32, i32
  }
  func.func @transform_2(%arg0: i32) -> (i32, i32, i32) {
    %c0_i32 = arith.constant 0 : i32
    %c0_i32_0 = arith.constant 0 : i32
    %c0_i32_1 = arith.constant 0 : i32
    return %c0_i32, %arg0, %c0_i32_0 : i32, i32, i32
  }
  func.func @transform_3(%arg0: i32) -> (i32, i32) {
    %c0_i32 = arith.constant 0 : i32
    %c0_i32_0 = arith.constant 0 : i32
    return %arg0, %c0_i32 : i32, i32
  }
  func.func @transform_4(%arg0: i32) -> (i32, i32) {
    %c0_i32 = arith.constant 0 : i32
    %c0_i32_0 = arith.constant 0 : i32
    %c0_i32_1 = arith.constant 0 : i32
    return %c0_i32, %c0_i32_0 : i32, i32
  }
  func.func @transform_5(%arg0: i32) -> (i32, i32) {
    %c0_i32 = arith.constant 0 : i32
    %c0_i32_0 = arith.constant 0 : i32
    %c0_i32_1 = arith.constant 0 : i32
    return %c0_i32, %c0_i32_0 : i32, i32
  }
  func.func @transform_6(%arg0: i32) -> (i32, i32) {
    %c0_i32 = arith.constant 0 : i32
    %c0_i32_0 = arith.constant 0 : i32
    %c0_i32_1 = arith.constant 0 : i32
    return %c0_i32, %c0_i32_0 : i32, i32
  }
  func.func @transform_7(%arg0: i32) -> (i32, i32) {
    %c0_i32 = arith.constant 0 : i32
    %c0_i32_0 = arith.constant 0 : i32
    %c0_i32_1 = arith.constant 0 : i32
    return %c0_i32, %c0_i32_0 : i32, i32
  }
  func.func @transform_8(%arg0: i32) -> (i32, i32) {
    %c0_i32 = arith.constant 0 : i32
    %c0_i32_0 = arith.constant 0 : i32
    %c0_i32_1 = arith.constant 0 : i32
    return %c0_i32, %c0_i32_0 : i32, i32
  }
  func.func @transform_9(%arg0: i32) -> (i32, i32) {
    %c0_i32 = arith.constant 0 : i32
    %c0_i32_0 = arith.constant 0 : i32
    %c0_i32_1 = arith.constant 0 : i32
    return %c0_i32, %c0_i32_0 : i32, i32
  }
  func.func @transform_10(%arg0: i32) -> (i32, i32) {
    %c0_i32 = arith.constant 0 : i32
    %c0_i32_0 = arith.constant 0 : i32
    %c0_i32_1 = arith.constant 0 : i32
    return %c0_i32, %c0_i32_0 : i32, i32
  }
  func.func @transform_11(%arg0: i32) -> (i32, i32) {
    %c0_i32 = arith.constant 0 : i32
    %c0_i32_0 = arith.constant 0 : i32
    return %arg0, %c0_i32 : i32, i32
  }
  func.func @transform_12(%arg0: i32) -> (i32, i32, i32) {
    %c0_i32 = arith.constant 0 : i32
    %c0_i32_0 = arith.constant 0 : i32
    %c0_i32_1 = arith.constant 0 : i32
    return %c0_i32, %arg0, %c0_i32_0 : i32, i32, i32
  }
  func.func @transform_13(%arg0: i32) -> (i32, i32) {
    %c0_i32 = arith.constant 0 : i32
    %c0_i32_0 = arith.constant 0 : i32
    return %arg0, %c0_i32 : i32, i32
  }
  func.func @transform_14(%arg0: i32) -> (i32, i32) {
    %c0_i32 = arith.constant 0 : i32
    %c0_i32_0 = arith.constant 0 : i32
    return %arg0, %c0_i32 : i32, i32
  }
}

module attributes {stable_mosaic.version = 14 : i64} {
  func.func @_k2_body(%arg0: i32, %arg1: memref<4x1000x128xf32, #tpu.memory_space<vmem>>, %arg2: memref<4x1000x128xf32, #tpu.memory_space<vmem>>, %arg3: memref<1000x512xf32, #tpu.memory_space<vmem>>, %arg4: memref<1000x128xf32, #tpu.memory_space<vmem>>, %arg5: memref<1x512xf32, #tpu.memory_space<vmem>>, %arg6: memref<512x512xf32, #tpu.memory_space<vmem>>, %arg7: memref<1x512xf32, #tpu.memory_space<vmem>>, %arg8: memref<1x512xf32, #tpu.memory_space<vmem>>, %arg9: memref<1x512xf32, #tpu.memory_space<vmem>>, %arg10: memref<512x512xf32, #tpu.memory_space<vmem>>, %arg11: memref<1000x512xf32, #tpu.memory_space<vmem>>, %arg12: memref<4x1000x128xf32, #tpu.memory_space<vmem>>) attributes {dimension_semantics = [#tpu.dimension_semantics<arbitrary>], iteration_bounds = array<i64: 10>, scalar_prefetch = 0 : i64, scratch_operands = 0 : i64, tpu.core_type = #tpu.core_type<tc>, window_params = [{transform_indices = @transform_0, window_bounds = array<i64: 4, 1000, 128>}, {transform_indices = @transform_1, window_bounds = array<i64: 4, 1000, 128>}, {transform_indices = @transform_2, window_bounds = array<i64: 1000, 512>}, {transform_indices = @transform_3, window_bounds = array<i64: 1000, 128>}, {pipeline_mode = #tpu.pipeline_mode<synchronous>, transform_indices = @transform_4, window_bounds = array<i64: 1, 512>}, {pipeline_mode = #tpu.pipeline_mode<synchronous>, transform_indices = @transform_5, window_bounds = array<i64: 512, 512>}, {pipeline_mode = #tpu.pipeline_mode<synchronous>, transform_indices = @transform_6, window_bounds = array<i64: 1, 512>}, {pipeline_mode = #tpu.pipeline_mode<synchronous>, transform_indices = @transform_7, window_bounds = array<i64: 1, 512>}, {pipeline_mode = #tpu.pipeline_mode<synchronous>, transform_indices = @transform_8, window_bounds = array<i64: 1, 512>}, {pipeline_mode = #tpu.pipeline_mode<synchronous>, transform_indices = @transform_9, window_bounds = array<i64: 512, 512>}, {transform_indices = @transform_10, window_bounds = array<i64: 1000, 512>}, {transform_indices = @transform_11, window_bounds = array<i64: 4, 1000, 128>}]} {
    %get3A = arith.constant 0 : index
    %get3A_0 = arith.constant 0 : index
    %get3A_1 = vector.load %arg4[%get3A, %get3A_0] : memref<1000x128xf32, #tpu.memory_space<vmem>>, vector<1000x128xf32>
    %slice3A = vector.extract_strided_slice %get3A_1 {offsets = [0, 0], sizes = [1000, 1], strides = [1, 1]} : vector<1000x128xf32> to vector<1000x1xf32>
    %get3A_2 = arith.constant 0 : index
    %get3A_3 = arith.constant 0 : index
    %get3A_4 = arith.constant 0 : index
    %get3A_5 = vector.load %arg1[%get3A_2, %get3A_3, %get3A_4] : memref<4x1000x128xf32, #tpu.memory_space<vmem>>, vector<4x1000x128xf32>
    %slice3A_6 = vector.extract_strided_slice %get3A_5 {offsets = [0, 0, 0], sizes = [1, 1000, 128], strides = [1, 1, 1]} : vector<4x1000x128xf32> to vector<1x1000x128xf32>
    %squeeze3A = vector.shape_cast %slice3A_6 : vector<1x1000x128xf32> to vector<1000x128xf32>
    %slice3A_7 = vector.extract_strided_slice %get3A_5 {offsets = [1, 0, 0], sizes = [1, 1000, 128], strides = [1, 1, 1]} : vector<4x1000x128xf32> to vector<1x1000x128xf32>
    %squeeze3A_8 = vector.shape_cast %slice3A_7 : vector<1x1000x128xf32> to vector<1000x128xf32>
    %slice3A_9 = vector.extract_strided_slice %get3A_5 {offsets = [2, 0, 0], sizes = [1, 1000, 128], strides = [1, 1, 1]} : vector<4x1000x128xf32> to vector<1x1000x128xf32>
    %squeeze3A_10 = vector.shape_cast %slice3A_9 : vector<1x1000x128xf32> to vector<1000x128xf32>
    %slice3A_11 = vector.extract_strided_slice %get3A_5 {offsets = [3, 0, 0], sizes = [1, 1000, 128], strides = [1, 1, 1]} : vector<4x1000x128xf32> to vector<1x1000x128xf32>
    %squeeze3A_12 = vector.shape_cast %slice3A_11 : vector<1x1000x128xf32> to vector<1000x128xf32>
    %concatenate3A = tpu.concatenate %squeeze3A, %squeeze3A_8, %squeeze3A_10, %squeeze3A_12 in 1 : vector<1000x128xf32>, vector<1000x128xf32>, vector<1000x128xf32>, vector<1000x128xf32> -> vector<1000x512xf32>
    %get3A_13 = arith.constant 0 : index
    %get3A_14 = arith.constant 0 : index
    %get3A_15 = arith.constant 0 : index
    %get3A_16 = vector.load %arg2[%get3A_13, %get3A_14, %get3A_15] : memref<4x1000x128xf32, #tpu.memory_space<vmem>>, vector<4x1000x128xf32>
    %slice3A_17 = vector.extract_strided_slice %get3A_16 {offsets = [0, 0, 0], sizes = [1, 1000, 128], strides = [1, 1, 1]} : vector<4x1000x128xf32> to vector<1x1000x128xf32>
    %squeeze3A_18 = vector.shape_cast %slice3A_17 : vector<1x1000x128xf32> to vector<1000x128xf32>
    %slice3A_19 = vector.extract_strided_slice %get3A_16 {offsets = [1, 0, 0], sizes = [1, 1000, 128], strides = [1, 1, 1]} : vector<4x1000x128xf32> to vector<1x1000x128xf32>
    %squeeze3A_20 = vector.shape_cast %slice3A_19 : vector<1x1000x128xf32> to vector<1000x128xf32>
    %slice3A_21 = vector.extract_strided_slice %get3A_16 {offsets = [2, 0, 0], sizes = [1, 1000, 128], strides = [1, 1, 1]} : vector<4x1000x128xf32> to vector<1x1000x128xf32>
    %squeeze3A_22 = vector.shape_cast %slice3A_21 : vector<1x1000x128xf32> to vector<1000x128xf32>
    %slice3A_23 = vector.extract_strided_slice %get3A_16 {offsets = [3, 0, 0], sizes = [1, 1000, 128], strides = [1, 1, 1]} : vector<4x1000x128xf32> to vector<1x1000x128xf32>
    %squeeze3A_24 = vector.shape_cast %slice3A_23 : vector<1x1000x128xf32> to vector<1000x128xf32>
    %concatenate3A_25 = tpu.concatenate %squeeze3A_18, %squeeze3A_20, %squeeze3A_22, %squeeze3A_24 in 1 : vector<1000x128xf32>, vector<1000x128xf32>, vector<1000x128xf32>, vector<1000x128xf32> -> vector<1000x512xf32>
    %add3A = arith.addf %concatenate3A, %concatenate3A_25 : vector<1000x512xf32>
    %mul3A = vector.broadcast %slice3A : vector<1000x1xf32> to vector<1000x512xf32>
    %mul3A_26 = arith.mulf %mul3A, %add3A : vector<1000x512xf32>
    %get3A_27 = arith.constant 0 : index
    %get3A_28 = arith.constant 0 : index
    %get3A_29 = vector.load %arg5[%get3A_27, %get3A_28] : memref<1x512xf32, #tpu.memory_space<vmem>>, vector<1x512xf32>
    %add3A_30 = vector.broadcast %get3A_29 : vector<1x512xf32> to vector<1000x512xf32>
    %add3A_31 = arith.addf %mul3A_26, %add3A_30 : vector<1000x512xf32>
    %get3A_32 = arith.constant 0 : index
    %get3A_33 = arith.constant 0 : index
    %get3A_34 = vector.load %arg3[%get3A_32, %get3A_33] : memref<1000x512xf32, #tpu.memory_space<vmem>>, vector<1000x512xf32>
    %get3A_35 = arith.constant 0 : index
    %get3A_36 = arith.constant 0 : index
    %get3A_37 = vector.load %arg6[%get3A_35, %get3A_36] : memref<512x512xf32, #tpu.memory_space<vmem>>, vector<512x512xf32>
    %dot_general3A = arith.constant dense<0.000000e+00> : vector<1000x512xf32>
    %dot_general3A_38 = tpu.matmul %get3A_34, %get3A_37, %dot_general3A {dimension_numbers = #tpu.dot_dimension_numbers<[1], [0], [0], [1], [0, 0, 1, 1], [], []>, transpose_lhs_hint = false} : vector<1000x512xf32>, vector<512x512xf32>, vector<1000x512xf32> -> vector<1000x512xf32>
    %add3A_39 = arith.addf %add3A_31, %dot_general3A_38 : vector<1000x512xf32>
    %get3A_40 = arith.constant 0 : index
    %get3A_41 = arith.constant 0 : index
    %get3A_42 = vector.load %arg7[%get3A_40, %get3A_41] : memref<1x512xf32, #tpu.memory_space<vmem>>, vector<1x512xf32>
    %add3A_43 = vector.broadcast %get3A_42 : vector<1x512xf32> to vector<1000x512xf32>
    %add3A_44 = arith.addf %add3A_39, %add3A_43 : vector<1000x512xf32>
    %get3A_45 = arith.constant 0 : index
    %get3A_46 = arith.constant 0 : index
    %get3A_47 = vector.load %arg8[%get3A_45, %get3A_46] : memref<1x512xf32, #tpu.memory_space<vmem>>, vector<1x512xf32>
    %get3A_48 = arith.constant 0 : index
    %get3A_49 = arith.constant 0 : index
    %get3A_50 = vector.load %arg9[%get3A_48, %get3A_49] : memref<1x512xf32, #tpu.memory_space<vmem>>, vector<1x512xf32>
    %reduce_sum3A = arith.constant dense<0.000000e+00> : vector<1000xf32>
    %reduce_sum3A_51 = vector.multi_reduction <add>, %add3A_44, %reduce_sum3A [1] : vector<1000x512xf32> to vector<1000xf32>
    %broadcast_in_dim3A = vector.shape_cast %reduce_sum3A_51 : vector<1000xf32> to vector<1000x1xf32>
    %div3A = arith.constant 5.120000e+02 : f32
    %div3A_52 = vector.broadcast %div3A : f32 to vector<1000x1xf32>
    %div3A_53 = arith.divf %broadcast_in_dim3A, %div3A_52 : vector<1000x1xf32>
    %jit3A = arith.constant 0 : i32
    %reduce_sum3A_54 = arith.constant dense<0.000000e+00> : vector<1000xf32>
    %reduce_sum3A_55 = vector.multi_reduction <add>, %add3A_44, %reduce_sum3A_54 [1] : vector<1000x512xf32> to vector<1000xf32>
    %broadcast_in_dim3A_56 = vector.shape_cast %reduce_sum3A_55 : vector<1000xf32> to vector<1000x1xf32>
    %div3A_57 = arith.constant 5.120000e+02 : f32
    %div3A_58 = vector.broadcast %div3A_57 : f32 to vector<1000x1xf32>
    %div3A_59 = arith.divf %broadcast_in_dim3A_56, %div3A_58 : vector<1000x1xf32>
    %sub3A = vector.broadcast %div3A_59 : vector<1000x1xf32> to vector<1000x512xf32>
    %sub3A_60 = arith.subf %add3A_44, %sub3A : vector<1000x512xf32>
    %square3A = arith.mulf %sub3A_60, %sub3A_60 : vector<1000x512xf32>
    %convert_element_type3A = arith.sitofp %jit3A : i32 to f32
    %sub3A_61 = arith.constant 5.120000e+02 : f32
    %sub3A_62 = arith.subf %sub3A_61, %convert_element_type3A : f32
    %reduce_sum3A_63 = arith.constant dense<0.000000e+00> : vector<1000xf32>
    %reduce_sum3A_64 = vector.multi_reduction <add>, %square3A, %reduce_sum3A_63 [1] : vector<1000x512xf32> to vector<1000xf32>
    %broadcast_in_dim3A_65 = vector.shape_cast %reduce_sum3A_64 : vector<1000xf32> to vector<1000x1xf32>
    %div3A_66 = vector.broadcast %sub3A_62 : f32 to vector<1000x1xf32>
    %div3A_67 = arith.divf %broadcast_in_dim3A_65, %div3A_66 : vector<1000x1xf32>
    %gt3A = arith.constant 0.000000e+00 : f32
    %gt3A_68 = arith.cmpf ogt, %sub3A_62, %gt3A : f32
    %jit3A_69 = arith.constant 0x7FC00000 : f32
    %broadcast_in_dim3A_70 = vector.broadcast %jit3A_69 : f32 to vector<1000x1xf32>
    %select_n3A = arith.select %gt3A_68, %div3A_67, %broadcast_in_dim3A_70 : vector<1000x1xf32>
    %sub3A_71 = vector.broadcast %div3A_53 : vector<1000x1xf32> to vector<1000x512xf32>
    %sub3A_72 = arith.subf %add3A_44, %sub3A_71 : vector<1000x512xf32>
    %add3A_73 = arith.constant 9.99999974E-6 : f32
    %add3A_74 = vector.broadcast %add3A_73 : f32 to vector<1000x1xf32>
    %add3A_75 = arith.addf %select_n3A, %add3A_74 : vector<1000x1xf32>
    %sqrt3A = math.sqrt %add3A_75 : vector<1000x1xf32>
    %div3A_76 = vector.broadcast %sqrt3A : vector<1000x1xf32> to vector<1000x512xf32>
    %div3A_77 = arith.divf %sub3A_72, %div3A_76 : vector<1000x512xf32>
    %mul3A_78 = vector.broadcast %get3A_47 : vector<1x512xf32> to vector<1000x512xf32>
    %mul3A_79 = arith.mulf %div3A_77, %mul3A_78 : vector<1000x512xf32>
    %add3A_80 = vector.broadcast %get3A_50 : vector<1x512xf32> to vector<1000x512xf32>
    %add3A_81 = arith.addf %mul3A_79, %add3A_80 : vector<1000x512xf32>
    %max3A = arith.constant 0.000000e+00 : f32
    %max3A_82 = vector.broadcast %max3A : f32 to vector<1000x512xf32>
    %max3A_83 = arith.maximumf %add3A_81, %max3A_82 : vector<1000x512xf32>
    %swap3A = arith.constant 0 : index
    %swap3A_84 = arith.constant 0 : index
    %swap3A_85 = vector.load %arg11[%swap3A, %swap3A_84] : memref<1000x512xf32, #tpu.memory_space<vmem>>, vector<1000x512xf32>
    tpu.vector_store %arg11[%swap3A, %swap3A_84], %max3A_83 {strides = array<i32>} : memref<1000x512xf32, #tpu.memory_space<vmem>>, vector<1000x512xf32>,
    %get3A_86 = arith.constant 0 : index
    %get3A_87 = arith.constant 0 : index
    %get3A_88 = vector.load %arg10[%get3A_86, %get3A_87] : memref<512x512xf32, #tpu.memory_space<vmem>>, vector<512x512xf32>
    %dot_general3A_89 = arith.constant dense<0.000000e+00> : vector<1000x512xf32>
    %dot_general3A_90 = tpu.matmul %max3A_83, %get3A_88, %dot_general3A_89 {dimension_numbers = #tpu.dot_dimension_numbers<[1], [0], [0], [1], [0, 0, 1, 1], [], []>, transpose_lhs_hint = false} : vector<1000x512xf32>, vector<512x512xf32>, vector<1000x512xf32> -> vector<1000x512xf32>
    %mul3A_91 = vector.broadcast %slice3A : vector<1000x1xf32> to vector<1000x512xf32>
    %mul3A_92 = arith.mulf %mul3A_91, %dot_general3A_90 : vector<1000x512xf32>
    %slice3A_93 = vector.extract_strided_slice %mul3A_92 {offsets = [0, 0], sizes = [1000, 128], strides = [1, 1]} : vector<1000x512xf32> to vector<1000x128xf32>
    %swap3A_94 = arith.constant 0 : index
    %swap3A_95 = arith.constant 0 : index
    %swap3A_96 = arith.constant 0 : index
    %swap3A_97 = vector.load %arg12[%swap3A_94, %swap3A_95, %swap3A_96] : memref<4x1000x128xf32, #tpu.memory_space<vmem>>, vector<1x1000x128xf32>
    %swap3A_98 = vector.shape_cast %swap3A_97 : vector<1x1000x128xf32> to vector<1000x128xf32>
    %swap3A_99 = vector.shape_cast %slice3A_93 : vector<1000x128xf32> to vector<1x1000x128xf32>
    tpu.vector_store %arg12[%swap3A_94, %swap3A_95, %swap3A_96], %swap3A_99 {strides = array<i32>} : memref<4x1000x128xf32, #tpu.memory_space<vmem>>, vector<1x1000x128xf32>,
    %slice3A_100 = vector.extract_strided_slice %mul3A_92 {offsets = [0, 128], sizes = [1000, 128], strides = [1, 1]} : vector<1000x512xf32> to vector<1000x128xf32>
    %swap3A_101 = arith.constant 1 : index
    %swap3A_102 = arith.constant 0 : index
    %swap3A_103 = arith.constant 0 : index
    %swap3A_104 = vector.load %arg12[%swap3A_101, %swap3A_102, %swap3A_103] : memref<4x1000x128xf32, #tpu.memory_space<vmem>>, vector<1x1000x128xf32>
    %swap3A_105 = vector.shape_cast %swap3A_104 : vector<1x1000x128xf32> to vector<1000x128xf32>
    %swap3A_106 = vector.shape_cast %slice3A_100 : vector<1000x128xf32> to vector<1x1000x128xf32>
    tpu.vector_store %arg12[%swap3A_101, %swap3A_102, %swap3A_103], %swap3A_106 {strides = array<i32>} : memref<4x1000x128xf32, #tpu.memory_space<vmem>>, vector<1x1000x128xf32>,
    %slice3A_107 = vector.extract_strided_slice %mul3A_92 {offsets = [0, 256], sizes = [1000, 128], strides = [1, 1]} : vector<1000x512xf32> to vector<1000x128xf32>
    %swap3A_108 = arith.constant 2 : index
    %swap3A_109 = arith.constant 0 : index
    %swap3A_110 = arith.constant 0 : index
    %swap3A_111 = vector.load %arg12[%swap3A_108, %swap3A_109, %swap3A_110] : memref<4x1000x128xf32, #tpu.memory_space<vmem>>, vector<1x1000x128xf32>
    %swap3A_112 = vector.shape_cast %swap3A_111 : vector<1x1000x128xf32> to vector<1000x128xf32>
    %swap3A_113 = vector.shape_cast %slice3A_107 : vector<1000x128xf32> to vector<1x1000x128xf32>
    tpu.vector_store %arg12[%swap3A_108, %swap3A_109, %swap3A_110], %swap3A_113 {strides = array<i32>} : memref<4x1000x128xf32, #tpu.memory_space<vmem>>, vector<1x1000x128xf32>,
    %slice3A_114 = vector.extract_strided_slice %mul3A_92 {offsets = [0, 384], sizes = [1000, 128], strides = [1, 1]} : vector<1000x512xf32> to vector<1000x128xf32>
    %swap3A_115 = arith.constant 3 : index
    %swap3A_116 = arith.constant 0 : index
    %swap3A_117 = arith.constant 0 : index
    %swap3A_118 = vector.load %arg12[%swap3A_115, %swap3A_116, %swap3A_117] : memref<4x1000x128xf32, #tpu.memory_space<vmem>>, vector<1x1000x128xf32>
    %swap3A_119 = vector.shape_cast %swap3A_118 : vector<1x1000x128xf32> to vector<1000x128xf32>
    %swap3A_120 = vector.shape_cast %slice3A_114 : vector<1000x128xf32> to vector<1x1000x128xf32>
    tpu.vector_store %arg12[%swap3A_115, %swap3A_116, %swap3A_117], %swap3A_120 {strides = array<i32>} : memref<4x1000x128xf32, #tpu.memory_space<vmem>>, vector<1x1000x128xf32>,
    return
  }
  func.func @transform_0(%arg0: i32) -> (i32, i32, i32) {
    %c0_i32 = arith.constant 0 : i32
    %c0_i32_0 = arith.constant 0 : i32
    %c0_i32_1 = arith.constant 0 : i32
    return %c0_i32, %arg0, %c0_i32_0 : i32, i32, i32
  }
  func.func @transform_1(%arg0: i32) -> (i32, i32, i32) {
    %c0_i32 = arith.constant 0 : i32
    %c0_i32_0 = arith.constant 0 : i32
    %c0_i32_1 = arith.constant 0 : i32
    return %c0_i32, %arg0, %c0_i32_0 : i32, i32, i32
  }
  func.func @transform_2(%arg0: i32) -> (i32, i32) {
    %c0_i32 = arith.constant 0 : i32
    %c0_i32_0 = arith.constant 0 : i32
    return %arg0, %c0_i32 : i32, i32
  }
  func.func @transform_3(%arg0: i32) -> (i32, i32) {
    %c0_i32 = arith.constant 0 : i32
    %c0_i32_0 = arith.constant 0 : i32
    return %arg0, %c0_i32 : i32, i32
  }
  func.func @transform_4(%arg0: i32) -> (i32, i32) {
    %c0_i32 = arith.constant 0 : i32
    %c0_i32_0 = arith.constant 0 : i32
    %c0_i32_1 = arith.constant 0 : i32
    return %c0_i32, %c0_i32_0 : i32, i32
  }
  func.func @transform_5(%arg0: i32) -> (i32, i32) {
    %c0_i32 = arith.constant 0 : i32
    %c0_i32_0 = arith.constant 0 : i32
    %c0_i32_1 = arith.constant 0 : i32
    return %c0_i32, %c0_i32_0 : i32, i32
  }
  func.func @transform_6(%arg0: i32) -> (i32, i32) {
    %c0_i32 = arith.constant 0 : i32
    %c0_i32_0 = arith.constant 0 : i32
    %c0_i32_1 = arith.constant 0 : i32
    return %c0_i32, %c0_i32_0 : i32, i32
  }
  func.func @transform_7(%arg0: i32) -> (i32, i32) {
    %c0_i32 = arith.constant 0 : i32
    %c0_i32_0 = arith.constant 0 : i32
    %c0_i32_1 = arith.constant 0 : i32
    return %c0_i32, %c0_i32_0 : i32, i32
  }
  func.func @transform_8(%arg0: i32) -> (i32, i32) {
    %c0_i32 = arith.constant 0 : i32
    %c0_i32_0 = arith.constant 0 : i32
    %c0_i32_1 = arith.constant 0 : i32
    return %c0_i32, %c0_i32_0 : i32, i32
  }
  func.func @transform_9(%arg0: i32) -> (i32, i32) {
    %c0_i32 = arith.constant 0 : i32
    %c0_i32_0 = arith.constant 0 : i32
    %c0_i32_1 = arith.constant 0 : i32
    return %c0_i32, %c0_i32_0 : i32, i32
  }
  func.func @transform_10(%arg0: i32) -> (i32, i32) {
    %c0_i32 = arith.constant 0 : i32
    %c0_i32_0 = arith.constant 0 : i32
    return %arg0, %c0_i32 : i32, i32
  }
  func.func @transform_11(%arg0: i32) -> (i32, i32, i32) {
    %c0_i32 = arith.constant 0 : i32
    %c0_i32_0 = arith.constant 0 : i32
    %c0_i32_1 = arith.constant 0 : i32
    return %c0_i32, %arg0, %c0_i32_0 : i32, i32, i32
  }
}

module attributes {stable_mosaic.version = 14 : i64} {
  func.func @_k3_body(%arg0: i32, %arg1: memref<4x1000x128xf32, #tpu.memory_space<vmem>>, %arg2: memref<4x1000x128xf32, #tpu.memory_space<vmem>>, %arg3: memref<1000x512xf32, #tpu.memory_space<vmem>>, %arg4: memref<1000x128xf32, #tpu.memory_space<vmem>>, %arg5: memref<1x512xf32, #tpu.memory_space<vmem>>, %arg6: memref<512x512xf32, #tpu.memory_space<vmem>>, %arg7: memref<1x512xf32, #tpu.memory_space<vmem>>, %arg8: memref<1x512xf32, #tpu.memory_space<vmem>>, %arg9: memref<1x512xf32, #tpu.memory_space<vmem>>, %arg10: memref<512x256xf32, #tpu.memory_space<vmem>>, %arg11: memref<1x256xf32, #tpu.memory_space<vmem>>, %arg12: memref<1000x256xf32, #tpu.memory_space<vmem>>, %arg13: memref<1000x256xf32, #tpu.memory_space<vmem>>) attributes {dimension_semantics = [#tpu.dimension_semantics<arbitrary>], iteration_bounds = array<i64: 10>, scalar_prefetch = 0 : i64, scratch_operands = 0 : i64, tpu.core_type = #tpu.core_type<tc>, window_params = [{transform_indices = @transform_0, window_bounds = array<i64: 4, 1000, 128>}, {transform_indices = @transform_1, window_bounds = array<i64: 4, 1000, 128>}, {transform_indices = @transform_2, window_bounds = array<i64: 1000, 512>}, {transform_indices = @transform_3, window_bounds = array<i64: 1000, 128>}, {pipeline_mode = #tpu.pipeline_mode<synchronous>, transform_indices = @transform_4, window_bounds = array<i64: 1, 512>}, {pipeline_mode = #tpu.pipeline_mode<synchronous>, transform_indices = @transform_5, window_bounds = array<i64: 512, 512>}, {pipeline_mode = #tpu.pipeline_mode<synchronous>, transform_indices = @transform_6, window_bounds = array<i64: 1, 512>}, {pipeline_mode = #tpu.pipeline_mode<synchronous>, transform_indices = @transform_7, window_bounds = array<i64: 1, 512>}, {pipeline_mode = #tpu.pipeline_mode<synchronous>, transform_indices = @transform_8, window_bounds = array<i64: 1, 512>}, {pipeline_mode = #tpu.pipeline_mode<synchronous>, transform_indices = @transform_9, window_bounds = array<i64: 512, 256>}, {pipeline_mode = #tpu.pipeline_mode<synchronous>, transform_indices = @transform_10, window_bounds = array<i64: 1, 256>}, {transform_indices = @transform_11, window_bounds = array<i64: 1000, 256>}, {transform_indices = @transform_12, window_bounds = array<i64: 1000, 256>}]} {
    %get3A = arith.constant 0 : index
    %get3A_0 = arith.constant 0 : index
    %get3A_1 = vector.load %arg4[%get3A, %get3A_0] : memref<1000x128xf32, #tpu.memory_space<vmem>>, vector<1000x128xf32>
    %slice3A = vector.extract_strided_slice %get3A_1 {offsets = [0, 0], sizes = [1000, 1], strides = [1, 1]} : vector<1000x128xf32> to vector<1000x1xf32>
    %get3A_2 = arith.constant 0 : index
    %get3A_3 = arith.constant 0 : index
    %get3A_4 = arith.constant 0 : index
    %get3A_5 = vector.load %arg1[%get3A_2, %get3A_3, %get3A_4] : memref<4x1000x128xf32, #tpu.memory_space<vmem>>, vector<4x1000x128xf32>
    %slice3A_6 = vector.extract_strided_slice %get3A_5 {offsets = [0, 0, 0], sizes = [1, 1000, 128], strides = [1, 1, 1]} : vector<4x1000x128xf32> to vector<1x1000x128xf32>
    %squeeze3A = vector.shape_cast %slice3A_6 : vector<1x1000x128xf32> to vector<1000x128xf32>
    %slice3A_7 = vector.extract_strided_slice %get3A_5 {offsets = [1, 0, 0], sizes = [1, 1000, 128], strides = [1, 1, 1]} : vector<4x1000x128xf32> to vector<1x1000x128xf32>
    %squeeze3A_8 = vector.shape_cast %slice3A_7 : vector<1x1000x128xf32> to vector<1000x128xf32>
    %slice3A_9 = vector.extract_strided_slice %get3A_5 {offsets = [2, 0, 0], sizes = [1, 1000, 128], strides = [1, 1, 1]} : vector<4x1000x128xf32> to vector<1x1000x128xf32>
    %squeeze3A_10 = vector.shape_cast %slice3A_9 : vector<1x1000x128xf32> to vector<1000x128xf32>
    %slice3A_11 = vector.extract_strided_slice %get3A_5 {offsets = [3, 0, 0], sizes = [1, 1000, 128], strides = [1, 1, 1]} : vector<4x1000x128xf32> to vector<1x1000x128xf32>
    %squeeze3A_12 = vector.shape_cast %slice3A_11 : vector<1x1000x128xf32> to vector<1000x128xf32>
    %concatenate3A = tpu.concatenate %squeeze3A, %squeeze3A_8, %squeeze3A_10, %squeeze3A_12 in 1 : vector<1000x128xf32>, vector<1000x128xf32>, vector<1000x128xf32>, vector<1000x128xf32> -> vector<1000x512xf32>
    %get3A_13 = arith.constant 0 : index
    %get3A_14 = arith.constant 0 : index
    %get3A_15 = arith.constant 0 : index
    %get3A_16 = vector.load %arg2[%get3A_13, %get3A_14, %get3A_15] : memref<4x1000x128xf32, #tpu.memory_space<vmem>>, vector<4x1000x128xf32>
    %slice3A_17 = vector.extract_strided_slice %get3A_16 {offsets = [0, 0, 0], sizes = [1, 1000, 128], strides = [1, 1, 1]} : vector<4x1000x128xf32> to vector<1x1000x128xf32>
    %squeeze3A_18 = vector.shape_cast %slice3A_17 : vector<1x1000x128xf32> to vector<1000x128xf32>
    %slice3A_19 = vector.extract_strided_slice %get3A_16 {offsets = [1, 0, 0], sizes = [1, 1000, 128], strides = [1, 1, 1]} : vector<4x1000x128xf32> to vector<1x1000x128xf32>
    %squeeze3A_20 = vector.shape_cast %slice3A_19 : vector<1x1000x128xf32> to vector<1000x128xf32>
    %slice3A_21 = vector.extract_strided_slice %get3A_16 {offsets = [2, 0, 0], sizes = [1, 1000, 128], strides = [1, 1, 1]} : vector<4x1000x128xf32> to vector<1x1000x128xf32>
    %squeeze3A_22 = vector.shape_cast %slice3A_21 : vector<1x1000x128xf32> to vector<1000x128xf32>
    %slice3A_23 = vector.extract_strided_slice %get3A_16 {offsets = [3, 0, 0], sizes = [1, 1000, 128], strides = [1, 1, 1]} : vector<4x1000x128xf32> to vector<1x1000x128xf32>
    %squeeze3A_24 = vector.shape_cast %slice3A_23 : vector<1x1000x128xf32> to vector<1000x128xf32>
    %concatenate3A_25 = tpu.concatenate %squeeze3A_18, %squeeze3A_20, %squeeze3A_22, %squeeze3A_24 in 1 : vector<1000x128xf32>, vector<1000x128xf32>, vector<1000x128xf32>, vector<1000x128xf32> -> vector<1000x512xf32>
    %add3A = arith.addf %concatenate3A, %concatenate3A_25 : vector<1000x512xf32>
    %mul3A = vector.broadcast %slice3A : vector<1000x1xf32> to vector<1000x512xf32>
    %mul3A_26 = arith.mulf %mul3A, %add3A : vector<1000x512xf32>
    %get3A_27 = arith.constant 0 : index
    %get3A_28 = arith.constant 0 : index
    %get3A_29 = vector.load %arg5[%get3A_27, %get3A_28] : memref<1x512xf32, #tpu.memory_space<vmem>>, vector<1x512xf32>
    %add3A_30 = vector.broadcast %get3A_29 : vector<1x512xf32> to vector<1000x512xf32>
    %add3A_31 = arith.addf %mul3A_26, %add3A_30 : vector<1000x512xf32>
    %get3A_32 = arith.constant 0 : index
    %get3A_33 = arith.constant 0 : index
    %get3A_34 = vector.load %arg3[%get3A_32, %get3A_33] : memref<1000x512xf32, #tpu.memory_space<vmem>>, vector<1000x512xf32>
    %get3A_35 = arith.constant 0 : index
    %get3A_36 = arith.constant 0 : index
    %get3A_37 = vector.load %arg6[%get3A_35, %get3A_36] : memref<512x512xf32, #tpu.memory_space<vmem>>, vector<512x512xf32>
    %dot_general3A = arith.constant dense<0.000000e+00> : vector<1000x512xf32>
    %dot_general3A_38 = tpu.matmul %get3A_34, %get3A_37, %dot_general3A {dimension_numbers = #tpu.dot_dimension_numbers<[1], [0], [0], [1], [0, 0, 1, 1], [], []>, transpose_lhs_hint = false} : vector<1000x512xf32>, vector<512x512xf32>, vector<1000x512xf32> -> vector<1000x512xf32>
    %add3A_39 = arith.addf %add3A_31, %dot_general3A_38 : vector<1000x512xf32>
    %get3A_40 = arith.constant 0 : index
    %get3A_41 = arith.constant 0 : index
    %get3A_42 = vector.load %arg7[%get3A_40, %get3A_41] : memref<1x512xf32, #tpu.memory_space<vmem>>, vector<1x512xf32>
    %add3A_43 = vector.broadcast %get3A_42 : vector<1x512xf32> to vector<1000x512xf32>
    %add3A_44 = arith.addf %add3A_39, %add3A_43 : vector<1000x512xf32>
    %get3A_45 = arith.constant 0 : index
    %get3A_46 = arith.constant 0 : index
    %get3A_47 = vector.load %arg8[%get3A_45, %get3A_46] : memref<1x512xf32, #tpu.memory_space<vmem>>, vector<1x512xf32>
    %get3A_48 = arith.constant 0 : index
    %get3A_49 = arith.constant 0 : index
    %get3A_50 = vector.load %arg9[%get3A_48, %get3A_49] : memref<1x512xf32, #tpu.memory_space<vmem>>, vector<1x512xf32>
    %reduce_sum3A = arith.constant dense<0.000000e+00> : vector<1000xf32>
    %reduce_sum3A_51 = vector.multi_reduction <add>, %add3A_44, %reduce_sum3A [1] : vector<1000x512xf32> to vector<1000xf32>
    %broadcast_in_dim3A = vector.shape_cast %reduce_sum3A_51 : vector<1000xf32> to vector<1000x1xf32>
    %div3A = arith.constant 5.120000e+02 : f32
    %div3A_52 = vector.broadcast %div3A : f32 to vector<1000x1xf32>
    %div3A_53 = arith.divf %broadcast_in_dim3A, %div3A_52 : vector<1000x1xf32>
    %jit3A = arith.constant 0 : i32
    %reduce_sum3A_54 = arith.constant dense<0.000000e+00> : vector<1000xf32>
    %reduce_sum3A_55 = vector.multi_reduction <add>, %add3A_44, %reduce_sum3A_54 [1] : vector<1000x512xf32> to vector<1000xf32>
    %broadcast_in_dim3A_56 = vector.shape_cast %reduce_sum3A_55 : vector<1000xf32> to vector<1000x1xf32>
    %div3A_57 = arith.constant 5.120000e+02 : f32
    %div3A_58 = vector.broadcast %div3A_57 : f32 to vector<1000x1xf32>
    %div3A_59 = arith.divf %broadcast_in_dim3A_56, %div3A_58 : vector<1000x1xf32>
    %sub3A = vector.broadcast %div3A_59 : vector<1000x1xf32> to vector<1000x512xf32>
    %sub3A_60 = arith.subf %add3A_44, %sub3A : vector<1000x512xf32>
    %square3A = arith.mulf %sub3A_60, %sub3A_60 : vector<1000x512xf32>
    %convert_element_type3A = arith.sitofp %jit3A : i32 to f32
    %sub3A_61 = arith.constant 5.120000e+02 : f32
    %sub3A_62 = arith.subf %sub3A_61, %convert_element_type3A : f32
    %reduce_sum3A_63 = arith.constant dense<0.000000e+00> : vector<1000xf32>
    %reduce_sum3A_64 = vector.multi_reduction <add>, %square3A, %reduce_sum3A_63 [1] : vector<1000x512xf32> to vector<1000xf32>
    %broadcast_in_dim3A_65 = vector.shape_cast %reduce_sum3A_64 : vector<1000xf32> to vector<1000x1xf32>
    %div3A_66 = vector.broadcast %sub3A_62 : f32 to vector<1000x1xf32>
    %div3A_67 = arith.divf %broadcast_in_dim3A_65, %div3A_66 : vector<1000x1xf32>
    %gt3A = arith.constant 0.000000e+00 : f32
    %gt3A_68 = arith.cmpf ogt, %sub3A_62, %gt3A : f32
    %jit3A_69 = arith.constant 0x7FC00000 : f32
    %broadcast_in_dim3A_70 = vector.broadcast %jit3A_69 : f32 to vector<1000x1xf32>
    %select_n3A = arith.select %gt3A_68, %div3A_67, %broadcast_in_dim3A_70 : vector<1000x1xf32>
    %sub3A_71 = vector.broadcast %div3A_53 : vector<1000x1xf32> to vector<1000x512xf32>
    %sub3A_72 = arith.subf %add3A_44, %sub3A_71 : vector<1000x512xf32>
    %add3A_73 = arith.constant 9.99999974E-6 : f32
    %add3A_74 = vector.broadcast %add3A_73 : f32 to vector<1000x1xf32>
    %add3A_75 = arith.addf %select_n3A, %add3A_74 : vector<1000x1xf32>
    %sqrt3A = math.sqrt %add3A_75 : vector<1000x1xf32>
    %div3A_76 = vector.broadcast %sqrt3A : vector<1000x1xf32> to vector<1000x512xf32>
    %div3A_77 = arith.divf %sub3A_72, %div3A_76 : vector<1000x512xf32>
    %mul3A_78 = vector.broadcast %get3A_47 : vector<1x512xf32> to vector<1000x512xf32>
    %mul3A_79 = arith.mulf %div3A_77, %mul3A_78 : vector<1000x512xf32>
    %add3A_80 = vector.broadcast %get3A_50 : vector<1x512xf32> to vector<1000x512xf32>
    %add3A_81 = arith.addf %mul3A_79, %add3A_80 : vector<1000x512xf32>
    %max3A = arith.constant 0.000000e+00 : f32
    %max3A_82 = vector.broadcast %max3A : f32 to vector<1000x512xf32>
    %max3A_83 = arith.maximumf %add3A_81, %max3A_82 : vector<1000x512xf32>
    %get3A_84 = arith.constant 0 : index
    %get3A_85 = arith.constant 0 : index
    %get3A_86 = vector.load %arg3[%get3A_84, %get3A_85] : memref<1000x512xf32, #tpu.memory_space<vmem>>, vector<1000x512xf32>
    %add3A_87 = arith.addf %get3A_86, %max3A_83 : vector<1000x512xf32>
    %get3A_88 = arith.constant 0 : index
    %get3A_89 = arith.constant 0 : index
    %get3A_90 = vector.load %arg10[%get3A_88, %get3A_89] : memref<512x256xf32, #tpu.memory_space<vmem>>, vector<512x256xf32>
    %dot_general3A_91 = arith.constant dense<0.000000e+00> : vector<1000x256xf32>
    %dot_general3A_92 = tpu.matmul %add3A_87, %get3A_90, %dot_general3A_91 {dimension_numbers = #tpu.dot_dimension_numbers<[1], [0], [0], [1], [0, 0, 1, 1], [], []>, transpose_lhs_hint = false} : vector<1000x512xf32>, vector<512x256xf32>, vector<1000x256xf32> -> vector<1000x256xf32>
    %get3A_93 = arith.constant 0 : index
    %get3A_94 = arith.constant 0 : index
    %get3A_95 = vector.load %arg11[%get3A_93, %get3A_94] : memref<1x256xf32, #tpu.memory_space<vmem>>, vector<1x256xf32>
    %add3A_96 = vector.broadcast %get3A_95 : vector<1x256xf32> to vector<1000x256xf32>
    %add3A_97 = arith.addf %dot_general3A_92, %add3A_96 : vector<1000x256xf32>
    %get3A_98 = arith.constant 0 : index
    %get3A_99 = arith.constant 0 : index
    %get3A_100 = vector.load %arg12[%get3A_98, %get3A_99] : memref<1000x256xf32, #tpu.memory_space<vmem>>, vector<1000x256xf32>
    %add3A_101 = arith.addf %add3A_97, %get3A_100 : vector<1000x256xf32>
    %swap3A = arith.constant 0 : index
    %swap3A_102 = arith.constant 0 : index
    %swap3A_103 = vector.load %arg13[%swap3A, %swap3A_102] : memref<1000x256xf32, #tpu.memory_space<vmem>>, vector<1000x256xf32>
    tpu.vector_store %arg13[%swap3A, %swap3A_102], %add3A_101 {strides = array<i32>} : memref<1000x256xf32, #tpu.memory_space<vmem>>, vector<1000x256xf32>,
    return
  }
  func.func @transform_0(%arg0: i32) -> (i32, i32, i32) {
    %c0_i32 = arith.constant 0 : i32
    %c0_i32_0 = arith.constant 0 : i32
    %c0_i32_1 = arith.constant 0 : i32
    return %c0_i32, %arg0, %c0_i32_0 : i32, i32, i32
  }
  func.func @transform_1(%arg0: i32) -> (i32, i32, i32) {
    %c0_i32 = arith.constant 0 : i32
    %c0_i32_0 = arith.constant 0 : i32
    %c0_i32_1 = arith.constant 0 : i32
    return %c0_i32, %arg0, %c0_i32_0 : i32, i32, i32
  }
  func.func @transform_2(%arg0: i32) -> (i32, i32) {
    %c0_i32 = arith.constant 0 : i32
    %c0_i32_0 = arith.constant 0 : i32
    return %arg0, %c0_i32 : i32, i32
  }
  func.func @transform_3(%arg0: i32) -> (i32, i32) {
    %c0_i32 = arith.constant 0 : i32
    %c0_i32_0 = arith.constant 0 : i32
    return %arg0, %c0_i32 : i32, i32
  }
  func.func @transform_4(%arg0: i32) -> (i32, i32) {
    %c0_i32 = arith.constant 0 : i32
    %c0_i32_0 = arith.constant 0 : i32
    %c0_i32_1 = arith.constant 0 : i32
    return %c0_i32, %c0_i32_0 : i32, i32
  }
  func.func @transform_5(%arg0: i32) -> (i32, i32) {
    %c0_i32 = arith.constant 0 : i32
    %c0_i32_0 = arith.constant 0 : i32
    %c0_i32_1 = arith.constant 0 : i32
    return %c0_i32, %c0_i32_0 : i32, i32
  }
  func.func @transform_6(%arg0: i32) -> (i32, i32) {
    %c0_i32 = arith.constant 0 : i32
    %c0_i32_0 = arith.constant 0 : i32
    %c0_i32_1 = arith.constant 0 : i32
    return %c0_i32, %c0_i32_0 : i32, i32
  }
  func.func @transform_7(%arg0: i32) -> (i32, i32) {
    %c0_i32 = arith.constant 0 : i32
    %c0_i32_0 = arith.constant 0 : i32
    %c0_i32_1 = arith.constant 0 : i32
    return %c0_i32, %c0_i32_0 : i32, i32
  }
  func.func @transform_8(%arg0: i32) -> (i32, i32) {
    %c0_i32 = arith.constant 0 : i32
    %c0_i32_0 = arith.constant 0 : i32
    %c0_i32_1 = arith.constant 0 : i32
    return %c0_i32, %c0_i32_0 : i32, i32
  }
  func.func @transform_9(%arg0: i32) -> (i32, i32) {
    %c0_i32 = arith.constant 0 : i32
    %c0_i32_0 = arith.constant 0 : i32
    %c0_i32_1 = arith.constant 0 : i32
    return %c0_i32, %c0_i32_0 : i32, i32
  }
  func.func @transform_10(%arg0: i32) -> (i32, i32) {
    %c0_i32 = arith.constant 0 : i32
    %c0_i32_0 = arith.constant 0 : i32
    %c0_i32_1 = arith.constant 0 : i32
    return %c0_i32, %c0_i32_0 : i32, i32
  }
  func.func @transform_11(%arg0: i32) -> (i32, i32) {
    %c0_i32 = arith.constant 0 : i32
    %c0_i32_0 = arith.constant 0 : i32
    return %arg0, %c0_i32 : i32, i32
  }
  func.func @transform_12(%arg0: i32) -> (i32, i32) {
    %c0_i32 = arith.constant 0 : i32
    %c0_i32_0 = arith.constant 0 : i32
    return %arg0, %c0_i32 : i32, i32
  }
}

</mosaic_0001>

<sc_bundles>
// kernel: kernel.11.cloned.1.call-start
scs
__scs_entry_jumppad:
0x0: {  	(pc) =	sbr.rel $0x88, $3  }
0x1: {  	(tag) =	ssettag $0x0;
	lr =	simm.s32 $0x1  }
0x2: {  	[smem:$0x3F87] =	sst lr;
	_ =	strace $0xD0000000  }
0x3: {  	_ = 	snop  }
0x4: {  	_ = 	snop  }
0x5: {  	_ = 	snop  }
0x6: {  	_ = 	snop  }
0x7: {  	_ = 	snop  }
__scs_overlays_trampoline_lowered:
0x8: {  	[smem:$0x3F96] =	sst s0  }
0x9: {  	[smem:$0x3F97] =	sst s1  }
0xa: {  	[smem:$0x3F98] =	sst s2  }
0xb: {  	[smem:$0x3F99] =	sst s3  }
0xc: {  	[smem:$0x3F9A] =	sst s4  }
0xd: {  	[smem:$0x3F9B] =	sst s5  }
0xe: {  	[smem:$0x3F9C] =	sst s6  }
0xf: {  	[smem:$0x3F9D] =	sst s7  }
0x10: {  	[smem:$0x3F9E] =	sst s8  }
0x11: {  	[smem:$0x3F9F] =	sst s9;
	s0 =	simm.s32 @!p0 $0x0  }
0x12: {  	s1 =	sld [smem:$0x3F85];
	s0 =	simm.s32 @p0 $0x1  }
0x13: {  	[smem:$0x3FA0] =	sst s0;
	s0 =	simm.s32 @!p1 $0x0  }
0x14: {  	s2 =	sld [smem:$0x3F84];
	s0 =	simm.s32 @p1 $0x1  }
0x15: {  	[smem:$0x3FA1] =	sst s0;
	s0 =	simm.s32 @!p2 $0x0  }
0x16: {  	s3 =	sld [smem:$0x3FDB];
	s0 =	simm.s32 @p2 $0x1  }
0x17: {  	s4 =	simm.s32 $0x1BF5;
	[smem:$0x3FA3] =	sst s0  }
0x18: {  	s0 =	sld [smem:$0x3F86];
	_ =	swait.ge [sflag:s4], $0x0  }
0x19: {  	s7 =	sld [smem:$0x3F87]  }
0x1a: {  	s8 =	sadd.s32 $0xFFFFE003, lr  }
0x1b: {  	s9 =	sadd.s32 $0xFFFFFEF7, lr;
	s5 =	simm.s32 $0xFFFFFFFF;
	p2 =	slt.u32 s8, $0xFFFFF086  }
0x1c: {  	p1 =	slt.u32 s9, $0xF7A;
	s5 =	simm.s32 @!p2 $0x0  }
0x1d: {  	s5 =	simm.s32 @p1 $0x1;
	p0 =	seq.s32 s7, s2  }
0x1e: {  	s7 =	smul.u32 @!p0 $0xF7A, s2;
	p2 =	seq.s32 @!p0 s5, $0x0  }
0x1f: {  	s9 =	smul.u32 $0xF7A, s1;
	s8 =	simm.s32 @!p0 $0x1BF5;
	p2 =	por !p2, p0  }
0x20: {  	[sflag:s8] =	ssyncset.s32 @!p0 $0xFFFFF086;
	s6 =	sadd.s32 @!p0 s3, s7;
	s7 =	simm.s32 @!p0 $0x108  }
0x21: {  	s3 =	sadd.s32 s3, s9;
	s6 =	sadd.s32 @!p0 $0x88, s6;
	s7 =	simm.s32 @p2 $0x1082  }
0x22: {  	[simem:s7], [sflag:s8] =	dma.local @!p0 [hbm:s6], $0xF7A  }
0x23: {  	s9 =	sor.u32 $0xD0000000, s2;
	s6 =	simm.s32 $0x108;
	_ =	swait.ge @!p0 [sflag:s8], $0x0  }
0x24: {  	s3 =	sadd.s32 $0x88, s3;
	s6 =	simm.s32 @!p1 $0x1082;
	[sflag:s4] =	ssyncset.s32 $0xFFFFF086  }
0x25: {  	[simem:s6], [sflag:s4] =	dma.local [hbm:s3], $0xF7A  }
0x26: {  	[smem:$0x3F87] =	sst s1;
	(tag) =	ssettag s2;
	_ =	strace s9  }
0x27: {  	s1 =	sld [smem:$0x3F97]  }
0x28: {  	s2 =	sld [smem:$0x3F98]  }
0x29: {  	s4 =	sld [smem:$0x3F9A]  }
0x2a: {  	p0 =	seq.s32 s5, $0x0;
	s5 =	sld [smem:$0x3F9B]  }
0x2b: {  	s6 =	sld [smem:$0x3F9C]  }
0x2c: {  	s7 =	sld [smem:$0x3F9D]  }
0x2d: {  	s3 =	simm.s32 $0x108;
	s8 =	sld [smem:$0x3F9E]  }
0x2e: {  	s3 =	simm.s32 @!p0 $0x1082;
	s9 =	sld [smem:$0x3F9F]  }
0x2f: {  	lr =	sadd.s32 s0, s3;
	s0 =	sld [smem:$0x3F96]  }
0x30: {  	s3 =	sld [smem:$0x3F99]  }
0x31: {  	[smem:$0x3FA2] =	sst s10  }
0x32: {  	s10 =	sld [smem:$0x3FA0];
	_ =	sdelay $0x3  }
0x33: {  	p0 =	seq.s32 s10, $0x1;
	s10 =	sld [smem:$0x3FA2];
	_ =	sdelay $0x3  }
0x34: {  	[smem:$0x3FA2] =	sst s10  }
0x35: {  	s10 =	sld [smem:$0x3FA1];
	_ =	sdelay $0x3  }
0x36: {  	p1 =	seq.s32 s10, $0x1;
	s10 =	sld [smem:$0x3FA2];
	_ =	sdelay $0x3  }
0x37: {  	[smem:$0x3FA2] =	sst s10  }
0x38: {  	s10 =	sld [smem:$0x3FA3]  }
0x39: {  	_ = 	snop;
	(pc) =	sbr.ind lr, $3  }
0x3a: {  	_ = 	snop  }
0x3b: {  	_ = 	snop  }
0x3c: {  	p2 =	seq.s32 s10, $0x1;
	s10 =	sld [smem:$0x3FA2]  }
0x3d: {  	_ =	shalt  }
0x3e: {  	_ =	shalt  }
0x3f: {  	_ =	shalt  }
0x40: {  	_ =	shalt  }
0x41: {  	_ =	shalt  }
0x42: {  	_ =	shalt  }
0x43: {  	_ =	shalt  }
0x44: {  	_ =	shalt  }
0x45: {  	_ =	shalt  }
0x46: {  	_ =	shalt  }
0x47: {  	_ =	shalt  }
0x48: {  	_ =	shalt  }
0x49: {  	_ =	shalt  }
0x4a: {  	_ =	shalt  }
0x4b: {  	_ =	shalt  }
0x4c: {  	_ =	shalt  }
0x4d: {  	_ =	shalt  }
0x4e: {  	_ =	shalt  }
0x4f: {  	_ =	shalt  }
0x50: {  	_ =	shalt  }
0x51: {  	_ =	shalt  }
0x52: {  	_ =	shalt  }
0x53: {  	_ =	shalt  }
0x54: {  	_ =	shalt  }
0x55: {  	_ =	shalt  }
0x56: {  	_ =	shalt  }
0x57: {  	_ =	shalt  }
0x58: {  	_ =	shalt  }
0x59: {  	_ =	shalt  }
0x5a: {  	_ =	shalt  }
0x5b: {  	_ =	shalt  }
0x5c: {  	_ =	shalt  }
0x5d: {  	_ =	shalt  }
0x5e: {  	_ =	shalt  }
0x5f: {  	_ =	shalt  }
0x60: {  	_ =	shalt  }
0x61: {  	_ =	shalt  }
0x62: {  	_ =	shalt  }
0x63: {  	_ =	shalt  }
0x64: {  	_ =	shalt  }
0x65: {  	_ =	shalt  }
0x66: {  	_ =	shalt  }
0x67: {  	_ =	shalt  }
0x68: {  	_ =	shalt  }
0x69: {  	_ =	shalt  }
0x6a: {  	_ =	shalt  }
0x6b: {  	_ =	shalt  }
0x6c: {  	_ =	shalt  }
0x6d: {  	_ =	shalt  }
0x6e: {  	_ =	shalt  }
0x6f: {  	_ =	shalt  }
0x70: {  	_ =	shalt  }
0x71: {  	_ =	shalt  }
0x72: {  	_ =	shalt  }
0x73: {  	_ =	shalt  }
0x74: {  	_ =	shalt  }
0x75: {  	_ =	shalt  }
0x76: {  	_ =	shalt  }
0x77: {  	_ =	shalt  }
0x78: {  	_ =	shalt  }
0x79: {  	_ =	shalt  }
0x7a: {  	_ =	shalt  }
0x7b: {  	_ =	shalt  }
0x7c: {  	_ =	shalt  }
0x7d: {  	_ =	shalt  }
0x7e: {  	_ =	shalt  }
0x7f: {  	_ =	shalt  }
0x80: {  	_ =	shalt  }
0x81: {  	_ =	shalt  }
0x82: {  	_ =	shalt  }
0x83: {  	_ =	shalt  }
0x84: {  	_ =	shalt  }
0x85: {  	_ =	shalt  }
0x86: {  	_ =	shalt  }
0x87: {  	_ =	shalt  }
.Lfunc_end0:
.L_simem_size_0:
called_computation.1_lowered:
.L_overlay_start_0:
0x88: {  	s2 =	sld [smem:$0x3FD9]  }
0x89: {  	s3 =	sld [smem:$0x3FFE];
	_ =	sdelay $0x1  }
0x8a: {  	s1 =	srdreg.scid  }
0x8b: {  	s0 =	sand.u32 $0x1, s1  }
0x8c: {  	s16 =	sshll.u32 s0, $0xA;
	s2 =	sadd.s32 s3, s2  }
0x8d: {  	s2 =	sadd.s32 s2, s16  }
0x8e: {  	[smem:$0x3FAE] =	sst s2  }
0x8f: {  	_ = 	snop  }
0x90: {  	(tm) =	ssettm $0x1  }
0x91: {  	s17 =	sld [smem:$0x3FFB];
	_ =	sdelay $0x3  }
0x92: {  	_ =	strace s17  }
0x93: {  	s2 =	sld [smem:$0x3FFC];
	_ =	sdelay $0x3  }
0x94: {  	_ =	strace s2  }
0x95: {  	s2 =	sld [smem:$0x3FFD];
	_ =	sdelay $0x3  }
0x96: {  	_ =	strace s2  }
0x97: {  	_ =	strace $0x8FFFFFFF  }
0x98: {  	s18 =	sld [smem:$0x3FDB];
	_ =	sdelay $0x1  }
0x99: {  	s19 =	simm.s32 $_scs_section_size  }
0x9a: {  	s4 =	simm.s32 $_size__tile_overlayer_lowered;
	s5 =	simm.s32 $_tile_overlayer_lowered  }
0x9b: {  	s22 =	simm.s32 $0x1BFF;
	s21 =	sshll.u32 s5, $0x1;
	s2 =	sadd.s32 s19, s18  }
0x9c: {  	s6 =	simm.s32 $0x0;
	s20 =	sshll.u32 s4, $0x1;
	s4 =	sadd.s32 s21, s2  }
0x9d: {  	[timem:s6], [sflag:s22] =	dma.local [hbm:s4], s20  }
0x9e: {  	_ =	swait.ge [sflag:s22], s20  }
0x9f: {  	s3 =	ssub.s32 $0x0, s20;
	[sflag:s22] =	ssyncset.done $0x0  }
0xa0: {  	[sflag:s22] =	ssyncadd.s32 s3;
	_ =	sdelay $0x1  }
0xa1: {  	s23 =	simm.s32 $0x1B8B  }
0xa2: {  	_ =	swait.ge [sflag:s23], $0x1  }
0xa3: {  	[sflag:s23] =	ssyncset.done $0x0  }
0xa4: {  	s25 =	simm.s32 $0x1B8E;
	s24 =	sld [smem:$0x3FFE];
	[sflag:s23] =	ssyncadd.s32 $0xFFFFFFFF  }
0xa5: {  	s26 =	simm.s32 $execute0_lowered;
	[smem:$0x3FD2] =	sst s25  }
0xa6: {  	s4 =	sshll.u32 s26, $0x1;
	_ =	strace $0x80000049;
	[dreg:$0x1] =	wrdreg $0xFFFFFFFF  }
0xa7: {  	s28 =	simm.s32 $_size_execute0_lowered;
	s2 =	sadd.s32 s2, s4;
	[dreg:$0x0] =	wrdreg $0x0  }
0xa8: {  	s4 =	sshll.u32 s28, $0x1;
	[dreg:$0x2] =	wrdreg s2  }
0xa9: {  	[dreg:$0x3] =	wrdreg s4  }
0xaa: {  	[dreg:$0x4] =	wrdreg $0xC0  }
0xab: {  	_ =	task [dreg:s6], $0x5FFFF  }
0xac: {  	[dreg:$0x1] =	wrdreg $0xFFFFFFFF  }
0xad: {  	[dreg:$0x0] =	wrdreg $0x60  }
0xae: {  	[dreg:$0x2] =	wrdreg s24  }
0xaf: {  	[dreg:$0x3] =	wrdreg $0xA2000  }
0xb0: {  	[dreg:$0x4] =	wrdreg $0x9  }
0xb1: {  	_ =	task.clear_ibuf [dreg:s6], $0x5FFFF;
	_ =	strace $0x90000049  }
0xb2: {  	s29 =	simm.s32 $0x9;
	_ =	strace $0x8000004B  }
0xb3: {  	_ =	swait.ge [sflag:s29], $0x1  }
0xb4: {  	[sflag:s29] =	ssyncadd.s32 $0xFFFFFFFF  }
0xb5: {  	_ =	strace $0x9000004B  }
0xb6: {  	_ =	sfence  }
0xb7: {  	s30 =	sld [smem:$0x0];
	_ =	sdelay $0x2  }
0xb8: {  	s31 =	sshll.u32 s1, $0xD;
	s1 =	sshrl.u32 s1, $0x2  }
0xb9: {  	s3 =	sand.u32 $0x4000, s31;
	s1 =	sadd.s32 s1, s30  }
0xba: {  	s0 =	sor.u32 s3, s0;
	s1 =	sshll.u32 s1, $0x11  }
0xbb: {  	s0 =	sor.u32 s1, s0  }
0xbc: {  	s0 =	sadd.s32 $0x8F2B, s0  }
0xbd: {  	[sflag:s0] =	ssyncadd.remote.s32 $0x1  }
0xbe: {  	_ =	sfence.sel $0xFFFF  }
0xbf: {  	[dreg:$0x0] =	wrdreg $0xFFFFFFFF;
	(pc) =	sbr.abs _section_cstart, $3  }
0xc0: {  	[dreg:$0x1] =	wrdreg $0xFFFFFFFF  }
0xc1: {  	_ =	task.clear_ibuf [dreg:s6], $0x2FFFF;
	_ =	strace $0x9FFFFFFF  }
0xc2: {  	(tm) =	ssettm $0x7FFFFFFF  }
0xc3: {  	_ =	shalt  }
tec
execute0_lowered:
.L_overlay_start_1:
0x0: {  	(tag) =	ssettag $0x1  }
0x1: {  	s0 =	rddreg [dreg:$0x0]  }
0x2: {  	s2 =	rddreg [dreg:$0x1]  }
0x3: {  	s1 =	simm.s32 $0x0;
	s3 =	stileid.u32;
	s4 =	srdreg.scid  }
0x4: {  	s17 =	simm.s32 $0x50;
	s18 =	simm.s32 $0x2800;
	s19 =	simm.s32 $0x2A00  }
0x5: {  	s20 =	simm.s32 $0x2880;
	s21 =	simm.s32 $0x5200;
	s22 =	simm.s32 $0x1  }
0x6: {  	s23 =	simm.s32 $0x2980;
	s24 =	simm.s32 $0x5;
	s25 =	simm.s32 $0x2  }
0x7: {  	s28 =	simm.s32 $0x7A00;
	s29 =	simm.s32 $0x0;
	s26 =	smul.u32 $0x500, s3  }
0x8: {  	[smem:$0x7FF] =	sst s1;
	s7 =	sand.u32 $0x1, s4;
	s6 =	smul.u32 $0x2800, s3  }
0x9: {  	s4 =	sadd.s32 $0xF3600, s0;
	s10 =	smul.u32 $0x50000, s3;
	s5 =	sadd.s32 $0x6A00, s0  }
0xa: {  	s11 =	sshll.u32 s3, $0x6;
	_ =	strace $0x8000004A;
	s8 =	ssub.s32 $0x2, s7  }
0xb: {  	s7 =	sshll.u32 s7, $0x1;
	s11 =	sor.u32 $0x1C04, s11;
	s1 =	sadd.s32 s26, s0  }
0xc: {  	s9 =	sshrl.u32 s8, $0x1;
	s0 =	sadd.s32 s6, s0;
	s30 =	sshrl.u32 s10, $0x2  }
0xd: {  	s10 =	simm.s32 $0x4;
	s26 =	simm.s32 $0x3;
	s9 =	ssub.s32 s8, s9  }
.Ltmp0:
0xe: {  	s1 =	sadd.s32 $0x1A00, s1;
	s8 =	sadd.s32 $0x18FA00, s0;
	(pc) =	sbr.rel .LBB2_1-.Ltmp0, $4  }
0xf: {  	[dreg:$0x3] =	wrdreg s1;
	s1 =	sadd.s32 s30, s2;
	s9 =	smax.u32 s9, $0x1  }
0x10: {  	s31 =	sadd.s32 $0x4000, s1;
	s14 =	sadd.s32 $0x8000, s1;
	s15 =	sadd.s32 $0xC000, s1  }
0x11: {  	s16 =	sadd.s32 $0x10000, s1;
	s12 =	sshrl.u32 s1, $0x3;
	s13 =	sshrl.u32 s31, $0x3  }
0x12: {  	s14 =	sshrl.u32 s14, $0x3;
	s15 =	sshrl.u32 s15, $0x3;
	s16 =	sshrl.u32 s16, $0x3  }
.LBB2_6:
0x13: {  	s29 =	sadd.s32 $0x1, s29  }
0x14: {  	p0 =	sne.s32 s29, s9  }
.Ltmp1:
0x15: {  	_ = 	snop;
	(pc) =	sbr.rel @!p0 .LBB2_7-.Ltmp1, $1  }
0x16: {  	_ =	sdelay $0x3  }
.LBB2_1:
.Ltmp2:
0x17: {  	s0 =	simm.s32 $0x0;
	s1 =	rddreg [dreg:$0x3];
	(pc) =	sbr.rel .LBB2_2-.Ltmp2, $4  }
0x18: {  	[tilespmem:s0], [sflag:$0x4] =	stream.linear.gather [hbm4b:s1+s0], $0x2800, $0x38;
	[tilespmem:$0x1E200] =	vst v63  }
0x19: {  	_ =	swait.ge [sflag:s10], $0x2800  }
0x1a: {  	[sflag:s10] =	ssyncset.done $0x0  }
0x1b: {  	p1 =	por $0x1, $0x1;
	s0 =	simm.s32 $0x0;
	[sflag:s10] =	ssyncadd.s32 $0xFFFFD800  }
.LBB2_5:
0x1c: {  	s0 =	smul.u32 $0x28000, s30;
	_ =	sdelay $0x1  }
0x1d: {  	[bflag:$0x0] =	sbarrier.arrive $0xFFFF;
	s0 =	sadd.s32 s8, s0  }
0x1e: {  	[hbm:s0], [sflag:s11] =	dma.local [spmem:s12], $0x2800  }
.Ltmp3:
0x1f: {  	_ =	swait.ge [sflag:s10], $0x2800;
	(pc) =	sbr.rel @!p0 .LBB2_6-.Ltmp3, $4  }
0x20: {  	[sflag:s10] =	ssyncset.done $0x0  }
0x21: {  	[sflag:s10] =	ssyncadd.s32 $0xFFFFD800  }
0x22: {  	[bflag:$0x0] =	sbarrier.arrive $0xFFFF  }
0x23: {  	p1 =	por $0x0, $0x0;
	s0 =	simm.s32 $0x1  }
.LBB2_2:
0x24: {  	[spmem:s12], [sflag:s11] =	dma.local [hbm:s5], $0x800  }
0x25: {  	_ =	swait.ge [sflag:s10], $0x800  }
0x26: {  	[sflag:s10] =	ssyncset.done $0x0  }
0x27: {  	[sflag:s10] =	ssyncadd.s32 $0xFFFFF800  }
0x28: {  	[spmem:s13], [sflag:s11] =	dma.local [hbm:s5], $0x800  }
0x29: {  	_ =	swait.ge [sflag:s10], $0x800  }
0x2a: {  	[sflag:s10] =	ssyncset.done $0x0  }
0x2b: {  	[sflag:s10] =	ssyncadd.s32 $0xFFFFF800  }
0x2c: {  	[spmem:s14], [sflag:s11] =	dma.local [hbm:s5], $0x800  }
0x2d: {  	_ =	swait.ge [sflag:s10], $0x800  }
0x2e: {  	[sflag:s10] =	ssyncset.done $0x0  }
0x2f: {  	[sflag:s10] =	ssyncadd.s32 $0xFFFFF800  }
0x30: {  	[spmem:s15], [sflag:s11] =	dma.local [hbm:s5], $0x800  }
0x31: {  	_ =	swait.ge [sflag:s10], $0x800  }
0x32: {  	[sflag:s10] =	ssyncset.done $0x0  }
0x33: {  	[sflag:s10] =	ssyncadd.s32 $0xFFFFF800  }
0x34: {  	[spmem:s16], [sflag:s11] =	dma.local [hbm:s5], $0x800  }
0x35: {  	_ =	swait.ge [sflag:s10], $0x800  }
0x36: {  	[sflag:s10] =	ssyncset.done $0x0  }
0x37: {  	[sflag:s10] =	ssyncadd.s32 $0xFFFFF800  }
0x38: {  	[bflag:$0x0] =	sbarrier.arrive $0xFFFF  }
0x39: {  	v0 =	vld [tilespmem:$0x0]  }
0x3a: {  	v1 =	vld [tilespmem:$0x10]  }
0x3b: {  	v2 =	vld [tilespmem:$0x20]  }
0x3c: {  	s30 =	sor.u32 s7, s0;
	v3 =	vld [tilespmem:$0x30]  }
0x3d: {  	s0 =	smul.u32 $0x2710, s30;
	v4 =	vld [tilespmem:$0x40]  }
0x3e: {  	v0 =	vand.u32 $0xFFFF, v0  }
0x3f: {  	v1 =	vand.u32 $0xFFFF, v1;
	v0 =	vadd.s32 s0, v0  }
0x40: {  	[tilespmem:$0x2800] =	vst v0;
	v0 =	vadd.s32 s0, v1;
	v1 =	vand.u32 $0xFFFF, v2  }
0x41: {  	[tilespmem:$0x2810] =	vst v0;
	v0 =	vadd.s32 s0, v1;
	v1 =	vand.u32 $0xFFFF, v3  }
0x42: {  	[tilespmem:$0x2820] =	vst v0;
	v0 =	vadd.s32 s0, v1;
	v1 =	vand.u32 $0xFFFF, v4  }
0x43: {  	[tilespmem:$0x2830] =	vst v0;
	v0 =	vadd.s32 s0, v1  }
0x44: {  	[tilespmem:$0x2840] =	vst v0  }
0x45: {  	[tilespmem:s19], [sflag:$0x1] =	stream.indirect.gather [hbm4b:s4+s17], $0x80, s18, s17, $0xb8;
	[tilespmem:$0x1E200] =	vst v63  }
0x46: {  	v0 =	vld [tilespmem:$0x50]  }
0x47: {  	v1 =	vld [tilespmem:$0x60]  }
0x48: {  	v2 =	vld [tilespmem:$0x70]  }
0x49: {  	v3 =	vld [tilespmem:$0x80]  }
0x4a: {  	v63 =	vld [tilespmem:$0x90]  }
0x4b: {  	v0 =	vand.u32 $0xFFFF, v0  }
0x4c: {  	v1 =	vand.u32 $0xFFFF, v1;
	v0 =	vadd.s32 s0, v0  }
0x4d: {  	[tilespmem:$0x2880] =	vst v0;
	v0 =	vadd.s32 s0, v1;
	v1 =	vand.u32 $0xFFFF, v2  }
0x4e: {  	[tilespmem:$0x2890] =	vst v0;
	v0 =	vadd.s32 s0, v1;
	v1 =	vand.u32 $0xFFFF, v3  }
0x4f: {  	[tilespmem:$0x28A0] =	vst v0;
	v0 =	vadd.s32 s0, v1;
	v1 =	vand.u32 $0xFFFF, v63  }
0x50: {  	[tilespmem:$0x28B0] =	vst v0;
	v0 =	vadd.s32 s0, v1  }
0x51: {  	p0 =	por p1, p1;
	s31 =	simm.s32 $0x600;
	[tilespmem:$0x28C0] =	vst v0  }
0x52: {  	v0 =	vmov s0;
	[tilespmem:s21], [sflag:$0x2] =	stream.indirect.gather [hbm4b:s4+s17], $0x80, s20, s17, $0xb8;
	[tilespmem:$0x1E200] =	vst v63  }
.LBB2_3:
0x53: {  	p1 =	seq.s32 s31, $0xA380  }
0x54: {  	s1 =	sshra.s32 @!p1 s31, $0x2  }
0x55: {  	v1 =	vld @!p1 [tilespmem:s1+$0xFFFFFF20];
	_ =	sdelay $0x4  }
0x56: {  	v1 =	vand.u32 @!p1 $0xFFFF, v1  }
0x57: {  	v1 =	vadd.s32 @!p1 v0, v1  }
0x58: {  	[tilespmem:$0x2900] =	vst @!p1 v1  }
0x59: {  	v1 =	vld @!p1 [tilespmem:s1+$0xFFFFFF30];
	_ =	sdelay $0x4  }
0x5a: {  	v1 =	vand.u32 @!p1 $0xFFFF, v1  }
0x5b: {  	v1 =	vadd.s32 @!p1 v0, v1  }
0x5c: {  	[tilespmem:$0x2910] =	vst @!p1 v1  }
0x5d: {  	v1 =	vld @!p1 [tilespmem:s1+$0xFFFFFF40];
	_ =	sdelay $0x4  }
0x5e: {  	v1 =	vand.u32 @!p1 $0xFFFF, v1  }
0x5f: {  	v1 =	vadd.s32 @!p1 v0, v1  }
0x60: {  	[tilespmem:$0x2920] =	vst @!p1 v1  }
0x61: {  	v1 =	vld @!p1 [tilespmem:s1+$0xFFFFFF50];
	_ =	sdelay $0x4  }
0x62: {  	v1 =	vand.u32 @!p1 $0xFFFF, v1  }
0x63: {  	v1 =	vadd.s32 @!p1 v0, v1  }
0x64: {  	[tilespmem:$0x2930] =	vst @!p1 v1  }
0x65: {  	v1 =	vld @!p1 [tilespmem:s1+$0xFFFFFF60];
	_ =	sdelay $0x4  }
0x66: {  	v1 =	vand.u32 @!p1 $0xFFFF, v1  }
0x67: {  	v1 =	vadd.s32 @!p1 v0, v1  }
0x68: {  	s3 =	simm.s32 @!p1 $0x50;
	s0 =	simm.s32 @!p1 $0x2900;
	s6 =	simm.s32 @!p1 $0x7A00;
	[tilespmem:$0x2940] =	vst @!p1 v1  }
0x69: {  	[tilespmem:s6], [sflag:$0x3] =	stream.indirect.gather @!p1 [hbm4b:s4+s3], $0x80, s0, s3, $0xb8;
	[tilespmem:$0x1E200] =	vst v63  }
0x6a: {  	_ =	swait.ge [sflag:s22], $0x2800  }
0x6b: {  	[sflag:s22] =	ssyncset.done $0x0  }
0x6c: {  	s0 =	sshra.s32 s31, $0x2;
	[sflag:s22] =	ssyncadd.s32 $0xFFFFD800  }
0x6d: {  	v1 =	vld [tilespmem:s0+$0xFFFFFE80];
	_ =	sdelay $0x4  }
0x6e: {  	v1 =	vshrl.u32 v1, $0x10  }
0x6f: {  	[tilespmem:$0x2980] =	vst v1  }
0x70: {  	v1 =	vld [tilespmem:s0+$0xFFFFFE90];
	_ =	sdelay $0x4  }
0x71: {  	v1 =	vshrl.u32 v1, $0x10  }
0x72: {  	[tilespmem:$0x2990] =	vst v1  }
0x73: {  	v1 =	vld [tilespmem:s0+$0xFFFFFEA0];
	_ =	sdelay $0x4  }
0x74: {  	v1 =	vshrl.u32 v1, $0x10  }
0x75: {  	[tilespmem:$0x29A0] =	vst v1  }
0x76: {  	v1 =	vld [tilespmem:s0+$0xFFFFFEB0];
	_ =	sdelay $0x4  }
0x77: {  	v1 =	vshrl.u32 v1, $0x10  }
0x78: {  	[tilespmem:$0x29B0] =	vst v1  }
0x79: {  	v1 =	vld [tilespmem:s0+$0xFFFFFEC0];
	_ =	sdelay $0x4  }
0x7a: {  	v1 =	vshrl.u32 v1, $0x10  }
0x7b: {  	[tilespmem:$0x29C0] =	vst v1  }
0x7c: {  	[spmem:s2] =	stream.indirect.scatter.add.f32 [tilespmem:s19], [sflag:$0x5], $0x80, s23, s17, $0xb8;
	[tilespmem:$0x1E200] =	vst v63  }
0x7d: {  	_ =	swait.ge [sflag:s24], $0x2800  }
0x7e: {  	[sflag:s24] =	ssyncset.done $0x0  }
0x7f: {  	[sflag:s24] =	ssyncadd.s32 $0xFFFFD800  }
0x80: {  	v1 =	vld @!p1 [tilespmem:s1+$0xFFFFFF70];
	_ =	sdelay $0x4  }
0x81: {  	v1 =	vand.u32 @!p1 $0xFFFF, v1  }
0x82: {  	v1 =	vadd.s32 @!p1 v0, v1  }
0x83: {  	[tilespmem:$0x2800] =	vst @!p1 v1  }
0x84: {  	v1 =	vld @!p1 [tilespmem:s1+$0xFFFFFF80];
	_ =	sdelay $0x4  }
0x85: {  	v1 =	vand.u32 @!p1 $0xFFFF, v1  }
0x86: {  	v1 =	vadd.s32 @!p1 v0, v1  }
0x87: {  	[tilespmem:$0x2810] =	vst @!p1 v1  }
0x88: {  	v1 =	vld @!p1 [tilespmem:s1+$0xFFFFFF90];
	_ =	sdelay $0x4  }
0x89: {  	v1 =	vand.u32 @!p1 $0xFFFF, v1  }
0x8a: {  	v1 =	vadd.s32 @!p1 v0, v1  }
0x8b: {  	[tilespmem:$0x2820] =	vst @!p1 v1  }
0x8c: {  	v1 =	vld @!p1 [tilespmem:s1+$0xFFFFFFA0];
	_ =	sdelay $0x4  }
0x8d: {  	v1 =	vand.u32 @!p1 $0xFFFF, v1  }
0x8e: {  	v1 =	vadd.s32 @!p1 v0, v1  }
0x8f: {  	[tilespmem:$0x2830] =	vst @!p1 v1  }
0x90: {  	v1 =	vld @!p1 [tilespmem:s1+$0xFFFFFFB0];
	_ =	sdelay $0x4  }
0x91: {  	v1 =	vand.u32 @!p1 $0xFFFF, v1  }
0x92: {  	v1 =	vadd.s32 @!p1 v0, v1  }
0x93: {  	s6 =	simm.s32 @!p1 $0x2A00;
	s1 =	simm.s32 @!p1 $0x2800;
	[tilespmem:$0x2840] =	vst @!p1 v1  }
0x94: {  	[tilespmem:s6], [sflag:$0x1] =	stream.indirect.gather @!p1 [hbm4b:s4+s3], $0x80, s1, s3, $0xb8;
	[tilespmem:$0x1E200] =	vst v63  }
0x95: {  	_ =	swait.ge [sflag:s25], $0x2800  }
0x96: {  	[sflag:s25] =	ssyncset.done $0x0  }
0x97: {  	[sflag:s25] =	ssyncadd.s32 $0xFFFFD800  }
0x98: {  	v1 =	vld [tilespmem:s0+$0xFFFFFED0];
	_ =	sdelay $0x4  }
0x99: {  	v1 =	vshrl.u32 v1, $0x10  }
0x9a: {  	[tilespmem:$0x2980] =	vst v1  }
0x9b: {  	v1 =	vld [tilespmem:s0+$0xFFFFFEE0];
	_ =	sdelay $0x4  }
0x9c: {  	v1 =	vshrl.u32 v1, $0x10  }
0x9d: {  	[tilespmem:$0x2990] =	vst v1  }
0x9e: {  	v1 =	vld [tilespmem:s0+$0xFFFFFEF0];
	_ =	sdelay $0x4  }
0x9f: {  	v1 =	vshrl.u32 v1, $0x10  }
0xa0: {  	[tilespmem:$0x29A0] =	vst v1  }
0xa1: {  	v1 =	vld [tilespmem:s0+$0xFFFFFF00];
	_ =	sdelay $0x4  }
0xa2: {  	v1 =	vshrl.u32 v1, $0x10  }
0xa3: {  	[tilespmem:$0x29B0] =	vst v1  }
0xa4: {  	v1 =	vld [tilespmem:s0+$0xFFFFFF10];
	_ =	sdelay $0x4  }
0xa5: {  	v1 =	vshrl.u32 v1, $0x10  }
.Ltmp4:
0xa6: {  	[tilespmem:$0x29C0] =	vst v1;
	(pc) =	sbr.rel @p1 .LBB2_5-.Ltmp4, $4  }
0xa7: {  	[spmem:s2] =	stream.indirect.scatter.add.f32 [tilespmem:s21], [sflag:$0x5], $0x80, s23, s17, $0xb8;
	[tilespmem:$0x1E200] =	vst v63  }
0xa8: {  	_ =	swait.ge [sflag:s24], $0x2800  }
0xa9: {  	[sflag:s24] =	ssyncset.done $0x0  }
0xaa: {  	[sflag:s24] =	ssyncadd.s32 $0xFFFFD800  }
0xab: {  	v1 =	vld [tilespmem:s0+$0xFFFFFFC0];
	_ =	sdelay $0x4  }
0xac: {  	v1 =	vand.u32 $0xFFFF, v1  }
0xad: {  	v1 =	vadd.s32 v0, v1  }
0xae: {  	[tilespmem:$0x2880] =	vst v1  }
0xaf: {  	v1 =	vld [tilespmem:s0+$0xFFFFFFD0];
	_ =	sdelay $0x4  }
0xb0: {  	v1 =	vand.u32 $0xFFFF, v1  }
0xb1: {  	v1 =	vadd.s32 v0, v1  }
0xb2: {  	[tilespmem:$0x2890] =	vst v1  }
0xb3: {  	v1 =	vld [tilespmem:s0+$0xFFFFFFE0];
	_ =	sdelay $0x4  }
0xb4: {  	v1 =	vand.u32 $0xFFFF, v1  }
0xb5: {  	v1 =	vadd.s32 v0, v1  }
0xb6: {  	[tilespmem:$0x28A0] =	vst v1  }
0xb7: {  	v1 =	vld [tilespmem:s0+$0xFFFFFFF0];
	_ =	sdelay $0x4  }
0xb8: {  	v1 =	vand.u32 $0xFFFF, v1  }
0xb9: {  	v1 =	vadd.s32 v0, v1  }
0xba: {  	[tilespmem:$0x28B0] =	vst v1  }
0xbb: {  	v1 =	vld [tilespmem:s0+$0x0];
	_ =	sdelay $0x4  }
0xbc: {  	v1 =	vand.u32 $0xFFFF, v1  }
0xbd: {  	v1 =	vadd.s32 v0, v1  }
0xbe: {  	[tilespmem:$0x28C0] =	vst v1  }
0xbf: {  	[tilespmem:s21], [sflag:$0x2] =	stream.indirect.gather [hbm4b:s4+s17], $0x80, s20, s17, $0xb8;
	[tilespmem:$0x1E200] =	vst v63  }
0xc0: {  	_ =	swait.ge [sflag:s26], $0x2800  }
0xc1: {  	[sflag:s26] =	ssyncset.done $0x0  }
0xc2: {  	[sflag:s26] =	ssyncadd.s32 $0xFFFFD800  }
0xc3: {  	v1 =	vld [tilespmem:s0+$0xFFFFFF20];
	_ =	sdelay $0x4  }
0xc4: {  	v1 =	vshrl.u32 v1, $0x10  }
0xc5: {  	[tilespmem:$0x2980] =	vst v1  }
0xc6: {  	v1 =	vld [tilespmem:s0+$0xFFFFFF30];
	_ =	sdelay $0x4  }
0xc7: {  	v1 =	vshrl.u32 v1, $0x10  }
0xc8: {  	[tilespmem:$0x2990] =	vst v1  }
0xc9: {  	v1 =	vld [tilespmem:s0+$0xFFFFFF40];
	_ =	sdelay $0x4  }
0xca: {  	v1 =	vshrl.u32 v1, $0x10  }
0xcb: {  	[tilespmem:$0x29A0] =	vst v1  }
0xcc: {  	v1 =	vld [tilespmem:s0+$0xFFFFFF50];
	_ =	sdelay $0x4  }
0xcd: {  	v1 =	vshrl.u32 v1, $0x10  }
0xce: {  	[tilespmem:$0x29B0] =	vst v1  }
0xcf: {  	v1 =	vld [tilespmem:s0+$0xFFFFFF60];
	_ =	sdelay $0x4  }
0xd0: {  	v1 =	vshrl.u32 v1, $0x10  }
.Ltmp5:
0xd1: {  	[tilespmem:$0x29C0] =	vst v1;
	(pc) =	sbr.rel .LBB2_3-.Ltmp5, $4  }
0xd2: {  	[spmem:s2] =	stream.indirect.scatter.add.f32 [tilespmem:s28], [sflag:$0x4], $0x80, s23, s17, $0xb8;
	[tilespmem:$0x1E200] =	vst v63  }
0xd3: {  	_ =	swait.ge [sflag:s10], $0x2800  }
0xd4: {  	[sflag:s10] =	ssyncset.done $0x0  }
0xd5: {  	s31 =	sadd.s32 $0x3C0, s31;
	[sflag:s10] =	ssyncadd.s32 $0xFFFFD800  }
.LBB2_7:
0xd6: {  	_ =	sfence.sel $0x180000  }
0xd7: {  	[bflag:$0x0] =	sbarrier.arrive $0xFFFF  }
0xd8: {  	_ =	strace $0x9000004A  }
0xd9: {  	s0 =	stileid.u32;
	[bflag:$0x2] =	sbarrier.arrive $0xFFFF  }
0xda: {  	p0 =	sne.s32 s0, $0x0;
	s0 =	rddreg [dreg:$0x2]  }
0xdb: {  	s0 =	sadd.s32 @!p0 $0x100000, s0  }
0xdc: {  	[sflag:s0] =	ssyncadd.tile.s32 @!p0 $0x1;
	_ =	shalt  }
.Lfunc_end2:
_tile_overlayer_lowered:
.L_overlay_start_2:
0xdd: {  	(tag) =	ssettag $0x2  }
0xde: {  	s0 =	rddreg [dreg:$0x0];
	s2 =	stileid.u32  }
0xdf: {  	s1 =	rddreg [dreg:$0x1];
	p0 =	sne.s32 s2, $0x0  }
0xe0: {  	s3 =	rddreg [dreg:$0x2];
	[bflag:$0x3] =	sbarrier.arrive $0xFFFF;
	s2 =	simm.s32 @!p0 $0x1C04  }
0xe1: {  	[timem:s3], [sflag:s2] =	dma.local @!p0 [hbm:s0], s1  }
0xe2: {  	s0 =	simm.s32 @!p0 $0x4  }
0xe3: {  	_ =	swait.ge @!p0 [sflag:s0], s1  }
0xe4: {  	s1 =	ssub.s32 @!p0 $0x0, s1;
	[sflag:s0] =	ssyncset.done @!p0 $0x0  }
0xe5: {  	[sflag:s0] =	ssyncadd.s32 @!p0 s1  }
0xe6: {  	[bflag:$0x3] =	sbarrier.arrive $0xFFFF  }
0xe7: {  	_ =	shalt  }

// kernel: kernel.14.cloned.1.call-start
scs
__scs_entry_jumppad:
0x0: {  	(pc) =	sbr.rel $0x88, $3  }
0x1: {  	(tag) =	ssettag $0x0;
	lr =	simm.s32 $0x1  }
0x2: {  	[smem:$0x3F87] =	sst lr;
	_ =	strace $0xD0000000  }
0x3: {  	_ = 	snop  }
0x4: {  	_ = 	snop  }
0x5: {  	_ = 	snop  }
0x6: {  	_ = 	snop  }
0x7: {  	_ = 	snop  }
__scs_overlays_trampoline_lowered:
0x8: {  	[smem:$0x3F96] =	sst s0  }
0x9: {  	[smem:$0x3F97] =	sst s1  }
0xa: {  	[smem:$0x3F98] =	sst s2  }
0xb: {  	[smem:$0x3F99] =	sst s3  }
0xc: {  	[smem:$0x3F9A] =	sst s4  }
0xd: {  	[smem:$0x3F9B] =	sst s5  }
0xe: {  	[smem:$0x3F9C] =	sst s6  }
0xf: {  	[smem:$0x3F9D] =	sst s7  }
0x10: {  	[smem:$0x3F9E] =	sst s8  }
0x11: {  	[smem:$0x3F9F] =	sst s9;
	s0 =	simm.s32 @!p0 $0x0  }
0x12: {  	s1 =	sld [smem:$0x3F85];
	s0 =	simm.s32 @p0 $0x1  }
0x13: {  	[smem:$0x3FA0] =	sst s0;
	s0 =	simm.s32 @!p1 $0x0  }
0x14: {  	s2 =	sld [smem:$0x3F84];
	s0 =	simm.s32 @p1 $0x1  }
0x15: {  	[smem:$0x3FA1] =	sst s0;
	s0 =	simm.s32 @!p2 $0x0  }
0x16: {  	s3 =	sld [smem:$0x3FDB];
	s0 =	simm.s32 @p2 $0x1  }
0x17: {  	s4 =	simm.s32 $0x1BF5;
	[smem:$0x3FA3] =	sst s0  }
0x18: {  	s0 =	sld [smem:$0x3F86];
	_ =	swait.ge [sflag:s4], $0x0  }
0x19: {  	s7 =	sld [smem:$0x3F87]  }
0x1a: {  	s8 =	sadd.s32 $0xFFFFE003, lr  }
0x1b: {  	s9 =	sadd.s32 $0xFFFFFEF7, lr;
	s5 =	simm.s32 $0xFFFFFFFF;
	p2 =	slt.u32 s8, $0xFFFFF086  }
0x1c: {  	p1 =	slt.u32 s9, $0xF7A;
	s5 =	simm.s32 @!p2 $0x0  }
0x1d: {  	s5 =	simm.s32 @p1 $0x1;
	p0 =	seq.s32 s7, s2  }
0x1e: {  	s7 =	smul.u32 @!p0 $0xF7A, s2;
	p2 =	seq.s32 @!p0 s5, $0x0  }
0x1f: {  	s9 =	smul.u32 $0xF7A, s1;
	s8 =	simm.s32 @!p0 $0x1BF5;
	p2 =	por !p2, p0  }
0x20: {  	[sflag:s8] =	ssyncset.s32 @!p0 $0xFFFFF086;
	s6 =	sadd.s32 @!p0 s3, s7;
	s7 =	simm.s32 @!p0 $0x108  }
0x21: {  	s3 =	sadd.s32 s3, s9;
	s6 =	sadd.s32 @!p0 $0x88, s6;
	s7 =	simm.s32 @p2 $0x1082  }
0x22: {  	[simem:s7], [sflag:s8] =	dma.local @!p0 [hbm:s6], $0xF7A  }
0x23: {  	s9 =	sor.u32 $0xD0000000, s2;
	s6 =	simm.s32 $0x108;
	_ =	swait.ge @!p0 [sflag:s8], $0x0  }
0x24: {  	s3 =	sadd.s32 $0x88, s3;
	s6 =	simm.s32 @!p1 $0x1082;
	[sflag:s4] =	ssyncset.s32 $0xFFFFF086  }
0x25: {  	[simem:s6], [sflag:s4] =	dma.local [hbm:s3], $0xF7A  }
0x26: {  	[smem:$0x3F87] =	sst s1;
	(tag) =	ssettag s2;
	_ =	strace s9  }
0x27: {  	s1 =	sld [smem:$0x3F97]  }
0x28: {  	s2 =	sld [smem:$0x3F98]  }
0x29: {  	s4 =	sld [smem:$0x3F9A]  }
0x2a: {  	p0 =	seq.s32 s5, $0x0;
	s5 =	sld [smem:$0x3F9B]  }
0x2b: {  	s6 =	sld [smem:$0x3F9C]  }
0x2c: {  	s7 =	sld [smem:$0x3F9D]  }
0x2d: {  	s3 =	simm.s32 $0x108;
	s8 =	sld [smem:$0x3F9E]  }
0x2e: {  	s3 =	simm.s32 @!p0 $0x1082;
	s9 =	sld [smem:$0x3F9F]  }
0x2f: {  	lr =	sadd.s32 s0, s3;
	s0 =	sld [smem:$0x3F96]  }
0x30: {  	s3 =	sld [smem:$0x3F99]  }
0x31: {  	[smem:$0x3FA2] =	sst s10  }
0x32: {  	s10 =	sld [smem:$0x3FA0];
	_ =	sdelay $0x3  }
0x33: {  	p0 =	seq.s32 s10, $0x1;
	s10 =	sld [smem:$0x3FA2];
	_ =	sdelay $0x3  }
0x34: {  	[smem:$0x3FA2] =	sst s10  }
0x35: {  	s10 =	sld [smem:$0x3FA1];
	_ =	sdelay $0x3  }
0x36: {  	p1 =	seq.s32 s10, $0x1;
	s10 =	sld [smem:$0x3FA2];
	_ =	sdelay $0x3  }
0x37: {  	[smem:$0x3FA2] =	sst s10  }
0x38: {  	s10 =	sld [smem:$0x3FA3]  }
0x39: {  	_ = 	snop;
	(pc) =	sbr.ind lr, $3  }
0x3a: {  	_ = 	snop  }
0x3b: {  	_ = 	snop  }
0x3c: {  	p2 =	seq.s32 s10, $0x1;
	s10 =	sld [smem:$0x3FA2]  }
0x3d: {  	_ =	shalt  }
0x3e: {  	_ =	shalt  }
0x3f: {  	_ =	shalt  }
0x40: {  	_ =	shalt  }
0x41: {  	_ =	shalt  }
0x42: {  	_ =	shalt  }
0x43: {  	_ =	shalt  }
0x44: {  	_ =	shalt  }
0x45: {  	_ =	shalt  }
0x46: {  	_ =	shalt  }
0x47: {  	_ =	shalt  }
0x48: {  	_ =	shalt  }
0x49: {  	_ =	shalt  }
0x4a: {  	_ =	shalt  }
0x4b: {  	_ =	shalt  }
0x4c: {  	_ =	shalt  }
0x4d: {  	_ =	shalt  }
0x4e: {  	_ =	shalt  }
0x4f: {  	_ =	shalt  }
0x50: {  	_ =	shalt  }
0x51: {  	_ =	shalt  }
0x52: {  	_ =	shalt  }
0x53: {  	_ =	shalt  }
0x54: {  	_ =	shalt  }
0x55: {  	_ =	shalt  }
0x56: {  	_ =	shalt  }
0x57: {  	_ =	shalt  }
0x58: {  	_ =	shalt  }
0x59: {  	_ =	shalt  }
0x5a: {  	_ =	shalt  }
0x5b: {  	_ =	shalt  }
0x5c: {  	_ =	shalt  }
0x5d: {  	_ =	shalt  }
0x5e: {  	_ =	shalt  }
0x5f: {  	_ =	shalt  }
0x60: {  	_ =	shalt  }
0x61: {  	_ =	shalt  }
0x62: {  	_ =	shalt  }
0x63: {  	_ =	shalt  }
0x64: {  	_ =	shalt  }
0x65: {  	_ =	shalt  }
0x66: {  	_ =	shalt  }
0x67: {  	_ =	shalt  }
0x68: {  	_ =	shalt  }
0x69: {  	_ =	shalt  }
0x6a: {  	_ =	shalt  }
0x6b: {  	_ =	shalt  }
0x6c: {  	_ =	shalt  }
0x6d: {  	_ =	shalt  }
0x6e: {  	_ =	shalt  }
0x6f: {  	_ =	shalt  }
0x70: {  	_ =	shalt  }
0x71: {  	_ =	shalt  }
0x72: {  	_ =	shalt  }
0x73: {  	_ =	shalt  }
0x74: {  	_ =	shalt  }
0x75: {  	_ =	shalt  }
0x76: {  	_ =	shalt  }
0x77: {  	_ =	shalt  }
0x78: {  	_ =	shalt  }
0x79: {  	_ =	shalt  }
0x7a: {  	_ =	shalt  }
0x7b: {  	_ =	shalt  }
0x7c: {  	_ =	shalt  }
0x7d: {  	_ =	shalt  }
0x7e: {  	_ =	shalt  }
0x7f: {  	_ =	shalt  }
0x80: {  	_ =	shalt  }
0x81: {  	_ =	shalt  }
0x82: {  	_ =	shalt  }
0x83: {  	_ =	shalt  }
0x84: {  	_ =	shalt  }
0x85: {  	_ =	shalt  }
0x86: {  	_ =	shalt  }
0x87: {  	_ =	shalt  }
.Lfunc_end0:
.L_simem_size_0:
called_computation.2_lowered:
.L_overlay_start_0:
0x88: {  	s2 =	sld [smem:$0x3FD9]  }
0x89: {  	s3 =	sld [smem:$0x3FFE];
	_ =	sdelay $0x1  }
0x8a: {  	s1 =	srdreg.scid  }
0x8b: {  	s0 =	sand.u32 $0x1, s1  }
0x8c: {  	s16 =	sshll.u32 s0, $0xA;
	s2 =	sadd.s32 s3, s2  }
0x8d: {  	s2 =	sadd.s32 s2, s16  }
0x8e: {  	[smem:$0x3FAE] =	sst s2  }
0x8f: {  	_ = 	snop  }
0x90: {  	(tm) =	ssettm $0x1  }
0x91: {  	s17 =	sld [smem:$0x3FFB];
	_ =	sdelay $0x3  }
0x92: {  	_ =	strace s17  }
0x93: {  	s2 =	sld [smem:$0x3FFC];
	_ =	sdelay $0x3  }
0x94: {  	_ =	strace s2  }
0x95: {  	s2 =	sld [smem:$0x3FFD];
	_ =	sdelay $0x3  }
0x96: {  	_ =	strace s2  }
0x97: {  	_ =	strace $0x8FFFFFFF  }
0x98: {  	s18 =	sld [smem:$0x3FDB];
	_ =	sdelay $0x1  }
0x99: {  	s19 =	simm.s32 $_scs_section_size  }
0x9a: {  	s4 =	simm.s32 $_size__tile_overlayer_lowered;
	s5 =	simm.s32 $_tile_overlayer_lowered  }
0x9b: {  	s22 =	simm.s32 $0x1BFF;
	s21 =	sshll.u32 s5, $0x1;
	s2 =	sadd.s32 s19, s18  }
0x9c: {  	s6 =	simm.s32 $0x0;
	s20 =	sshll.u32 s4, $0x1;
	s4 =	sadd.s32 s21, s2  }
0x9d: {  	[timem:s6], [sflag:s22] =	dma.local [hbm:s4], s20  }
0x9e: {  	_ =	swait.ge [sflag:s22], s20  }
0x9f: {  	s3 =	ssub.s32 $0x0, s20;
	[sflag:s22] =	ssyncset.done $0x0  }
0xa0: {  	[sflag:s22] =	ssyncadd.s32 s3;
	_ =	sdelay $0x1  }
0xa1: {  	s23 =	simm.s32 $0x1B8B  }
0xa2: {  	_ =	swait.ge [sflag:s23], $0x1  }
0xa3: {  	[sflag:s23] =	ssyncset.done $0x0  }
0xa4: {  	s25 =	simm.s32 $0x1B8E;
	s24 =	sld [smem:$0x3FFE];
	[sflag:s23] =	ssyncadd.s32 $0xFFFFFFFF  }
0xa5: {  	s26 =	simm.s32 $execute0_lowered;
	[smem:$0x3FD2] =	sst s25  }
0xa6: {  	s4 =	sshll.u32 s26, $0x1;
	_ =	strace $0x8000004C;
	[dreg:$0x1] =	wrdreg $0xFFFFFFFF  }
0xa7: {  	s28 =	simm.s32 $_size_execute0_lowered;
	s2 =	sadd.s32 s2, s4;
	[dreg:$0x0] =	wrdreg $0x0  }
0xa8: {  	s4 =	sshll.u32 s28, $0x1;
	[dreg:$0x2] =	wrdreg s2  }
0xa9: {  	[dreg:$0x3] =	wrdreg s4  }
0xaa: {  	[dreg:$0x4] =	wrdreg $0xC0  }
0xab: {  	_ =	task [dreg:s6], $0x5FFFF  }
0xac: {  	[dreg:$0x1] =	wrdreg $0xFFFFFFFF  }
0xad: {  	[dreg:$0x0] =	wrdreg $0x60  }
0xae: {  	[dreg:$0x2] =	wrdreg s24  }
0xaf: {  	[dreg:$0x3] =	wrdreg $0xA2000  }
0xb0: {  	[dreg:$0x4] =	wrdreg $0x9  }
0xb1: {  	_ =	task.clear_ibuf [dreg:s6], $0x5FFFF;
	_ =	strace $0x9000004C  }
0xb2: {  	s29 =	simm.s32 $0x9;
	_ =	strace $0x8000004E  }
0xb3: {  	_ =	swait.ge [sflag:s29], $0x1  }
0xb4: {  	[sflag:s29] =	ssyncadd.s32 $0xFFFFFFFF  }
0xb5: {  	_ =	strace $0x9000004E  }
0xb6: {  	_ =	sfence  }
0xb7: {  	s30 =	sld [smem:$0x0];
	_ =	sdelay $0x2  }
0xb8: {  	s31 =	sshll.u32 s1, $0xD;
	s1 =	sshrl.u32 s1, $0x2  }
0xb9: {  	s3 =	sand.u32 $0x4000, s31;
	s1 =	sadd.s32 s1, s30  }
0xba: {  	s0 =	sor.u32 s3, s0;
	s1 =	sshll.u32 s1, $0x11  }
0xbb: {  	s0 =	sor.u32 s1, s0  }
0xbc: {  	s0 =	sadd.s32 $0x8F2B, s0  }
0xbd: {  	[sflag:s0] =	ssyncadd.remote.s32 $0x1  }
0xbe: {  	_ =	sfence.sel $0xFFFF  }
0xbf: {  	[dreg:$0x0] =	wrdreg $0xFFFFFFFF;
	(pc) =	sbr.abs _section_cstart, $3  }
0xc0: {  	[dreg:$0x1] =	wrdreg $0xFFFFFFFF  }
0xc1: {  	_ =	task.clear_ibuf [dreg:s6], $0x2FFFF;
	_ =	strace $0x9FFFFFFF  }
0xc2: {  	(tm) =	ssettm $0x7FFFFFFF  }
0xc3: {  	_ =	shalt  }
tec
execute0_lowered:
.L_overlay_start_1:
0x0: {  	(tag) =	ssettag $0x1  }
0x1: {  	s0 =	rddreg [dreg:$0x0]  }
0x2: {  	s2 =	rddreg [dreg:$0x1]  }
0x3: {  	s1 =	simm.s32 $0x0;
	s3 =	stileid.u32;
	s4 =	srdreg.scid  }
0x4: {  	s17 =	simm.s32 $0x50;
	s18 =	simm.s32 $0x2800;
	s19 =	simm.s32 $0x2A00  }
0x5: {  	s20 =	simm.s32 $0x2880;
	s21 =	simm.s32 $0x5200;
	s22 =	simm.s32 $0x1  }
0x6: {  	s23 =	simm.s32 $0x2980;
	s24 =	simm.s32 $0x5;
	s25 =	simm.s32 $0x2  }
0x7: {  	s28 =	simm.s32 $0x7A00;
	s29 =	simm.s32 $0x0;
	s26 =	smul.u32 $0x500, s3  }
0x8: {  	[smem:$0x7FF] =	sst s1;
	s7 =	sand.u32 $0x1, s4;
	s6 =	smul.u32 $0x2800, s3  }
0x9: {  	s4 =	sadd.s32 $0x2CBE00, s0;
	s10 =	smul.u32 $0x50000, s3;
	s5 =	sadd.s32 $0x6A00, s0  }
0xa: {  	s11 =	sshll.u32 s3, $0x6;
	_ =	strace $0x8000004D;
	s8 =	ssub.s32 $0x2, s7  }
0xb: {  	s7 =	sshll.u32 s7, $0x1;
	s11 =	sor.u32 $0x1C04, s11;
	s1 =	sadd.s32 s26, s0  }
0xc: {  	s9 =	sshrl.u32 s8, $0x1;
	s0 =	sadd.s32 s6, s0;
	s30 =	sshrl.u32 s10, $0x2  }
0xd: {  	s10 =	simm.s32 $0x4;
	s26 =	simm.s32 $0x3;
	s9 =	ssub.s32 s8, s9  }
.Ltmp0:
0xe: {  	s1 =	sadd.s32 $0x1A00, s1;
	s8 =	sadd.s32 $0x7200, s0;
	(pc) =	sbr.rel .LBB2_1-.Ltmp0, $4  }
0xf: {  	[dreg:$0x3] =	wrdreg s1;
	s1 =	sadd.s32 s30, s2;
	s9 =	smax.u32 s9, $0x1  }
0x10: {  	s31 =	sadd.s32 $0x4000, s1;
	s14 =	sadd.s32 $0x8000, s1;
	s15 =	sadd.s32 $0xC000, s1  }
0x11: {  	s16 =	sadd.s32 $0x10000, s1;
	s12 =	sshrl.u32 s1, $0x3;
	s13 =	sshrl.u32 s31, $0x3  }
0x12: {  	s14 =	sshrl.u32 s14, $0x3;
	s15 =	sshrl.u32 s15, $0x3;
	s16 =	sshrl.u32 s16, $0x3  }
.LBB2_6:
0x13: {  	s29 =	sadd.s32 $0x1, s29  }
0x14: {  	p0 =	sne.s32 s29, s9  }
.Ltmp1:
0x15: {  	_ = 	snop;
	(pc) =	sbr.rel @!p0 .LBB2_7-.Ltmp1, $1  }
0x16: {  	_ =	sdelay $0x3  }
.LBB2_1:
.Ltmp2:
0x17: {  	s0 =	simm.s32 $0x0;
	s1 =	rddreg [dreg:$0x3];
	(pc) =	sbr.rel .LBB2_2-.Ltmp2, $4  }
0x18: {  	[tilespmem:s0], [sflag:$0x4] =	stream.linear.gather [hbm4b:s1+s0], $0x2800, $0x38;
	[tilespmem:$0x1E200] =	vst v63  }
0x19: {  	_ =	swait.ge [sflag:s10], $0x2800  }
0x1a: {  	[sflag:s10] =	ssyncset.done $0x0  }
0x1b: {  	p1 =	por $0x1, $0x1;
	s0 =	simm.s32 $0x0;
	[sflag:s10] =	ssyncadd.s32 $0xFFFFD800  }
.LBB2_5:
0x1c: {  	s0 =	smul.u32 $0x28000, s30;
	_ =	sdelay $0x1  }
0x1d: {  	[bflag:$0x0] =	sbarrier.arrive $0xFFFF;
	s0 =	sadd.s32 s8, s0  }
0x1e: {  	[hbm:s0], [sflag:s11] =	dma.local [spmem:s12], $0x2800  }
.Ltmp3:
0x1f: {  	_ =	swait.ge [sflag:s10], $0x2800;
	(pc) =	sbr.rel @!p0 .LBB2_6-.Ltmp3, $4  }
0x20: {  	[sflag:s10] =	ssyncset.done $0x0  }
0x21: {  	[sflag:s10] =	ssyncadd.s32 $0xFFFFD800  }
0x22: {  	[bflag:$0x0] =	sbarrier.arrive $0xFFFF  }
0x23: {  	p1 =	por $0x0, $0x0;
	s0 =	simm.s32 $0x1  }
.LBB2_2:
0x24: {  	[spmem:s12], [sflag:s11] =	dma.local [hbm:s5], $0x800  }
0x25: {  	_ =	swait.ge [sflag:s10], $0x800  }
0x26: {  	[sflag:s10] =	ssyncset.done $0x0  }
0x27: {  	[sflag:s10] =	ssyncadd.s32 $0xFFFFF800  }
0x28: {  	[spmem:s13], [sflag:s11] =	dma.local [hbm:s5], $0x800  }
0x29: {  	_ =	swait.ge [sflag:s10], $0x800  }
0x2a: {  	[sflag:s10] =	ssyncset.done $0x0  }
0x2b: {  	[sflag:s10] =	ssyncadd.s32 $0xFFFFF800  }
0x2c: {  	[spmem:s14], [sflag:s11] =	dma.local [hbm:s5], $0x800  }
0x2d: {  	_ =	swait.ge [sflag:s10], $0x800  }
0x2e: {  	[sflag:s10] =	ssyncset.done $0x0  }
0x2f: {  	[sflag:s10] =	ssyncadd.s32 $0xFFFFF800  }
0x30: {  	[spmem:s15], [sflag:s11] =	dma.local [hbm:s5], $0x800  }
0x31: {  	_ =	swait.ge [sflag:s10], $0x800  }
0x32: {  	[sflag:s10] =	ssyncset.done $0x0  }
0x33: {  	[sflag:s10] =	ssyncadd.s32 $0xFFFFF800  }
0x34: {  	[spmem:s16], [sflag:s11] =	dma.local [hbm:s5], $0x800  }
0x35: {  	_ =	swait.ge [sflag:s10], $0x800  }
0x36: {  	[sflag:s10] =	ssyncset.done $0x0  }
0x37: {  	[sflag:s10] =	ssyncadd.s32 $0xFFFFF800  }
0x38: {  	[bflag:$0x0] =	sbarrier.arrive $0xFFFF  }
0x39: {  	v0 =	vld [tilespmem:$0x0]  }
0x3a: {  	v1 =	vld [tilespmem:$0x10]  }
0x3b: {  	v2 =	vld [tilespmem:$0x20]  }
0x3c: {  	s30 =	sor.u32 s7, s0;
	v3 =	vld [tilespmem:$0x30]  }
0x3d: {  	s0 =	smul.u32 $0x2710, s30;
	v4 =	vld [tilespmem:$0x40]  }
0x3e: {  	v0 =	vand.u32 $0xFFFF, v0  }
0x3f: {  	v1 =	vand.u32 $0xFFFF, v1;
	v0 =	vadd.s32 s0, v0  }
0x40: {  	[tilespmem:$0x2800] =	vst v0;
	v0 =	vadd.s32 s0, v1;
	v1 =	vand.u32 $0xFFFF, v2  }
0x41: {  	[tilespmem:$0x2810] =	vst v0;
	v0 =	vadd.s32 s0, v1;
	v1 =	vand.u32 $0xFFFF, v3  }
0x42: {  	[tilespmem:$0x2820] =	vst v0;
	v0 =	vadd.s32 s0, v1;
	v1 =	vand.u32 $0xFFFF, v4  }
0x43: {  	[tilespmem:$0x2830] =	vst v0;
	v0 =	vadd.s32 s0, v1  }
0x44: {  	[tilespmem:$0x2840] =	vst v0  }
0x45: {  	[tilespmem:s19], [sflag:$0x1] =	stream.indirect.gather [hbm4b:s4+s17], $0x80, s18, s17, $0xb8;
	[tilespmem:$0x1E200] =	vst v63  }
0x46: {  	v0 =	vld [tilespmem:$0x50]  }
0x47: {  	v1 =	vld [tilespmem:$0x60]  }
0x48: {  	v2 =	vld [tilespmem:$0x70]  }
0x49: {  	v3 =	vld [tilespmem:$0x80]  }
0x4a: {  	v63 =	vld [tilespmem:$0x90]  }
0x4b: {  	v0 =	vand.u32 $0xFFFF, v0  }
0x4c: {  	v1 =	vand.u32 $0xFFFF, v1;
	v0 =	vadd.s32 s0, v0  }
0x4d: {  	[tilespmem:$0x2880] =	vst v0;
	v0 =	vadd.s32 s0, v1;
	v1 =	vand.u32 $0xFFFF, v2  }
0x4e: {  	[tilespmem:$0x2890] =	vst v0;
	v0 =	vadd.s32 s0, v1;
	v1 =	vand.u32 $0xFFFF, v3  }
0x4f: {  	[tilespmem:$0x28A0] =	vst v0;
	v0 =	vadd.s32 s0, v1;
	v1 =	vand.u32 $0xFFFF, v63  }
0x50: {  	[tilespmem:$0x28B0] =	vst v0;
	v0 =	vadd.s32 s0, v1  }
0x51: {  	p0 =	por p1, p1;
	s31 =	simm.s32 $0x600;
	[tilespmem:$0x28C0] =	vst v0  }
0x52: {  	v0 =	vmov s0;
	[tilespmem:s21], [sflag:$0x2] =	stream.indirect.gather [hbm4b:s4+s17], $0x80, s20, s17, $0xb8;
	[tilespmem:$0x1E200] =	vst v63  }
.LBB2_3:
0x53: {  	p1 =	seq.s32 s31, $0xA380  }
0x54: {  	s1 =	sshra.s32 @!p1 s31, $0x2  }
0x55: {  	v1 =	vld @!p1 [tilespmem:s1+$0xFFFFFF20];
	_ =	sdelay $0x4  }
0x56: {  	v1 =	vand.u32 @!p1 $0xFFFF, v1  }
0x57: {  	v1 =	vadd.s32 @!p1 v0, v1  }
0x58: {  	[tilespmem:$0x2900] =	vst @!p1 v1  }
0x59: {  	v1 =	vld @!p1 [tilespmem:s1+$0xFFFFFF30];
	_ =	sdelay $0x4  }
0x5a: {  	v1 =	vand.u32 @!p1 $0xFFFF, v1  }
0x5b: {  	v1 =	vadd.s32 @!p1 v0, v1  }
0x5c: {  	[tilespmem:$0x2910] =	vst @!p1 v1  }
0x5d: {  	v1 =	vld @!p1 [tilespmem:s1+$0xFFFFFF40];
	_ =	sdelay $0x4  }
0x5e: {  	v1 =	vand.u32 @!p1 $0xFFFF, v1  }
0x5f: {  	v1 =	vadd.s32 @!p1 v0, v1  }
0x60: {  	[tilespmem:$0x2920] =	vst @!p1 v1  }
0x61: {  	v1 =	vld @!p1 [tilespmem:s1+$0xFFFFFF50];
	_ =	sdelay $0x4  }
0x62: {  	v1 =	vand.u32 @!p1 $0xFFFF, v1  }
0x63: {  	v1 =	vadd.s32 @!p1 v0, v1  }
0x64: {  	[tilespmem:$0x2930] =	vst @!p1 v1  }
0x65: {  	v1 =	vld @!p1 [tilespmem:s1+$0xFFFFFF60];
	_ =	sdelay $0x4  }
0x66: {  	v1 =	vand.u32 @!p1 $0xFFFF, v1  }
0x67: {  	v1 =	vadd.s32 @!p1 v0, v1  }
0x68: {  	s3 =	simm.s32 @!p1 $0x50;
	s0 =	simm.s32 @!p1 $0x2900;
	s6 =	simm.s32 @!p1 $0x7A00;
	[tilespmem:$0x2940] =	vst @!p1 v1  }
0x69: {  	[tilespmem:s6], [sflag:$0x3] =	stream.indirect.gather @!p1 [hbm4b:s4+s3], $0x80, s0, s3, $0xb8;
	[tilespmem:$0x1E200] =	vst v63  }
0x6a: {  	_ =	swait.ge [sflag:s22], $0x2800  }
0x6b: {  	[sflag:s22] =	ssyncset.done $0x0  }
0x6c: {  	s0 =	sshra.s32 s31, $0x2;
	[sflag:s22] =	ssyncadd.s32 $0xFFFFD800  }
0x6d: {  	v1 =	vld [tilespmem:s0+$0xFFFFFE80];
	_ =	sdelay $0x4  }
0x6e: {  	v1 =	vshrl.u32 v1, $0x10  }
0x6f: {  	[tilespmem:$0x2980] =	vst v1  }
0x70: {  	v1 =	vld [tilespmem:s0+$0xFFFFFE90];
	_ =	sdelay $0x4  }
0x71: {  	v1 =	vshrl.u32 v1, $0x10  }
0x72: {  	[tilespmem:$0x2990] =	vst v1  }
0x73: {  	v1 =	vld [tilespmem:s0+$0xFFFFFEA0];
	_ =	sdelay $0x4  }
0x74: {  	v1 =	vshrl.u32 v1, $0x10  }
0x75: {  	[tilespmem:$0x29A0] =	vst v1  }
0x76: {  	v1 =	vld [tilespmem:s0+$0xFFFFFEB0];
	_ =	sdelay $0x4  }
0x77: {  	v1 =	vshrl.u32 v1, $0x10  }
0x78: {  	[tilespmem:$0x29B0] =	vst v1  }
0x79: {  	v1 =	vld [tilespmem:s0+$0xFFFFFEC0];
	_ =	sdelay $0x4  }
0x7a: {  	v1 =	vshrl.u32 v1, $0x10  }
0x7b: {  	[tilespmem:$0x29C0] =	vst v1  }
0x7c: {  	[spmem:s2] =	stream.indirect.scatter.add.f32 [tilespmem:s19], [sflag:$0x5], $0x80, s23, s17, $0xb8;
	[tilespmem:$0x1E200] =	vst v63  }
0x7d: {  	_ =	swait.ge [sflag:s24], $0x2800  }
0x7e: {  	[sflag:s24] =	ssyncset.done $0x0  }
0x7f: {  	[sflag:s24] =	ssyncadd.s32 $0xFFFFD800  }
0x80: {  	v1 =	vld @!p1 [tilespmem:s1+$0xFFFFFF70];
	_ =	sdelay $0x4  }
0x81: {  	v1 =	vand.u32 @!p1 $0xFFFF, v1  }
0x82: {  	v1 =	vadd.s32 @!p1 v0, v1  }
0x83: {  	[tilespmem:$0x2800] =	vst @!p1 v1  }
0x84: {  	v1 =	vld @!p1 [tilespmem:s1+$0xFFFFFF80];
	_ =	sdelay $0x4  }
0x85: {  	v1 =	vand.u32 @!p1 $0xFFFF, v1  }
0x86: {  	v1 =	vadd.s32 @!p1 v0, v1  }
0x87: {  	[tilespmem:$0x2810] =	vst @!p1 v1  }
0x88: {  	v1 =	vld @!p1 [tilespmem:s1+$0xFFFFFF90];
	_ =	sdelay $0x4  }
0x89: {  	v1 =	vand.u32 @!p1 $0xFFFF, v1  }
0x8a: {  	v1 =	vadd.s32 @!p1 v0, v1  }
0x8b: {  	[tilespmem:$0x2820] =	vst @!p1 v1  }
0x8c: {  	v1 =	vld @!p1 [tilespmem:s1+$0xFFFFFFA0];
	_ =	sdelay $0x4  }
0x8d: {  	v1 =	vand.u32 @!p1 $0xFFFF, v1  }
0x8e: {  	v1 =	vadd.s32 @!p1 v0, v1  }
0x8f: {  	[tilespmem:$0x2830] =	vst @!p1 v1  }
0x90: {  	v1 =	vld @!p1 [tilespmem:s1+$0xFFFFFFB0];
	_ =	sdelay $0x4  }
0x91: {  	v1 =	vand.u32 @!p1 $0xFFFF, v1  }
0x92: {  	v1 =	vadd.s32 @!p1 v0, v1  }
0x93: {  	s6 =	simm.s32 @!p1 $0x2A00;
	s1 =	simm.s32 @!p1 $0x2800;
	[tilespmem:$0x2840] =	vst @!p1 v1  }
0x94: {  	[tilespmem:s6], [sflag:$0x1] =	stream.indirect.gather @!p1 [hbm4b:s4+s3], $0x80, s1, s3, $0xb8;
	[tilespmem:$0x1E200] =	vst v63  }
0x95: {  	_ =	swait.ge [sflag:s25], $0x2800  }
0x96: {  	[sflag:s25] =	ssyncset.done $0x0  }
0x97: {  	[sflag:s25] =	ssyncadd.s32 $0xFFFFD800  }
0x98: {  	v1 =	vld [tilespmem:s0+$0xFFFFFED0];
	_ =	sdelay $0x4  }
0x99: {  	v1 =	vshrl.u32 v1, $0x10  }
0x9a: {  	[tilespmem:$0x2980] =	vst v1  }
0x9b: {  	v1 =	vld [tilespmem:s0+$0xFFFFFEE0];
	_ =	sdelay $0x4  }
0x9c: {  	v1 =	vshrl.u32 v1, $0x10  }
0x9d: {  	[tilespmem:$0x2990] =	vst v1  }
0x9e: {  	v1 =	vld [tilespmem:s0+$0xFFFFFEF0];
	_ =	sdelay $0x4  }
0x9f: {  	v1 =	vshrl.u32 v1, $0x10  }
0xa0: {  	[tilespmem:$0x29A0] =	vst v1  }
0xa1: {  	v1 =	vld [tilespmem:s0+$0xFFFFFF00];
	_ =	sdelay $0x4  }
0xa2: {  	v1 =	vshrl.u32 v1, $0x10  }
0xa3: {  	[tilespmem:$0x29B0] =	vst v1  }
0xa4: {  	v1 =	vld [tilespmem:s0+$0xFFFFFF10];
	_ =	sdelay $0x4  }
0xa5: {  	v1 =	vshrl.u32 v1, $0x10  }
.Ltmp4:
0xa6: {  	[tilespmem:$0x29C0] =	vst v1;
	(pc) =	sbr.rel @p1 .LBB2_5-.Ltmp4, $4  }
0xa7: {  	[spmem:s2] =	stream.indirect.scatter.add.f32 [tilespmem:s21], [sflag:$0x5], $0x80, s23, s17, $0xb8;
	[tilespmem:$0x1E200] =	vst v63  }
0xa8: {  	_ =	swait.ge [sflag:s24], $0x2800  }
0xa9: {  	[sflag:s24] =	ssyncset.done $0x0  }
0xaa: {  	[sflag:s24] =	ssyncadd.s32 $0xFFFFD800  }
0xab: {  	v1 =	vld [tilespmem:s0+$0xFFFFFFC0];
	_ =	sdelay $0x4  }
0xac: {  	v1 =	vand.u32 $0xFFFF, v1  }
0xad: {  	v1 =	vadd.s32 v0, v1  }
0xae: {  	[tilespmem:$0x2880] =	vst v1  }
0xaf: {  	v1 =	vld [tilespmem:s0+$0xFFFFFFD0];
	_ =	sdelay $0x4  }
0xb0: {  	v1 =	vand.u32 $0xFFFF, v1  }
0xb1: {  	v1 =	vadd.s32 v0, v1  }
0xb2: {  	[tilespmem:$0x2890] =	vst v1  }
0xb3: {  	v1 =	vld [tilespmem:s0+$0xFFFFFFE0];
	_ =	sdelay $0x4  }
0xb4: {  	v1 =	vand.u32 $0xFFFF, v1  }
0xb5: {  	v1 =	vadd.s32 v0, v1  }
0xb6: {  	[tilespmem:$0x28A0] =	vst v1  }
0xb7: {  	v1 =	vld [tilespmem:s0+$0xFFFFFFF0];
	_ =	sdelay $0x4  }
0xb8: {  	v1 =	vand.u32 $0xFFFF, v1  }
0xb9: {  	v1 =	vadd.s32 v0, v1  }
0xba: {  	[tilespmem:$0x28B0] =	vst v1  }
0xbb: {  	v1 =	vld [tilespmem:s0+$0x0];
	_ =	sdelay $0x4  }
0xbc: {  	v1 =	vand.u32 $0xFFFF, v1  }
0xbd: {  	v1 =	vadd.s32 v0, v1  }
0xbe: {  	[tilespmem:$0x28C0] =	vst v1  }
0xbf: {  	[tilespmem:s21], [sflag:$0x2] =	stream.indirect.gather [hbm4b:s4+s17], $0x80, s20, s17, $0xb8;
	[tilespmem:$0x1E200] =	vst v63  }
0xc0: {  	_ =	swait.ge [sflag:s26], $0x2800  }
0xc1: {  	[sflag:s26] =	ssyncset.done $0x0  }
0xc2: {  	[sflag:s26] =	ssyncadd.s32 $0xFFFFD800  }
0xc3: {  	v1 =	vld [tilespmem:s0+$0xFFFFFF20];
	_ =	sdelay $0x4  }
0xc4: {  	v1 =	vshrl.u32 v1, $0x10  }
0xc5: {  	[tilespmem:$0x2980] =	vst v1  }
0xc6: {  	v1 =	vld [tilespmem:s0+$0xFFFFFF30];
	_ =	sdelay $0x4  }
0xc7: {  	v1 =	vshrl.u32 v1, $0x10  }
0xc8: {  	[tilespmem:$0x2990] =	vst v1  }
0xc9: {  	v1 =	vld [tilespmem:s0+$0xFFFFFF40];
	_ =	sdelay $0x4  }
0xca: {  	v1 =	vshrl.u32 v1, $0x10  }
0xcb: {  	[tilespmem:$0x29A0] =	vst v1  }
0xcc: {  	v1 =	vld [tilespmem:s0+$0xFFFFFF50];
	_ =	sdelay $0x4  }
0xcd: {  	v1 =	vshrl.u32 v1, $0x10  }
0xce: {  	[tilespmem:$0x29B0] =	vst v1  }
0xcf: {  	v1 =	vld [tilespmem:s0+$0xFFFFFF60];
	_ =	sdelay $0x4  }
0xd0: {  	v1 =	vshrl.u32 v1, $0x10  }
.Ltmp5:
0xd1: {  	[tilespmem:$0x29C0] =	vst v1;
	(pc) =	sbr.rel .LBB2_3-.Ltmp5, $4  }
0xd2: {  	[spmem:s2] =	stream.indirect.scatter.add.f32 [tilespmem:s28], [sflag:$0x4], $0x80, s23, s17, $0xb8;
	[tilespmem:$0x1E200] =	vst v63  }
0xd3: {  	_ =	swait.ge [sflag:s10], $0x2800  }
0xd4: {  	[sflag:s10] =	ssyncset.done $0x0  }
0xd5: {  	s31 =	sadd.s32 $0x3C0, s31;
	[sflag:s10] =	ssyncadd.s32 $0xFFFFD800  }
.LBB2_7:
0xd6: {  	_ =	sfence.sel $0x180000  }
0xd7: {  	[bflag:$0x0] =	sbarrier.arrive $0xFFFF  }
0xd8: {  	_ =	strace $0x9000004D  }
0xd9: {  	s0 =	stileid.u32;
	[bflag:$0x2] =	sbarrier.arrive $0xFFFF  }
0xda: {  	p0 =	sne.s32 s0, $0x0;
	s0 =	rddreg [dreg:$0x2]  }
0xdb: {  	s0 =	sadd.s32 @!p0 $0x100000, s0  }
0xdc: {  	[sflag:s0] =	ssyncadd.tile.s32 @!p0 $0x1;
	_ =	shalt  }
.Lfunc_end2:
_tile_overlayer_lowered:
.L_overlay_start_2:
0xdd: {  	(tag) =	ssettag $0x2  }
0xde: {  	s0 =	rddreg [dreg:$0x0];
	s2 =	stileid.u32  }
0xdf: {  	s1 =	rddreg [dreg:$0x1];
	p0 =	sne.s32 s2, $0x0  }
0xe0: {  	s3 =	rddreg [dreg:$0x2];
	[bflag:$0x3] =	sbarrier.arrive $0xFFFF;
	s2 =	simm.s32 @!p0 $0x1C04  }
0xe1: {  	[timem:s3], [sflag:s2] =	dma.local @!p0 [hbm:s0], s1  }
0xe2: {  	s0 =	simm.s32 @!p0 $0x4  }
0xe3: {  	_ =	swait.ge @!p0 [sflag:s0], s1  }
0xe4: {  	s1 =	ssub.s32 @!p0 $0x0, s1;
	[sflag:s0] =	ssyncset.done @!p0 $0x0  }
0xe5: {  	[sflag:s0] =	ssyncadd.s32 @!p0 s1  }
0xe6: {  	[bflag:$0x3] =	sbarrier.arrive $0xFFFF  }
0xe7: {  	_ =	shalt  }

// kernel: kernel.8.cloned.1.call-start
scs
__scs_entry_jumppad:
0x0: {  	(pc) =	sbr.rel $0x88, $3  }
0x1: {  	(tag) =	ssettag $0x0;
	lr =	simm.s32 $0x1  }
0x2: {  	[smem:$0x3F87] =	sst lr;
	_ =	strace $0xD0000000  }
0x3: {  	_ = 	snop  }
0x4: {  	_ = 	snop  }
0x5: {  	_ = 	snop  }
0x6: {  	_ = 	snop  }
0x7: {  	_ = 	snop  }
__scs_overlays_trampoline_lowered:
0x8: {  	[smem:$0x3F96] =	sst s0  }
0x9: {  	[smem:$0x3F97] =	sst s1  }
0xa: {  	[smem:$0x3F98] =	sst s2  }
0xb: {  	[smem:$0x3F99] =	sst s3  }
0xc: {  	[smem:$0x3F9A] =	sst s4  }
0xd: {  	[smem:$0x3F9B] =	sst s5  }
0xe: {  	[smem:$0x3F9C] =	sst s6  }
0xf: {  	[smem:$0x3F9D] =	sst s7  }
0x10: {  	[smem:$0x3F9E] =	sst s8  }
0x11: {  	[smem:$0x3F9F] =	sst s9;
	s0 =	simm.s32 @!p0 $0x0  }
0x12: {  	s1 =	sld [smem:$0x3F85];
	s0 =	simm.s32 @p0 $0x1  }
0x13: {  	[smem:$0x3FA0] =	sst s0;
	s0 =	simm.s32 @!p1 $0x0  }
0x14: {  	s2 =	sld [smem:$0x3F84];
	s0 =	simm.s32 @p1 $0x1  }
0x15: {  	[smem:$0x3FA1] =	sst s0;
	s0 =	simm.s32 @!p2 $0x0  }
0x16: {  	s3 =	sld [smem:$0x3FDB];
	s0 =	simm.s32 @p2 $0x1  }
0x17: {  	s4 =	simm.s32 $0x1BF5;
	[smem:$0x3FA3] =	sst s0  }
0x18: {  	s0 =	sld [smem:$0x3F86];
	_ =	swait.ge [sflag:s4], $0x0  }
0x19: {  	s7 =	sld [smem:$0x3F87]  }
0x1a: {  	s8 =	sadd.s32 $0xFFFFE003, lr  }
0x1b: {  	s9 =	sadd.s32 $0xFFFFFEF7, lr;
	s5 =	simm.s32 $0xFFFFFFFF;
	p2 =	slt.u32 s8, $0xFFFFF086  }
0x1c: {  	p1 =	slt.u32 s9, $0xF7A;
	s5 =	simm.s32 @!p2 $0x0  }
0x1d: {  	s5 =	simm.s32 @p1 $0x1;
	p0 =	seq.s32 s7, s2  }
0x1e: {  	s7 =	smul.u32 @!p0 $0xF7A, s2;
	p2 =	seq.s32 @!p0 s5, $0x0  }
0x1f: {  	s9 =	smul.u32 $0xF7A, s1;
	s8 =	simm.s32 @!p0 $0x1BF5;
	p2 =	por !p2, p0  }
0x20: {  	[sflag:s8] =	ssyncset.s32 @!p0 $0xFFFFF086;
	s6 =	sadd.s32 @!p0 s3, s7;
	s7 =	simm.s32 @!p0 $0x108  }
0x21: {  	s3 =	sadd.s32 s3, s9;
	s6 =	sadd.s32 @!p0 $0x88, s6;
	s7 =	simm.s32 @p2 $0x1082  }
0x22: {  	[simem:s7], [sflag:s8] =	dma.local @!p0 [hbm:s6], $0xF7A  }
0x23: {  	s9 =	sor.u32 $0xD0000000, s2;
	s6 =	simm.s32 $0x108;
	_ =	swait.ge @!p0 [sflag:s8], $0x0  }
0x24: {  	s3 =	sadd.s32 $0x88, s3;
	s6 =	simm.s32 @!p1 $0x1082;
	[sflag:s4] =	ssyncset.s32 $0xFFFFF086  }
0x25: {  	[simem:s6], [sflag:s4] =	dma.local [hbm:s3], $0xF7A  }
0x26: {  	[smem:$0x3F87] =	sst s1;
	(tag) =	ssettag s2;
	_ =	strace s9  }
0x27: {  	s1 =	sld [smem:$0x3F97]  }
0x28: {  	s2 =	sld [smem:$0x3F98]  }
0x29: {  	s4 =	sld [smem:$0x3F9A]  }
0x2a: {  	p0 =	seq.s32 s5, $0x0;
	s5 =	sld [smem:$0x3F9B]  }
0x2b: {  	s6 =	sld [smem:$0x3F9C]  }
0x2c: {  	s7 =	sld [smem:$0x3F9D]  }
0x2d: {  	s3 =	simm.s32 $0x108;
	s8 =	sld [smem:$0x3F9E]  }
0x2e: {  	s3 =	simm.s32 @!p0 $0x1082;
	s9 =	sld [smem:$0x3F9F]  }
0x2f: {  	lr =	sadd.s32 s0, s3;
	s0 =	sld [smem:$0x3F96]  }
0x30: {  	s3 =	sld [smem:$0x3F99]  }
0x31: {  	[smem:$0x3FA2] =	sst s10  }
0x32: {  	s10 =	sld [smem:$0x3FA0];
	_ =	sdelay $0x3  }
0x33: {  	p0 =	seq.s32 s10, $0x1;
	s10 =	sld [smem:$0x3FA2];
	_ =	sdelay $0x3  }
0x34: {  	[smem:$0x3FA2] =	sst s10  }
0x35: {  	s10 =	sld [smem:$0x3FA1];
	_ =	sdelay $0x3  }
0x36: {  	p1 =	seq.s32 s10, $0x1;
	s10 =	sld [smem:$0x3FA2];
	_ =	sdelay $0x3  }
0x37: {  	[smem:$0x3FA2] =	sst s10  }
0x38: {  	s10 =	sld [smem:$0x3FA3]  }
0x39: {  	_ = 	snop;
	(pc) =	sbr.ind lr, $3  }
0x3a: {  	_ = 	snop  }
0x3b: {  	_ = 	snop  }
0x3c: {  	p2 =	seq.s32 s10, $0x1;
	s10 =	sld [smem:$0x3FA2]  }
0x3d: {  	_ =	shalt  }
0x3e: {  	_ =	shalt  }
0x3f: {  	_ =	shalt  }
0x40: {  	_ =	shalt  }
0x41: {  	_ =	shalt  }
0x42: {  	_ =	shalt  }
0x43: {  	_ =	shalt  }
0x44: {  	_ =	shalt  }
0x45: {  	_ =	shalt  }
0x46: {  	_ =	shalt  }
0x47: {  	_ =	shalt  }
0x48: {  	_ =	shalt  }
0x49: {  	_ =	shalt  }
0x4a: {  	_ =	shalt  }
0x4b: {  	_ =	shalt  }
0x4c: {  	_ =	shalt  }
0x4d: {  	_ =	shalt  }
0x4e: {  	_ =	shalt  }
0x4f: {  	_ =	shalt  }
0x50: {  	_ =	shalt  }
0x51: {  	_ =	shalt  }
0x52: {  	_ =	shalt  }
0x53: {  	_ =	shalt  }
0x54: {  	_ =	shalt  }
0x55: {  	_ =	shalt  }
0x56: {  	_ =	shalt  }
0x57: {  	_ =	shalt  }
0x58: {  	_ =	shalt  }
0x59: {  	_ =	shalt  }
0x5a: {  	_ =	shalt  }
0x5b: {  	_ =	shalt  }
0x5c: {  	_ =	shalt  }
0x5d: {  	_ =	shalt  }
0x5e: {  	_ =	shalt  }
0x5f: {  	_ =	shalt  }
0x60: {  	_ =	shalt  }
0x61: {  	_ =	shalt  }
0x62: {  	_ =	shalt  }
0x63: {  	_ =	shalt  }
0x64: {  	_ =	shalt  }
0x65: {  	_ =	shalt  }
0x66: {  	_ =	shalt  }
0x67: {  	_ =	shalt  }
0x68: {  	_ =	shalt  }
0x69: {  	_ =	shalt  }
0x6a: {  	_ =	shalt  }
0x6b: {  	_ =	shalt  }
0x6c: {  	_ =	shalt  }
0x6d: {  	_ =	shalt  }
0x6e: {  	_ =	shalt  }
0x6f: {  	_ =	shalt  }
0x70: {  	_ =	shalt  }
0x71: {  	_ =	shalt  }
0x72: {  	_ =	shalt  }
0x73: {  	_ =	shalt  }
0x74: {  	_ =	shalt  }
0x75: {  	_ =	shalt  }
0x76: {  	_ =	shalt  }
0x77: {  	_ =	shalt  }
0x78: {  	_ =	shalt  }
0x79: {  	_ =	shalt  }
0x7a: {  	_ =	shalt  }
0x7b: {  	_ =	shalt  }
0x7c: {  	_ =	shalt  }
0x7d: {  	_ =	shalt  }
0x7e: {  	_ =	shalt  }
0x7f: {  	_ =	shalt  }
0x80: {  	_ =	shalt  }
0x81: {  	_ =	shalt  }
0x82: {  	_ =	shalt  }
0x83: {  	_ =	shalt  }
0x84: {  	_ =	shalt  }
0x85: {  	_ =	shalt  }
0x86: {  	_ =	shalt  }
0x87: {  	_ =	shalt  }
.Lfunc_end0:
.L_simem_size_0:
called_computation_lowered:
.L_overlay_start_0:
0x88: {  	s2 =	sld [smem:$0x3FD9]  }
0x89: {  	s3 =	sld [smem:$0x3FFE];
	_ =	sdelay $0x1  }
0x8a: {  	s1 =	srdreg.scid  }
0x8b: {  	s0 =	sand.u32 $0x1, s1  }
0x8c: {  	s17 =	sshll.u32 s0, $0xA;
	s2 =	sadd.s32 s3, s2  }
0x8d: {  	s2 =	sadd.s32 s2, s17  }
0x8e: {  	[smem:$0x3FAE] =	sst s2  }
0x8f: {  	_ = 	snop  }
0x90: {  	s2 =	sld [smem:$0x3FD0];
	(tm) =	ssettm $0x1  }
0x91: {  	s18 =	sld [smem:$0x3FFB];
	_ =	sdelay $0x3  }
0x92: {  	_ =	strace s18  }
0x93: {  	s3 =	sld [smem:$0x3FFC];
	_ =	sdelay $0x3  }
0x94: {  	_ =	strace s3  }
0x95: {  	s3 =	sld [smem:$0x3FFD];
	_ =	sdelay $0x3  }
0x96: {  	_ =	strace s3  }
0x97: {  	_ =	strace $0x8FFFFFFF  }
0x98: {  	s19 =	sld [smem:$0x3FDB];
	_ =	sdelay $0x1  }
0x99: {  	s4 =	simm.s32 $_scs_section_size  }
0x9a: {  	s5 =	simm.s32 $_size__tile_overlayer_lowered;
	s6 =	simm.s32 $_tile_overlayer_lowered  }
0x9b: {  	s22 =	simm.s32 $0x1BFF;
	s21 =	sshll.u32 s6, $0x1;
	s3 =	sadd.s32 s4, s19  }
0x9c: {  	s7 =	simm.s32 $0x0;
	s20 =	sshll.u32 s5, $0x1;
	s5 =	sadd.s32 s21, s3  }
0x9d: {  	[timem:s7], [sflag:s22] =	dma.local [hbm:s5], s20  }
0x9e: {  	_ =	swait.ge [sflag:s22], s20  }
0x9f: {  	s4 =	ssub.s32 $0x0, s20;
	[sflag:s22] =	ssyncset.done $0x0  }
0xa0: {  	[sflag:s22] =	ssyncadd.s32 s4;
	_ =	sdelay $0x1  }
0xa1: {  	s23 =	simm.s32 $0x1B8B  }
0xa2: {  	_ =	swait.ge [sflag:s23], $0x1  }
0xa3: {  	[sflag:s23] =	ssyncset.done $0x0  }
0xa4: {  	s25 =	simm.s32 $0x1B8E;
	s24 =	sld [smem:$0x3FFE];
	[sflag:s23] =	ssyncadd.s32 $0xFFFFFFFF  }
0xa5: {  	s26 =	simm.s32 $execute0_lowered;
	[smem:$0x3FD2] =	sst s25  }
0xa6: {  	s5 =	sshll.u32 s26, $0x1;
	_ =	strace $0x80000046;
	[dreg:$0x1] =	wrdreg $0xFFFFFFFF  }
0xa7: {  	s28 =	simm.s32 $_size_execute0_lowered;
	s3 =	sadd.s32 s3, s5;
	[dreg:$0x0] =	wrdreg $0x0  }
0xa8: {  	s5 =	sshll.u32 s28, $0x1;
	[dreg:$0x2] =	wrdreg s3  }
0xa9: {  	[dreg:$0x3] =	wrdreg s5  }
0xaa: {  	[dreg:$0x4] =	wrdreg $0xC0  }
0xab: {  	_ =	task [dreg:s7], $0x5FFFF  }
0xac: {  	[dreg:$0x1] =	wrdreg $0xFFFFFFFF  }
0xad: {  	[dreg:$0x0] =	wrdreg $0x60  }
0xae: {  	[dreg:$0x2] =	wrdreg s24  }
0xaf: {  	[dreg:$0x3] =	wrdreg s2  }
0xb0: {  	[dreg:$0x4] =	wrdreg $0x68000  }
0xb1: {  	[dreg:$0x5] =	wrdreg $0x9  }
0xb2: {  	_ =	task.clear_ibuf [dreg:s7], $0x6FFFF;
	_ =	strace $0x90000046  }
0xb3: {  	s29 =	simm.s32 $0x9;
	_ =	strace $0x80000048  }
0xb4: {  	_ =	swait.ge [sflag:s29], $0x1  }
0xb5: {  	[sflag:s29] =	ssyncadd.s32 $0xFFFFFFFF  }
0xb6: {  	_ =	strace $0x90000048  }
0xb7: {  	_ =	sfence  }
0xb8: {  	s30 =	sld [smem:$0x0];
	_ =	sdelay $0x2  }
0xb9: {  	s31 =	sshll.u32 s1, $0xD;
	s1 =	sshrl.u32 s1, $0x2  }
0xba: {  	s3 =	sand.u32 $0x4000, s31;
	s1 =	sadd.s32 s1, s30  }
0xbb: {  	s0 =	sor.u32 s3, s0;
	s1 =	sshll.u32 s1, $0x11  }
0xbc: {  	s0 =	sor.u32 s1, s0  }
0xbd: {  	s0 =	sadd.s32 $0x8F2B, s0  }
0xbe: {  	[sflag:s0] =	ssyncadd.remote.s32 $0x1  }
0xbf: {  	_ =	sfence.sel $0xFFFF  }
0xc0: {  	[dreg:$0x0] =	wrdreg $0xFFFFFFFF;
	(pc) =	sbr.abs _section_cstart, $3  }
0xc1: {  	[dreg:$0x1] =	wrdreg $0xFFFFFFFF  }
0xc2: {  	_ =	task.clear_ibuf [dreg:s7], $0x2FFFF;
	_ =	strace $0x9FFFFFFF  }
0xc3: {  	(tm) =	ssettm $0x7FFFFFFF  }
tec
execute0_lowered:
.L_overlay_start_1:
0x0: {  	(tag) =	ssettag $0x1  }
0x1: {  	s6 =	rddreg [dreg:$0x0]  }
0x2: {  	s2 =	rddreg [dreg:$0x1]  }
0x3: {  	s0 =	srdreg.scid;
	s3 =	rddreg [dreg:$0x2]  }
0x4: {  	s4 =	simm.s32 $0x0;
	s17 =	simm.s32 $0x80;
	s5 =	sand.u32 $0x1, s0  }
0x5: {  	s18 =	simm.s32 $0x0;
	s0 =	stileid.u32;
	s8 =	smul.u32 $0x28000, s5  }
0x6: {  	[smem:$0x7FF] =	sst s4;
	s1 =	sshll.u32 s5, $0x4;
	s9 =	smul.u32 $0x2800, s0  }
0x7: {  	s29 =	ssub.s32 $0x2, s5;
	s10 =	smul.u32 $0x50000, s0;
	s5 =	sadd.s32 $0x6A00, s6  }
0x8: {  	s11 =	sshll.u32 s0, $0x6;
	s1 =	sor.u32 s0, s1;
	s30 =	sshrl.u32 s29, $0x1  }
0x9: {  	s11 =	sor.u32 $0x1C01, s11;
	s7 =	smul.u32 $0x280, s1;
	s1 =	rddreg [dreg:$0x3]  }
0xa: {  	_ =	strace $0x80000047;
	s8 =	sadd.s32 s9, s8;
	s31 =	sshrl.u32 s10, $0x2  }
0xb: {  	s9 =	ssub.s32 s29, s30;
	s10 =	simm.s32 $0x1;
	s12 =	sadd.s32 s31, s3  }
0xc: {  	s8 =	sadd.s32 s8, s6;
	s7 =	sadd.s32 s7, s6;
	s13 =	sadd.s32 $0x4000, s12  }
0xd: {  	s14 =	sadd.s32 $0x8000, s12;
	s15 =	sadd.s32 $0xC000, s12;
	s16 =	sadd.s32 $0x10000, s12  }
0xe: {  	s12 =	sshrl.u32 s12, $0x3;
	s6 =	sadd.s32 $0x1A00, s7;
	s7 =	sadd.s32 $0x7200, s8  }
0xf: {  	s8 =	smax.u32 s9, $0x1;
	s9 =	simm.s32 $0x2800;
	s13 =	sshrl.u32 s13, $0x3  }
0x10: {  	s14 =	sshrl.u32 s14, $0x3;
	s15 =	sshrl.u32 s15, $0x3;
	s16 =	sshrl.u32 s16, $0x3  }
.LBB2_1:
0x11: {  	[tilespmem:s9], [sflag:$0x1] =	stream.linear.gather [hbm4b:s2+s4], $0x4000, $0x38;
	[tilespmem:$0x1A800] =	vst v63  }
0x12: {  	_ =	swait.ge [sflag:s10], $0x4000  }
0x13: {  	[sflag:s10] =	ssyncset.done $0x0  }
0x14: {  	[sflag:s10] =	ssyncadd.s32 $0xFFFFC000  }
0x15: {  	[tilespmem:s4], [sflag:$0x1] =	stream.linear.gather [hbm4b:s6+s4], $0x1400, $0x38;
	[tilespmem:$0x1A800] =	vst v63  }
0x16: {  	_ =	swait.ge [sflag:s10], $0x1400  }
0x17: {  	s22 =	simm.s32 $0x0;
	s20 =	simm.s32 $0x10;
	[sflag:s10] =	ssyncset.done $0x0  }
0x18: {  	s19 =	simm.s32 $0x0;
	s21 =	simm.s32 $0x0;
	[sflag:s10] =	ssyncadd.s32 $0xFFFFEC00  }
.LBB2_2:
0x19: {  	p0 =	seq.s32 s20, $0x13F0;
	v0 =	vld [tilespmem:s22+$0x0];
	_ =	sdelay $0x1  }
.Ltmp0:
0x1a: {  	(pc) =	sbr.rel @!p0 .LBB2_2-.Ltmp0, $4  }
0x1b: {  	s22 =	sand.u32 $0x7E00, s19  }
0x1c: {  	s23 =	sand.u32 $0x70, s21;
	s21 =	smov.u32 s20;
	s22 =	sshrl.u32 s22, $0x2  }
0x1d: {  	s19 =	sadd.s32 $0x40, s19;
	s23 =	sor.u32 s23, s22;
	v0 =	vshrl.u32 v0, $0x10  }
0x1e: {  	s20 =	sadd.s32 $0x10, s20;
	s22 =	sshra.s32 s19, $0x2;
	[tilespmem:s23+$0x1400] =	vst v0  }
0x1f: {  	v0 =	vld [tilespmem:s22+$0x0];
	_ =	sdelay $0x2  }
0x20: {  	s19 =	sand.u32 $0x7E00, s19  }
0x21: {  	s20 =	sand.u32 $0x70, s21;
	s19 =	sshrl.u32 s19, $0x2  }
0x22: {  	s19 =	sor.u32 s20, s19;
	v0 =	vshrl.u32 v0, $0x10  }
0x23: {  	[tilespmem:s19+$0x1400] =	vst v0  }
0x24: {  	[spmem:s12], [sflag:s11] =	dma.local [hbm:s5], $0x800  }
0x25: {  	_ =	swait.ge [sflag:s10], $0x800  }
0x26: {  	[sflag:s10] =	ssyncset.done $0x0  }
0x27: {  	[sflag:s10] =	ssyncadd.s32 $0xFFFFF800  }
0x28: {  	[spmem:s13], [sflag:s11] =	dma.local [hbm:s5], $0x800  }
0x29: {  	_ =	swait.ge [sflag:s10], $0x800  }
0x2a: {  	[sflag:s10] =	ssyncset.done $0x0  }
0x2b: {  	[sflag:s10] =	ssyncadd.s32 $0xFFFFF800  }
0x2c: {  	[spmem:s14], [sflag:s11] =	dma.local [hbm:s5], $0x800  }
0x2d: {  	_ =	swait.ge [sflag:s10], $0x800  }
0x2e: {  	[sflag:s10] =	ssyncset.done $0x0  }
0x2f: {  	[sflag:s10] =	ssyncadd.s32 $0xFFFFF800  }
0x30: {  	[spmem:s15], [sflag:s11] =	dma.local [hbm:s5], $0x800  }
0x31: {  	_ =	swait.ge [sflag:s10], $0x800  }
0x32: {  	[sflag:s10] =	ssyncset.done $0x0  }
0x33: {  	[sflag:s10] =	ssyncadd.s32 $0xFFFFF800  }
0x34: {  	[spmem:s16], [sflag:s11] =	dma.local [hbm:s5], $0x800  }
0x35: {  	_ =	swait.ge [sflag:s10], $0x800  }
0x36: {  	[sflag:s10] =	ssyncset.done $0x0  }
0x37: {  	[sflag:s10] =	ssyncadd.s32 $0xFFFFF800  }
0x38: {  	s31 =	simm.s32 $0x1400;
	[bflag:$0x0] =	sbarrier.arrive $0xFFFF  }
0x39: {  	[spmem:s3] =	stream.indirect.scatter.add.f32 [tilespmem:s9], [sflag:$0x1], $0x80, s31, s17, $0xb8;
	[tilespmem:$0x1A800] =	vst v63  }
0x3a: {  	s19 =	simm.s32 $0x200;
	_ =	swait.ge [sflag:s10], $0x4000  }
.LBB2_4:
0x3b: {  	s20 =	sshra.s32 s19, $0x2;
	[sflag:s10] =	ssyncset.done $0x0;
	p0 =	sne.s32 s19, $0x4E00  }
.Ltmp1:
0x3c: {  	s20 =	sadd.s32 $0x1400, s20;
	[sflag:s10] =	ssyncadd.s32 $0xFFFFC000;
	(pc) =	sbr.rel @p0 .LBB2_4-.Ltmp1, $3  }
0x3d: {  	[spmem:s3] =	stream.indirect.scatter.add.f32 [tilespmem:s9], [sflag:$0x1], $0x80, s20, s17, $0xb8;
	[tilespmem:$0x1A800] =	vst v63  }
0x3e: {  	s19 =	sadd.s32 $0x200, s19;
	_ =	sdelay $0x1  }
0x3f: {  	_ =	swait.ge [sflag:s10], $0x4000  }
0x40: {  	[sflag:s10] =	ssyncset.done $0x0;
	s18 =	sadd.s32 $0x1, s18  }
0x41: {  	[sflag:s10] =	ssyncadd.s32 $0xFFFFC000;
	p0 =	sne.s32 s18, s8  }
.Ltmp2:
0x42: {  	[bflag:$0x0] =	sbarrier.arrive $0xFFFF;
	(pc) =	sbr.rel @p0 .LBB2_1-.Ltmp2, $4  }
0x43: {  	[hbm:s7], [sflag:s11] =	dma.local [spmem:s12], $0x2800  }
0x44: {  	_ =	swait.ge [sflag:s10], $0x2800  }
0x45: {  	[sflag:s10] =	ssyncset.done $0x0  }
0x46: {  	[sflag:s10] =	ssyncadd.s32 $0xFFFFD800  }
0x47: {  	_ =	sfence.sel $0x180000  }
0x48: {  	[bflag:$0x0] =	sbarrier.arrive $0xFFFF  }
0x49: {  	p0 =	sne.s32 s0, $0x0;
	_ =	strace $0x90000047  }
0x4a: {  	s0 =	sadd.s32 @!p0 $0x100000, s1;
	[bflag:$0x2] =	sbarrier.arrive $0xFFFF  }
0x4b: {  	[sflag:s0] =	ssyncadd.tile.s32 @!p0 $0x1;
	_ =	shalt  }
.Lfunc_end2:
_tile_overlayer_lowered:
.L_overlay_start_2:
0x4c: {  	(tag) =	ssettag $0x2  }
0x4d: {  	s0 =	rddreg [dreg:$0x0];
	s2 =	stileid.u32  }
0x4e: {  	s1 =	rddreg [dreg:$0x1];
	p0 =	sne.s32 s2, $0x0  }
0x4f: {  	s3 =	rddreg [dreg:$0x2];
	[bflag:$0x3] =	sbarrier.arrive $0xFFFF;
	s2 =	simm.s32 @!p0 $0x1C01  }
0x50: {  	[timem:s3], [sflag:s2] =	dma.local @!p0 [hbm:s0], s1  }
0x51: {  	s0 =	simm.s32 @!p0 $0x1  }
0x52: {  	_ =	swait.ge @!p0 [sflag:s0], s1  }
0x53: {  	s1 =	ssub.s32 @!p0 $0x0, s1;
	[sflag:s0] =	ssyncset.done @!p0 $0x0  }
0x54: {  	[sflag:s0] =	ssyncadd.s32 @!p0 s1  }
0x55: {  	[bflag:$0x3] =	sbarrier.arrive $0xFFFF  }
0x56: {  	_ =	shalt  }

</sc_bundles>
